<compile_context>
chip_gen: v7x
topology: tpu7x:2x2x1
jax: 0.10.2.dev20260603
libtpu: 0.0.44.dev20260713+nightly
codegen_flags: <defaults>
</compile_context>

<pallas_src>
import functools

import jax
import jax.numpy as jnp
from jax import lax
from jax.experimental import pallas as pl
from jax.experimental.pallas import tpu as pltpu
from jax.experimental.pallas import tpu_sc as plsc

N_NODES = 10000
N_EDGES = 2500
N_PAIRS = 320000
D = 128

NC = 2
NS = 16
CH = 80
NW = NC * NS
RPW = N_PAIRS // NW // CH
RPT = 2 * RPW
BLK = 25
NBLK = RPW // BLK
PPW = N_PAIRS // NW
IBLK = PPW // NBLK
GCH = 400
GPB = IBLK // GCH
ECH = 160
EPB = 12
ETAIL = IBLK - EPB * ECH

NPAD = 10240
EPAD = 2560
NV_T = NPAD // NS
NE_T = EPAD // NS

_mesh = plsc.VectorSubcoreMesh(
    core_axis_name="c", subcore_axis_name="s", num_cores=NC, num_subcores=NS)


PPT = N_PAIRS // NS


def _deg_side(idx_hbm, deg_sh, inv_out, span, idx_v, ones_v, buf_v, s):
    pltpu.sync_copy(buf_v.at[pl.ds(0, span)], deg_sh.at[pl.ds(s * span, span)])
    pltpu.sync_copy(idx_hbm.at[pl.ds(s * PPT, PPT)], idx_v)
    plsc.subcore_barrier()
    pltpu.sync_copy(ones_v, deg_sh.at[idx_v], add=True)
    plsc.subcore_barrier()
    pltpu.sync_copy(deg_sh.at[pl.ds(s * span, span)], buf_v.at[pl.ds(0, span)])
    for k in range(span // 16):
        d = buf_v[pl.ds(k * 16, 16)]
        buf_v[pl.ds(k * 16, 16)] = jnp.where(
            d > 0.0, 1.0 / jnp.maximum(d, 1.0), 0.0)
    pltpu.sync_copy(buf_v.at[pl.ds(0, span)], inv_out.at[pl.ds(s * span, span)])


@functools.partial(
    pl.kernel,
    out_type=(jax.ShapeDtypeStruct((NPAD,), jnp.float32),
              jax.ShapeDtypeStruct((EPAD,), jnp.float32)),
    mesh=_mesh,
    compiler_params=pltpu.CompilerParams(use_tc_tiling_on_sc=False),
    scratch_types=[
        pltpu.VMEM_SHARED((NPAD,), jnp.float32),
        pltpu.VMEM_SHARED((EPAD,), jnp.float32),
        pltpu.VMEM((PPT,), jnp.int32),
        pltpu.VMEM((PPT,), jnp.float32),
        pltpu.VMEM((NV_T,), jnp.float32),
    ],
)
def _deg_kernel(vidx_hbm, eidx_hbm, ones_hbm, invv_out, inve_out,
                degv_sh, dege_sh, idx_v, ones_v, buf_v):
    c = lax.axis_index("c")
    s = lax.axis_index("s")
    pltpu.sync_copy(ones_hbm, ones_v)
    for k in range(NV_T // 16):
        buf_v[pl.ds(k * 16, 16)] = jnp.zeros((16,), jnp.float32)

    @pl.when(c == 0)
    def _():
        _deg_side(vidx_hbm, degv_sh, invv_out, NV_T, idx_v, ones_v, buf_v, s)

    @pl.when(c == 1)
    def _():
        _deg_side(eidx_hbm, dege_sh, inve_out, NE_T, idx_v, ones_v, buf_v, s)


@functools.partial(
    pl.kernel,
    out_type=jax.ShapeDtypeStruct((NC, EPAD, D), jnp.float32),
    mesh=_mesh,
    compiler_params=pltpu.CompilerParams(use_tc_tiling_on_sc=False),
    scratch_types=[
        pltpu.VMEM_SHARED((EPAD, D), jnp.float32),
        pltpu.VMEM((IBLK,), jnp.int32),
        pltpu.VMEM((IBLK,), jnp.int32),
        pltpu.VMEM((GCH, D), jnp.float32),
        pltpu.VMEM((GCH, D), jnp.float32),
        pltpu.SemaphoreType.DMA,
        pltpu.SemaphoreType.DMA,
    ],
)
def _v2e_kernel(xn_hbm, vidx_hbm, eidx_hbm, zeros_hbm, parts_out,
                acc_sh, vidx_v, eidx_v, rows_a, rows_b, sem, ssem):
    c = lax.axis_index("c")
    s = lax.axis_index("s")
    w = c * NS + s
    pltpu.sync_copy(zeros_hbm.at[pl.ds(0, NE_T)],
                    acc_sh.at[pl.ds(s * NE_T, NE_T)])
    plsc.subcore_barrier()

    def block(b, carry):
        pltpu.sync_copy(vidx_hbm.at[w, pl.ds(b * IBLK, IBLK)], vidx_v)
        pltpu.sync_copy(eidx_hbm.at[w, pl.ds(b * IBLK, IBLK)], eidx_v)
        pltpu.async_copy(xn_hbm.at[vidx_v.at[pl.ds(0, GCH)]], rows_a, sem)

        def step(j, carry2):
            @pl.when(j % 2 == 0)
            def _():
                pltpu.make_async_copy(
                    xn_hbm.at[vidx_v.at[pl.ds(j * GCH, GCH)]],
                    rows_a, sem).wait()

                @pl.when(j > 0)
                def _():
                    pltpu.make_async_copy(
                        rows_b, acc_sh.at[pl.ds(0, GCH)], ssem).wait()

                @pl.when(j < GPB - 1)
                def _():
                    pltpu.async_copy(
                        xn_hbm.at[vidx_v.at[pl.ds((j + 1) * GCH, GCH)]],
                        rows_b, sem)

                pltpu.async_copy(
                    rows_a, acc_sh.at[eidx_v.at[pl.ds(j * GCH, GCH)]],
                    ssem, add=True)

            @pl.when(j % 2 == 1)
            def _():
                pltpu.make_async_copy(
                    xn_hbm.at[vidx_v.at[pl.ds(j * GCH, GCH)]],
                    rows_b, sem).wait()
                pltpu.make_async_copy(
                    rows_a, acc_sh.at[pl.ds(0, GCH)], ssem).wait()

                @pl.when(j < GPB - 1)
                def _():
                    pltpu.async_copy(
                        xn_hbm.at[vidx_v.at[pl.ds((j + 1) * GCH, GCH)]],
                        rows_a, sem)

                pltpu.async_copy(
                    rows_b, acc_sh.at[eidx_v.at[pl.ds(j * GCH, GCH)]],
                    ssem, add=True)

            return carry2

        lax.fori_loop(0, GPB, step, 0)
        pltpu.make_async_copy(rows_a, acc_sh.at[pl.ds(0, GCH)], ssem).wait()
        return carry

    lax.fori_loop(0, NBLK, block, 0)
    plsc.subcore_barrier()
    pltpu.sync_copy(acc_sh.at[pl.ds(s * NE_T, NE_T)],
                    parts_out.at[c, pl.ds(s * NE_T, NE_T)])


@functools.partial(
    pl.kernel,
    out_type=jax.ShapeDtypeStruct((NC, NPAD, D), jnp.float32),
    mesh=_mesh,
    compiler_params=pltpu.CompilerParams(use_tc_tiling_on_sc=False),
    scratch_types=[
        pltpu.VMEM_SHARED((NPAD, D), jnp.float32),
        pltpu.VMEM((IBLK,), jnp.int32),
        pltpu.VMEM((IBLK,), jnp.int32),
        pltpu.VMEM((ECH, D), jnp.float32),
        pltpu.VMEM((ECH, D), jnp.float32),
        pltpu.SemaphoreType.DMA,
        pltpu.SemaphoreType.DMA,
    ],
)
def _e2v_kernel(en_hbm, vidx_hbm, eidx_hbm, zeros_hbm, parts_out,
                acc_sh, vidx_v, eidx_v, rows_a, rows_b, sem, ssem):
    c = lax.axis_index("c")
    s = lax.axis_index("s")
    w = c * NS + s
    pltpu.sync_copy(zeros_hbm.at[pl.ds(0, NV_T)],
                    acc_sh.at[pl.ds(s * NV_T, NV_T)])
    plsc.subcore_barrier()

    def block(b, carry):
        pltpu.sync_copy(vidx_hbm.at[w, pl.ds(b * IBLK, IBLK)], vidx_v)
        pltpu.sync_copy(eidx_hbm.at[w, pl.ds(b * IBLK, IBLK)], eidx_v)
        pltpu.async_copy(en_hbm.at[eidx_v.at[pl.ds(0, ECH)]], rows_a, sem)

        def step(j, carry2):
            @pl.when(j % 2 == 0)
            def _():
                pltpu.make_async_copy(
                    en_hbm.at[eidx_v.at[pl.ds(j * ECH, ECH)]],
                    rows_a, sem).wait()

                @pl.when(j > 0)
                def _():
                    pltpu.make_async_copy(
                        rows_b, acc_sh.at[pl.ds(0, ECH)], ssem).wait()

                @pl.when(j < EPB - 1)
                def _():
                    pltpu.async_copy(
                        en_hbm.at[eidx_v.at[pl.ds((j + 1) * ECH, ECH)]],
                        rows_b, sem)

                pltpu.async_copy(
                    rows_a, acc_sh.at[vidx_v.at[pl.ds(j * ECH, ECH)]],
                    ssem, add=True)

            @pl.when(j % 2 == 1)
            def _():
                pltpu.make_async_copy(
                    en_hbm.at[eidx_v.at[pl.ds(j * ECH, ECH)]],
                    rows_b, sem).wait()
                pltpu.make_async_copy(
                    rows_a, acc_sh.at[pl.ds(0, ECH)], ssem).wait()

                @pl.when(j < EPB - 1)
                def _():
                    pltpu.async_copy(
                        en_hbm.at[eidx_v.at[pl.ds((j + 1) * ECH, ECH)]],
                        rows_a, sem)

                @pl.when(j == EPB - 1)
                def _():
                    pltpu.async_copy(
                        en_hbm.at[eidx_v.at[pl.ds(EPB * ECH, ETAIL)]],
                        rows_a.at[pl.ds(0, ETAIL)], sem)

                pltpu.async_copy(
                    rows_b, acc_sh.at[vidx_v.at[pl.ds(j * ECH, ECH)]],
                    ssem, add=True)

            return carry2

        lax.fori_loop(0, EPB, step, 0)
        pltpu.make_async_copy(
            en_hbm.at[eidx_v.at[pl.ds(EPB * ECH, ETAIL)]],
            rows_a.at[pl.ds(0, ETAIL)], sem).wait()
        pltpu.make_async_copy(rows_b, acc_sh.at[pl.ds(0, ECH)], ssem).wait()
        pltpu.async_copy(
            rows_a.at[pl.ds(0, ETAIL)],
            acc_sh.at[vidx_v.at[pl.ds(EPB * ECH, ETAIL)]], ssem, add=True)
        pltpu.make_async_copy(
            rows_a.at[pl.ds(0, ETAIL)], acc_sh.at[pl.ds(0, ETAIL)],
            ssem).wait()
        return carry

    lax.fori_loop(0, NBLK, block, 0)
    plsc.subcore_barrier()
    pltpu.sync_copy(acc_sh.at[pl.ds(s * NV_T, NV_T)],
                    parts_out.at[c, pl.ds(s * NV_T, NV_T)])


def _xnorm_body(x_ref, iv_ref, o_ref):
    o_ref[...] = x_ref[...] * iv_ref[...]


_xnorm = pl.pallas_call(
    _xnorm_body,
    grid=(10,),
    in_specs=[pl.BlockSpec((1000, D), lambda i: (i, 0)),
              pl.BlockSpec((1000, 1), lambda i: (i, 0))],
    out_specs=pl.BlockSpec((1000, D), lambda i: (i, 0)),
    out_shape=jax.ShapeDtypeStruct((NPAD, D), jnp.float32),
)


def _ecomb_body(p_ref, iv_ref, ef_ref, en_ref):
    ef = p_ref[0] + p_ref[1]
    ef_ref[...] = ef[:N_EDGES]
    en_ref[...] = ef * iv_ref[...]


_ecomb = pl.pallas_call(
    _ecomb_body,
    grid=(1,),
    in_specs=[pl.BlockSpec((2, EPAD, D), lambda i: (0, 0, 0)),
              pl.BlockSpec((EPAD, 1), lambda i: (0, 0))],
    out_specs=[pl.BlockSpec((N_EDGES, D), lambda i: (0, 0)),
               pl.BlockSpec((EPAD, D), lambda i: (0, 0))],
    out_shape=[jax.ShapeDtypeStruct((N_EDGES, D), jnp.float32),
               jax.ShapeDtypeStruct((EPAD, D), jnp.float32)],
)


def _ncomb_body(p_ref, o_ref):
    o_ref[...] = p_ref[0] + p_ref[1]


_ncomb = pl.pallas_call(
    _ncomb_body,
    grid=(10,),
    in_specs=[pl.BlockSpec((2, 1000, D), lambda i: (0, i, 0))],
    out_specs=pl.BlockSpec((1000, D), lambda i: (i, 0)),
    out_shape=jax.ShapeDtypeStruct((N_NODES, D), jnp.float32),
)


def kernel(X, vertex_idx, edge_idx):
    vi1 = vertex_idx.astype(jnp.int32)
    ei1 = edge_idx.astype(jnp.int32)
    vi2 = vi1.reshape(NW, PPW)
    ei2 = ei1.reshape(NW, PPW)
    zeros = jnp.zeros((NV_T, D), jnp.float32)
    ones = jnp.ones((PPT,), jnp.float32)

    invv_p, inve_p = _deg_kernel(vi1, ei1, ones)

    xn = _xnorm(X.astype(jnp.float32), invv_p[:N_NODES].reshape(N_NODES, 1))
    eparts = _v2e_kernel(xn, vi2, ei2, zeros)
    edge_feat, en_pad = _ecomb(eparts, inve_p.reshape(EPAD, 1))

    nparts = _e2v_kernel(en_pad, vi2, ei2, zeros)
    node_feat = _ncomb(nparts)
    return node_feat, edge_feat

# --- scband reference (transcript-rebuilt; emitter-appended) ---
"""Pipeline reference for scband-hyper-diffusion-56203942036041 (READ-ONLY COPY).

The authoritative reference and input builder live on the scoring server;
editing this copy changes nothing except your own understanding.
"""

import jax, jax.numpy as jnp
import numpy as np

N_NODES = 10000
N_PAIRS = 320000
N_EDGES = 2500
D_FEAT = 128


def setup_inputs(seed: int = 0) -> dict:
    key = jax.random.key(seed)
    k1, k2, k3 = jax.random.split(key, 3)
    X = jax.random.normal(k1, (N_NODES, D_FEAT), dtype=jnp.float32)
    vertex_idx = jax.random.randint(k2, (N_PAIRS,), 0, N_NODES, dtype=jnp.int64)
    edge_idx = jax.random.randint(k3, (N_PAIRS,), 0, N_EDGES, dtype=jnp.int64)
    return {"X": X, "vertex_idx": vertex_idx, "edge_idx": edge_idx}


def reference(X, vertex_idx, edge_idx):
    # HyperDiffusion with fixed_weights=True, trainable_laziness=False.
    # Hypergraph represented as incidence pairs (vertex_idx[p], edge_idx[p]).
    N = X.shape[0]
    E = N_EDGES
    # D_v^{-1}: inverse vertex degree (number of hyperedges containing v),
    # nan_to_num -> zeros for isolated vertices
    deg_v = jnp.bincount(vertex_idx, length=N).astype(X.dtype)
    inv_deg_v = jnp.where(deg_v > 0, 1.0 / jnp.maximum(deg_v, 1.0), 0.0)
    # X_norm = einsum('ij,i->ij', X, inv_deg_v)
    X_norm = X * inv_deg_v[:, None]
    # v2e with aggr='sum': scatter-add vertex features into hyperedges
    edge_feat = jax.ops.segment_sum(X_norm[vertex_idx], edge_idx, num_segments=E)
    # D_e^{-1}: inverse hyperedge degree (number of vertices in e)
    deg_e = jnp.bincount(edge_idx, length=E).astype(X.dtype)
    inv_deg_e = jnp.where(deg_e > 0, 1.0 / jnp.maximum(deg_e, 1.0), 0.0)
    edge_feat_norm = edge_feat * inv_deg_e[:, None]
    # e2v with aggr='sum': scatter-add hyperedge features back to vertices
    node_feat = jax.ops.segment_sum(edge_feat_norm[edge_idx], vertex_idx, num_segments=N)
    return (node_feat, edge_feat)

if __name__ == "__main__":
    import jax
    _d = setup_inputs()
    print(jax.jit(kernel)(*tuple(_d.values())))

</pallas_src>

<mosaic_0001>
#map = affine_map<(d0, d1) -> (0, 0)>
#map1 = affine_map<(d0, d1) -> (0, 0, 0)>
module attributes {stable_mosaic.version = 14 : i64} {
  func.func @_e2v_kernel(%arg0: i32, %arg1: i32, %arg2: memref<2560x128xf32, #tpu.memory_space<hbm>>, %arg3: memref<32x10000xi32, #tpu.memory_space<hbm>>, %arg4: memref<32x10000xi32, #tpu.memory_space<hbm>>, %arg5: memref<640x128xf32, #tpu.memory_space<hbm>>, %arg6: memref<2x10240x128xf32, #tpu.memory_space<hbm>>, %arg7: memref<10240x128xf32, #tpu.memory_space<vmem_shared>>, %arg8: memref<2000xi32, #tpu.memory_space<vmem>>, %arg9: memref<2000xi32, #tpu.memory_space<vmem>>, %arg10: memref<160x128xf32, #tpu.memory_space<vmem>>, %arg11: memref<160x128xf32, #tpu.memory_space<vmem>>, %arg12: memref<!tpu.dma_semaphore, #tpu.memory_space<semaphore_mem>>, %arg13: memref<!tpu.dma_semaphore, #tpu.memory_space<semaphore_mem>>) attributes {dimension_semantics = [#tpu.dimension_semantics<core_parallel>, #tpu.dimension_semantics<subcore_parallel>], iteration_bounds = array<i64: 2, 16>, scalar_prefetch = 0 : i64, scratch_operands = 7 : i64, tpu.core_type = #tpu.core_type<sc_vector_subcore>, window_params = [{transform_indices = #map}, {transform_indices = #map}, {transform_indices = #map}, {transform_indices = #map}, {transform_indices = #map1}]} {
    %mul3A = arith.constant 16 : i32
    %mul3A_0 = arith.muli %arg0, %mul3A : i32
    %add3A = arith.addi %mul3A_0, %arg1 : i32
    %mul3A_1 = arith.constant 640 : i32
    %mul3A_2 = arith.muli %arg1, %mul3A_1 : i32
    "tpu.region"() ({
      %run_scoped3A = tpu.sem_alloc : memref<!tpu.dma_semaphore, #tpu.memory_space<semaphore_mem>>
      %dma_start3A = arith.constant 0 : i32
      %dma_start3A_13 = tpu.memref_slice %arg7[%mul3A_2, %dma_start3A] : memref<10240x128xf32, #tpu.memory_space<vmem_shared>> -> memref<640x128xf32, #tpu.memory_space<vmem_shared>>
      %dma_start3A_14 = arith.constant 0 : i32
      %dma_start3A_15 = arith.constant 0 : i32
      %dma_start3A_16 = tpu.memref_slice %arg5[%dma_start3A_14, %dma_start3A_15] : memref<640x128xf32, #tpu.memory_space<hbm>> -> memref<640x128xf32, #tpu.memory_space<hbm>>
      tpu.enqueue_dma source(%dma_start3A_16 : memref<640x128xf32, #tpu.memory_space<hbm>>) target(%dma_start3A_13 : memref<640x128xf32, #tpu.memory_space<vmem_shared>>) target_semaphore(%run_scoped3A : memref<!tpu.dma_semaphore, #tpu.memory_space<semaphore_mem>>)
      %dma_wait3A = arith.constant 0 : i32
      %dma_wait3A_17 = tpu.memref_slice %arg7[%mul3A_2, %dma_wait3A] : memref<10240x128xf32, #tpu.memory_space<vmem_shared>> -> memref<640x128xf32, #tpu.memory_space<vmem_shared>>
      %dma_wait3A_18 = arith.constant 0 : i32
      %dma_wait3A_19 = arith.constant 0 : i32
      %dma_wait3A_20 = tpu.memref_slice %arg5[%dma_wait3A_18, %dma_wait3A_19] : memref<640x128xf32, #tpu.memory_space<hbm>> -> memref<640x128xf32, #tpu.memory_space<hbm>>
      tpu.wait_dma2 semaphore(%run_scoped3A : memref<!tpu.dma_semaphore, #tpu.memory_space<semaphore_mem>>) src(%dma_wait3A_20 : memref<640x128xf32, #tpu.memory_space<hbm>>) dst(%dma_wait3A_17 : memref<640x128xf32, #tpu.memory_space<vmem_shared>>)
      tpu.yield
    }) : () -> ()
    %barrier3A = arith.constant 0 : index
    tpu.barrier barrier_id(%barrier3A)
    %scan3A = arith.constant 0 : i32
    %scan3A_3 = arith.constant 0 : i32
    %scan3A_4 = arith.constant 5 : i32
    %scan3A_5 = arith.addi %scan3A_3, %scan3A_4 : i32
    %scan3A_6 = arith.constant 1 : i32
    scf.for %scan3A_13 = %scan3A_3 to %scan3A_5 step %scan3A_6  : i32 {
      %mul3A_14 = arith.constant 2000 : i32
      %mul3A_15 = arith.muli %scan3A_13, %mul3A_14 : i32
      "tpu.region"() ({
        %run_scoped3A = tpu.sem_alloc : memref<!tpu.dma_semaphore, #tpu.memory_space<semaphore_mem>>
        %dma_start3A_61 = tpu.memref_slice %arg3[%add3A, %mul3A_15] : memref<32x10000xi32, #tpu.memory_space<hbm>> -> memref<1x2000xi32, #tpu.memory_space<hbm>>
        %dma_start3A_62 = tpu.memref_squeeze %dma_start3A_61 : memref<1x2000xi32, #tpu.memory_space<hbm>> -> memref<2000xi32, #tpu.memory_space<hbm>>
        %dma_start3A_63 = tpu.memref_slice %arg3[%add3A, %mul3A_15] : memref<32x10000xi32, #tpu.memory_space<hbm>> -> memref<1x2000xi32, #tpu.memory_space<hbm>>
        %dma_start3A_64 = tpu.memref_squeeze %dma_start3A_63 : memref<1x2000xi32, #tpu.memory_space<hbm>> -> memref<2000xi32, #tpu.memory_space<hbm>>
        tpu.enqueue_dma source(%dma_start3A_64 : memref<2000xi32, #tpu.memory_space<hbm>>) target(%arg8 : memref<2000xi32, #tpu.memory_space<vmem>>) target_semaphore(%run_scoped3A : memref<!tpu.dma_semaphore, #tpu.memory_space<semaphore_mem>>)
        %dma_wait3A_65 = tpu.memref_slice %arg3[%add3A, %mul3A_15] : memref<32x10000xi32, #tpu.memory_space<hbm>> -> memref<1x2000xi32, #tpu.memory_space<hbm>>
        %dma_wait3A_66 = tpu.memref_squeeze %dma_wait3A_65 : memref<1x2000xi32, #tpu.memory_space<hbm>> -> memref<2000xi32, #tpu.memory_space<hbm>>
        %dma_wait3A_67 = tpu.memref_slice %arg3[%add3A, %mul3A_15] : memref<32x10000xi32, #tpu.memory_space<hbm>> -> memref<1x2000xi32, #tpu.memory_space<hbm>>
        %dma_wait3A_68 = tpu.memref_squeeze %dma_wait3A_67 : memref<1x2000xi32, #tpu.memory_space<hbm>> -> memref<2000xi32, #tpu.memory_space<hbm>>
        tpu.wait_dma2 semaphore(%run_scoped3A : memref<!tpu.dma_semaphore, #tpu.memory_space<semaphore_mem>>) src(%dma_wait3A_68 : memref<2000xi32, #tpu.memory_space<hbm>>) dst(%arg8 : memref<2000xi32, #tpu.memory_space<vmem>>)
        tpu.yield
      }) : () -> ()
      %mul3A_16 = arith.constant 2000 : i32
      %mul3A_17 = arith.muli %scan3A_13, %mul3A_16 : i32
      "tpu.region"() ({
        %run_scoped3A = tpu.sem_alloc : memref<!tpu.dma_semaphore, #tpu.memory_space<semaphore_mem>>
        %dma_start3A_61 = tpu.memref_slice %arg4[%add3A, %mul3A_17] : memref<32x10000xi32, #tpu.memory_space<hbm>> -> memref<1x2000xi32, #tpu.memory_space<hbm>>
        %dma_start3A_62 = tpu.memref_squeeze %dma_start3A_61 : memref<1x2000xi32, #tpu.memory_space<hbm>> -> memref<2000xi32, #tpu.memory_space<hbm>>
        %dma_start3A_63 = tpu.memref_slice %arg4[%add3A, %mul3A_17] : memref<32x10000xi32, #tpu.memory_space<hbm>> -> memref<1x2000xi32, #tpu.memory_space<hbm>>
        %dma_start3A_64 = tpu.memref_squeeze %dma_start3A_63 : memref<1x2000xi32, #tpu.memory_space<hbm>> -> memref<2000xi32, #tpu.memory_space<hbm>>
        tpu.enqueue_dma source(%dma_start3A_64 : memref<2000xi32, #tpu.memory_space<hbm>>) target(%arg9 : memref<2000xi32, #tpu.memory_space<vmem>>) target_semaphore(%run_scoped3A : memref<!tpu.dma_semaphore, #tpu.memory_space<semaphore_mem>>)
        %dma_wait3A_65 = tpu.memref_slice %arg4[%add3A, %mul3A_17] : memref<32x10000xi32, #tpu.memory_space<hbm>> -> memref<1x2000xi32, #tpu.memory_space<hbm>>
        %dma_wait3A_66 = tpu.memref_squeeze %dma_wait3A_65 : memref<1x2000xi32, #tpu.memory_space<hbm>> -> memref<2000xi32, #tpu.memory_space<hbm>>
        %dma_wait3A_67 = tpu.memref_slice %arg4[%add3A, %mul3A_17] : memref<32x10000xi32, #tpu.memory_space<hbm>> -> memref<1x2000xi32, #tpu.memory_space<hbm>>
        %dma_wait3A_68 = tpu.memref_squeeze %dma_wait3A_67 : memref<1x2000xi32, #tpu.memory_space<hbm>> -> memref<2000xi32, #tpu.memory_space<hbm>>
        tpu.wait_dma2 semaphore(%run_scoped3A : memref<!tpu.dma_semaphore, #tpu.memory_space<semaphore_mem>>) src(%dma_wait3A_68 : memref<2000xi32, #tpu.memory_space<hbm>>) dst(%arg9 : memref<2000xi32, #tpu.memory_space<vmem>>)
        tpu.yield
      }) : () -> ()
      %dma_start3A = arith.constant 0 : i32
      %dma_start3A_18 = tpu.memref_slice %arg9[%dma_start3A] : memref<2000xi32, #tpu.memory_space<vmem>> -> memref<160xi32, #tpu.memory_space<vmem>>
      %dma_start3A_19 = arith.constant 0 : i32
      %dma_start3A_20 = arith.constant 0 : i32
      %dma_start3A_21 = tpu.memref_slice %arg2[%dma_start3A_19, %dma_start3A_20] : memref<2560x128xf32, #tpu.memory_space<hbm>> -> memref<2560x128xf32, #tpu.memory_space<hbm>>
      tpu.enqueue_indirect_dma source(%dma_start3A_21 : memref<2560x128xf32, #tpu.memory_space<hbm>>) target(%arg10 : memref<160x128xf32, #tpu.memory_space<vmem>>) offsets(%dma_start3A_18 : memref<160xi32, #tpu.memory_space<vmem>>) semaphore(%arg12 : memref<!tpu.dma_semaphore, #tpu.memory_space<semaphore_mem>>)
      %scan3A_22 = arith.constant 0 : i32
      %scan3A_23 = arith.constant 0 : i32
      %scan3A_24 = arith.constant 12 : i32
      %scan3A_25 = arith.addi %scan3A_23, %scan3A_24 : i32
      %scan3A_26 = arith.constant 1 : i32
      scf.for %scan3A_61 = %scan3A_23 to %scan3A_25 step %scan3A_26  : i32 {
        %jit3A = arith.constant 2 : i32
        %eq3A = arith.constant 0 : i32
        %eq3A_62 = arith.cmpi eq, %jit3A, %eq3A : i32
        %jit3A_63 = arith.constant 1 : i32
        %select_n3A = arith.select %eq3A_62, %jit3A_63, %jit3A : i32
        %rem3A = arith.remsi %scan3A_61, %select_n3A : i32
        %ne3A = arith.constant 0 : i32
        %ne3A_64 = arith.cmpi ne, %rem3A, %ne3A : i32
        %lt3A = arith.constant 0 : i32
        %lt3A_65 = arith.cmpi slt, %rem3A, %lt3A : i32
        %lt3A_66 = arith.constant 0 : i32
        %lt3A_67 = arith.cmpi slt, %select_n3A, %lt3A_66 : i32
        %ne3A_68 = arith.xori %lt3A_65, %lt3A_67 : i1
        %and3A = arith.andi %ne3A_68, %ne3A_64 : i1
        %add3A_69 = arith.addi %rem3A, %select_n3A : i32
        %select_n3A_70 = arith.select %and3A, %add3A_69, %rem3A : i32
        %eq3A_71 = arith.constant 0 : i32
        %eq3A_72 = arith.cmpi eq, %select_n3A_70, %eq3A_71 : i32
        %convert_element_type3A = arith.extui %eq3A_72 : i1 to i32
        %cond3A = arith.constant 0 : i32
        %cond3A_73 = arith.cmpi ne, %convert_element_type3A, %cond3A : i32
        scf.if %cond3A_73 {
          %mul3A_95 = arith.constant 160 : i32
          %mul3A_96 = arith.muli %scan3A_61, %mul3A_95 : i32
          %dma_wait3A_97 = tpu.memref_slice %arg9[%mul3A_96] : memref<2000xi32, #tpu.memory_space<vmem>> -> memref<160xi32, #tpu.memory_space<vmem>>
          %dma_wait3A_98 = arith.constant 0 : i32
          %dma_wait3A_99 = arith.constant 0 : i32
          %dma_wait3A_100 = tpu.memref_slice %arg2[%dma_wait3A_98, %dma_wait3A_99] : memref<2560x128xf32, #tpu.memory_space<hbm>> -> memref<2560x128xf32, #tpu.memory_space<hbm>>
          tpu.wait_indirect_dma semaphore(%arg12 : memref<!tpu.dma_semaphore, #tpu.memory_space<semaphore_mem>>) src(%dma_wait3A_100 : memref<2560x128xf32, #tpu.memory_space<hbm>>) dst(%arg10 : memref<160x128xf32, #tpu.memory_space<vmem>>)
          %gt3A = arith.constant 0 : i32
          %gt3A_101 = arith.cmpi sgt, %scan3A_61, %gt3A : i32
          %convert_element_type3A_102 = arith.extui %gt3A_101 : i1 to i32
          %cond3A_103 = arith.constant 0 : i32
          %cond3A_104 = arith.cmpi ne, %convert_element_type3A_102, %cond3A_103 : i32
          scf.if %cond3A_104 {
            %dma_wait3A_116 = arith.constant 0 : i32
            %dma_wait3A_117 = arith.constant 0 : i32
            %dma_wait3A_118 = tpu.memref_slice %arg7[%dma_wait3A_116, %dma_wait3A_117] : memref<10240x128xf32, #tpu.memory_space<vmem_shared>> -> memref<160x128xf32, #tpu.memory_space<vmem_shared>>
            %dma_wait3A_119 = arith.constant 0 : i32
            %dma_wait3A_120 = arith.constant 0 : i32
            %dma_wait3A_121 = tpu.memref_slice %arg7[%dma_wait3A_119, %dma_wait3A_120] : memref<10240x128xf32, #tpu.memory_space<vmem_shared>> -> memref<160x128xf32, #tpu.memory_space<vmem_shared>>
            tpu.wait_dma2 semaphore(%arg13 : memref<!tpu.dma_semaphore, #tpu.memory_space<semaphore_mem>>) src(%arg11 : memref<160x128xf32, #tpu.memory_space<vmem>>) dst(%dma_wait3A_121 : memref<160x128xf32, #tpu.memory_space<vmem_shared>>)
          } else {
          }
          %lt3A_105 = arith.constant 11 : i32
          %lt3A_106 = arith.cmpi slt, %scan3A_61, %lt3A_105 : i32
          %convert_element_type3A_107 = arith.extui %lt3A_106 : i1 to i32
          %cond3A_108 = arith.constant 0 : i32
          %cond3A_109 = arith.cmpi ne, %convert_element_type3A_107, %cond3A_108 : i32
          scf.if %cond3A_109 {
            %add3A_116 = arith.constant 1 : i32
            %add3A_117 = arith.addi %scan3A_61, %add3A_116 : i32
            %mul3A_118 = arith.constant 160 : i32
            %mul3A_119 = arith.muli %add3A_117, %mul3A_118 : i32
            %dma_start3A_120 = tpu.memref_slice %arg9[%mul3A_119] : memref<2000xi32, #tpu.memory_space<vmem>> -> memref<160xi32, #tpu.memory_space<vmem>>
            %dma_start3A_121 = arith.constant 0 : i32
            %dma_start3A_122 = arith.constant 0 : i32
            %dma_start3A_123 = tpu.memref_slice %arg2[%dma_start3A_121, %dma_start3A_122] : memref<2560x128xf32, #tpu.memory_space<hbm>> -> memref<2560x128xf32, #tpu.memory_space<hbm>>
            tpu.enqueue_indirect_dma source(%dma_start3A_123 : memref<2560x128xf32, #tpu.memory_space<hbm>>) target(%arg11 : memref<160x128xf32, #tpu.memory_space<vmem>>) offsets(%dma_start3A_120 : memref<160xi32, #tpu.memory_space<vmem>>) semaphore(%arg12 : memref<!tpu.dma_semaphore, #tpu.memory_space<semaphore_mem>>)
          } else {
          }
          %mul3A_110 = arith.constant 160 : i32
          %mul3A_111 = arith.muli %scan3A_61, %mul3A_110 : i32
          %dma_start3A_112 = tpu.memref_slice %arg8[%mul3A_111] : memref<2000xi32, #tpu.memory_space<vmem>> -> memref<160xi32, #tpu.memory_space<vmem>>
          %dma_start3A_113 = arith.constant 0 : i32
          %dma_start3A_114 = arith.constant 0 : i32
          %dma_start3A_115 = tpu.memref_slice %arg7[%dma_start3A_113, %dma_start3A_114] : memref<10240x128xf32, #tpu.memory_space<vmem_shared>> -> memref<10240x128xf32, #tpu.memory_space<vmem_shared>>
          tpu.enqueue_indirect_dma source(%arg10 : memref<160x128xf32, #tpu.memory_space<vmem>>) target(%dma_start3A_115 : memref<10240x128xf32, #tpu.memory_space<vmem_shared>>) offsets(%dma_start3A_112 : memref<160xi32, #tpu.memory_space<vmem>>) semaphore(%arg13 : memref<!tpu.dma_semaphore, #tpu.memory_space<semaphore_mem>>) {add = true}
        } else {
        }
        %jit3A_74 = arith.constant 2 : i32
        %eq3A_75 = arith.constant 0 : i32
        %eq3A_76 = arith.cmpi eq, %jit3A_74, %eq3A_75 : i32
        %jit3A_77 = arith.constant 1 : i32
        %select_n3A_78 = arith.select %eq3A_76, %jit3A_77, %jit3A_74 : i32
        %rem3A_79 = arith.remsi %scan3A_61, %select_n3A_78 : i32
        %ne3A_80 = arith.constant 0 : i32
        %ne3A_81 = arith.cmpi ne, %rem3A_79, %ne3A_80 : i32
        %lt3A_82 = arith.constant 0 : i32
        %lt3A_83 = arith.cmpi slt, %rem3A_79, %lt3A_82 : i32
        %lt3A_84 = arith.constant 0 : i32
        %lt3A_85 = arith.cmpi slt, %select_n3A_78, %lt3A_84 : i32
        %ne3A_86 = arith.xori %lt3A_83, %lt3A_85 : i1
        %and3A_87 = arith.andi %ne3A_86, %ne3A_81 : i1
        %add3A_88 = arith.addi %rem3A_79, %select_n3A_78 : i32
        %select_n3A_89 = arith.select %and3A_87, %add3A_88, %rem3A_79 : i32
        %eq3A_90 = arith.constant 1 : i32
        %eq3A_91 = arith.cmpi eq, %select_n3A_89, %eq3A_90 : i32
        %convert_element_type3A_92 = arith.extui %eq3A_91 : i1 to i32
        %cond3A_93 = arith.constant 0 : i32
        %cond3A_94 = arith.cmpi ne, %convert_element_type3A_92, %cond3A_93 : i32
        scf.if %cond3A_94 {
          %mul3A_95 = arith.constant 160 : i32
          %mul3A_96 = arith.muli %scan3A_61, %mul3A_95 : i32
          %dma_wait3A_97 = tpu.memref_slice %arg9[%mul3A_96] : memref<2000xi32, #tpu.memory_space<vmem>> -> memref<160xi32, #tpu.memory_space<vmem>>
          %dma_wait3A_98 = arith.constant 0 : i32
          %dma_wait3A_99 = arith.constant 0 : i32
          %dma_wait3A_100 = tpu.memref_slice %arg2[%dma_wait3A_98, %dma_wait3A_99] : memref<2560x128xf32, #tpu.memory_space<hbm>> -> memref<2560x128xf32, #tpu.memory_space<hbm>>
          tpu.wait_indirect_dma semaphore(%arg12 : memref<!tpu.dma_semaphore, #tpu.memory_space<semaphore_mem>>) src(%dma_wait3A_100 : memref<2560x128xf32, #tpu.memory_space<hbm>>) dst(%arg11 : memref<160x128xf32, #tpu.memory_space<vmem>>)
          %dma_wait3A_101 = arith.constant 0 : i32
          %dma_wait3A_102 = arith.constant 0 : i32
          %dma_wait3A_103 = tpu.memref_slice %arg7[%dma_wait3A_101, %dma_wait3A_102] : memref<10240x128xf32, #tpu.memory_space<vmem_shared>> -> memref<160x128xf32, #tpu.memory_space<vmem_shared>>
          %dma_wait3A_104 = arith.constant 0 : i32
          %dma_wait3A_105 = arith.constant 0 : i32
          %dma_wait3A_106 = tpu.memref_slice %arg7[%dma_wait3A_104, %dma_wait3A_105] : memref<10240x128xf32, #tpu.memory_space<vmem_shared>> -> memref<160x128xf32, #tpu.memory_space<vmem_shared>>
          tpu.wait_dma2 semaphore(%arg13 : memref<!tpu.dma_semaphore, #tpu.memory_space<semaphore_mem>>) src(%arg10 : memref<160x128xf32, #tpu.memory_space<vmem>>) dst(%dma_wait3A_106 : memref<160x128xf32, #tpu.memory_space<vmem_shared>>)
          %lt3A_107 = arith.constant 11 : i32
          %lt3A_108 = arith.cmpi slt, %scan3A_61, %lt3A_107 : i32
          %convert_element_type3A_109 = arith.extui %lt3A_108 : i1 to i32
          %cond3A_110 = arith.constant 0 : i32
          %cond3A_111 = arith.cmpi ne, %convert_element_type3A_109, %cond3A_110 : i32
          scf.if %cond3A_111 {
            %add3A_123 = arith.constant 1 : i32
            %add3A_124 = arith.addi %scan3A_61, %add3A_123 : i32
            %mul3A_125 = arith.constant 160 : i32
            %mul3A_126 = arith.muli %add3A_124, %mul3A_125 : i32
            %dma_start3A_127 = tpu.memref_slice %arg9[%mul3A_126] : memref<2000xi32, #tpu.memory_space<vmem>> -> memref<160xi32, #tpu.memory_space<vmem>>
            %dma_start3A_128 = arith.constant 0 : i32
            %dma_start3A_129 = arith.constant 0 : i32
            %dma_start3A_130 = tpu.memref_slice %arg2[%dma_start3A_128, %dma_start3A_129] : memref<2560x128xf32, #tpu.memory_space<hbm>> -> memref<2560x128xf32, #tpu.memory_space<hbm>>
            tpu.enqueue_indirect_dma source(%dma_start3A_130 : memref<2560x128xf32, #tpu.memory_space<hbm>>) target(%arg10 : memref<160x128xf32, #tpu.memory_space<vmem>>) offsets(%dma_start3A_127 : memref<160xi32, #tpu.memory_space<vmem>>) semaphore(%arg12 : memref<!tpu.dma_semaphore, #tpu.memory_space<semaphore_mem>>)
          } else {
          }
          %eq3A_112 = arith.constant 11 : i32
          %eq3A_113 = arith.cmpi eq, %scan3A_61, %eq3A_112 : i32
          %convert_element_type3A_114 = arith.extui %eq3A_113 : i1 to i32
          %cond3A_115 = arith.constant 0 : i32
          %cond3A_116 = arith.cmpi ne, %convert_element_type3A_114, %cond3A_115 : i32
          scf.if %cond3A_116 {
            %dma_start3A_123 = arith.constant 0 : i32
            %dma_start3A_124 = arith.constant 0 : i32
            %dma_start3A_125 = tpu.memref_slice %arg10[%dma_start3A_123, %dma_start3A_124] : memref<160x128xf32, #tpu.memory_space<vmem>> -> memref<80x128xf32, #tpu.memory_space<vmem>>
            %dma_start3A_126 = arith.constant 1920 : i32
            %dma_start3A_127 = tpu.memref_slice %arg9[%dma_start3A_126] : memref<2000xi32, #tpu.memory_space<vmem>> -> memref<80xi32, #tpu.memory_space<vmem>>
            %dma_start3A_128 = arith.constant 0 : i32
            %dma_start3A_129 = arith.constant 0 : i32
            %dma_start3A_130 = tpu.memref_slice %arg2[%dma_start3A_128, %dma_start3A_129] : memref<2560x128xf32, #tpu.memory_space<hbm>> -> memref<2560x128xf32, #tpu.memory_space<hbm>>
            tpu.enqueue_indirect_dma source(%dma_start3A_130 : memref<2560x128xf32, #tpu.memory_space<hbm>>) target(%dma_start3A_125 : memref<80x128xf32, #tpu.memory_space<vmem>>) offsets(%dma_start3A_127 : memref<80xi32, #tpu.memory_space<vmem>>) semaphore(%arg12 : memref<!tpu.dma_semaphore, #tpu.memory_space<semaphore_mem>>)
          } else {
          }
          %mul3A_117 = arith.constant 160 : i32
          %mul3A_118 = arith.muli %scan3A_61, %mul3A_117 : i32
          %dma_start3A_119 = tpu.memref_slice %arg8[%mul3A_118] : memref<2000xi32, #tpu.memory_space<vmem>> -> memref<160xi32, #tpu.memory_space<vmem>>
          %dma_start3A_120 = arith.constant 0 : i32
          %dma_start3A_121 = arith.constant 0 : i32
          %dma_start3A_122 = tpu.memref_slice %arg7[%dma_start3A_120, %dma_start3A_121] : memref<10240x128xf32, #tpu.memory_space<vmem_shared>> -> memref<10240x128xf32, #tpu.memory_space<vmem_shared>>
          tpu.enqueue_indirect_dma source(%arg11 : memref<160x128xf32, #tpu.memory_space<vmem>>) target(%dma_start3A_122 : memref<10240x128xf32, #tpu.memory_space<vmem_shared>>) offsets(%dma_start3A_119 : memref<160xi32, #tpu.memory_space<vmem>>) semaphore(%arg13 : memref<!tpu.dma_semaphore, #tpu.memory_space<semaphore_mem>>) {add = true}
        } else {
        }
      }
      %scan3A_27 = arith.constant 12 : i32
      %dma_wait3A = arith.constant 0 : i32
      %dma_wait3A_28 = arith.constant 0 : i32
      %dma_wait3A_29 = tpu.memref_slice %arg10[%dma_wait3A, %dma_wait3A_28] : memref<160x128xf32, #tpu.memory_space<vmem>> -> memref<80x128xf32, #tpu.memory_space<vmem>>
      %dma_wait3A_30 = arith.constant 1920 : i32
      %dma_wait3A_31 = tpu.memref_slice %arg9[%dma_wait3A_30] : memref<2000xi32, #tpu.memory_space<vmem>> -> memref<80xi32, #tpu.memory_space<vmem>>
      %dma_wait3A_32 = arith.constant 0 : i32
      %dma_wait3A_33 = arith.constant 0 : i32
      %dma_wait3A_34 = tpu.memref_slice %arg2[%dma_wait3A_32, %dma_wait3A_33] : memref<2560x128xf32, #tpu.memory_space<hbm>> -> memref<2560x128xf32, #tpu.memory_space<hbm>>
      tpu.wait_indirect_dma semaphore(%arg12 : memref<!tpu.dma_semaphore, #tpu.memory_space<semaphore_mem>>) src(%dma_wait3A_34 : memref<2560x128xf32, #tpu.memory_space<hbm>>) dst(%dma_wait3A_29 : memref<80x128xf32, #tpu.memory_space<vmem>>)
      %dma_wait3A_35 = arith.constant 0 : i32
      %dma_wait3A_36 = arith.constant 0 : i32
      %dma_wait3A_37 = tpu.memref_slice %arg7[%dma_wait3A_35, %dma_wait3A_36] : memref<10240x128xf32, #tpu.memory_space<vmem_shared>> -> memref<160x128xf32, #tpu.memory_space<vmem_shared>>
      %dma_wait3A_38 = arith.constant 0 : i32
      %dma_wait3A_39 = arith.constant 0 : i32
      %dma_wait3A_40 = tpu.memref_slice %arg7[%dma_wait3A_38, %dma_wait3A_39] : memref<10240x128xf32, #tpu.memory_space<vmem_shared>> -> memref<160x128xf32, #tpu.memory_space<vmem_shared>>
      tpu.wait_dma2 semaphore(%arg13 : memref<!tpu.dma_semaphore, #tpu.memory_space<semaphore_mem>>) src(%arg11 : memref<160x128xf32, #tpu.memory_space<vmem>>) dst(%dma_wait3A_40 : memref<160x128xf32, #tpu.memory_space<vmem_shared>>)
      %dma_start3A_41 = arith.constant 0 : i32
      %dma_start3A_42 = arith.constant 0 : i32
      %dma_start3A_43 = tpu.memref_slice %arg10[%dma_start3A_41, %dma_start3A_42] : memref<160x128xf32, #tpu.memory_space<vmem>> -> memref<80x128xf32, #tpu.memory_space<vmem>>
      %dma_start3A_44 = arith.constant 1920 : i32
      %dma_start3A_45 = tpu.memref_slice %arg8[%dma_start3A_44] : memref<2000xi32, #tpu.memory_space<vmem>> -> memref<80xi32, #tpu.memory_space<vmem>>
      %dma_start3A_46 = arith.constant 0 : i32
      %dma_start3A_47 = arith.constant 0 : i32
      %dma_start3A_48 = tpu.memref_slice %arg7[%dma_start3A_46, %dma_start3A_47] : memref<10240x128xf32, #tpu.memory_space<vmem_shared>> -> memref<10240x128xf32, #tpu.memory_space<vmem_shared>>
      tpu.enqueue_indirect_dma source(%dma_start3A_43 : memref<80x128xf32, #tpu.memory_space<vmem>>) target(%dma_start3A_48 : memref<10240x128xf32, #tpu.memory_space<vmem_shared>>) offsets(%dma_start3A_45 : memref<80xi32, #tpu.memory_space<vmem>>) semaphore(%arg13 : memref<!tpu.dma_semaphore, #tpu.memory_space<semaphore_mem>>) {add = true}
      %dma_wait3A_49 = arith.constant 0 : i32
      %dma_wait3A_50 = arith.constant 0 : i32
      %dma_wait3A_51 = tpu.memref_slice %arg10[%dma_wait3A_49, %dma_wait3A_50] : memref<160x128xf32, #tpu.memory_space<vmem>> -> memref<80x128xf32, #tpu.memory_space<vmem>>
      %dma_wait3A_52 = arith.constant 0 : i32
      %dma_wait3A_53 = arith.constant 0 : i32
      %dma_wait3A_54 = tpu.memref_slice %arg7[%dma_wait3A_52, %dma_wait3A_53] : memref<10240x128xf32, #tpu.memory_space<vmem_shared>> -> memref<80x128xf32, #tpu.memory_space<vmem_shared>>
      %dma_wait3A_55 = arith.constant 0 : i32
      %dma_wait3A_56 = arith.constant 0 : i32
      %dma_wait3A_57 = tpu.memref_slice %arg7[%dma_wait3A_55, %dma_wait3A_56] : memref<10240x128xf32, #tpu.memory_space<vmem_shared>> -> memref<80x128xf32, #tpu.memory_space<vmem_shared>>
      %dma_wait3A_58 = arith.constant 0 : i32
      %dma_wait3A_59 = arith.constant 0 : i32
      %dma_wait3A_60 = tpu.memref_slice %arg10[%dma_wait3A_58, %dma_wait3A_59] : memref<160x128xf32, #tpu.memory_space<vmem>> -> memref<80x128xf32, #tpu.memory_space<vmem>>
      tpu.wait_dma2 semaphore(%arg13 : memref<!tpu.dma_semaphore, #tpu.memory_space<semaphore_mem>>) src(%dma_wait3A_60 : memref<80x128xf32, #tpu.memory_space<vmem>>) dst(%dma_wait3A_57 : memref<80x128xf32, #tpu.memory_space<vmem_shared>>)
    }
    %scan3A_7 = arith.constant 5 : i32
    %barrier3A_8 = arith.constant 0 : index
    tpu.barrier barrier_id(%barrier3A_8)
    %mul3A_9 = arith.constant 640 : i32
    %mul3A_10 = arith.muli %arg1, %mul3A_9 : i32
    %mul3A_11 = arith.constant 640 : i32
    %mul3A_12 = arith.muli %arg1, %mul3A_11 : i32
    "tpu.region"() ({
      %run_scoped3A = tpu.sem_alloc : memref<!tpu.dma_semaphore, #tpu.memory_space<semaphore_mem>>
      %dma_start3A = arith.constant 0 : i32
      %dma_start3A_13 = tpu.memref_slice %arg6[%arg0, %mul3A_12, %dma_start3A] : memref<2x10240x128xf32, #tpu.memory_space<hbm>> -> memref<1x640x128xf32, #tpu.memory_space<hbm>>
      %dma_start3A_14 = tpu.memref_squeeze %dma_start3A_13 : memref<1x640x128xf32, #tpu.memory_space<hbm>> -> memref<640x128xf32, #tpu.memory_space<hbm>>
      %dma_start3A_15 = arith.constant 0 : i32
      %dma_start3A_16 = tpu.memref_slice %arg7[%mul3A_10, %dma_start3A_15] : memref<10240x128xf32, #tpu.memory_space<vmem_shared>> -> memref<640x128xf32, #tpu.memory_space<vmem_shared>>
      tpu.enqueue_dma source(%dma_start3A_16 : memref<640x128xf32, #tpu.memory_space<vmem_shared>>) target(%dma_start3A_14 : memref<640x128xf32, #tpu.memory_space<hbm>>) target_semaphore(%run_scoped3A : memref<!tpu.dma_semaphore, #tpu.memory_space<semaphore_mem>>)
      %dma_wait3A = arith.constant 0 : i32
      %dma_wait3A_17 = tpu.memref_slice %arg6[%arg0, %mul3A_12, %dma_wait3A] : memref<2x10240x128xf32, #tpu.memory_space<hbm>> -> memref<1x640x128xf32, #tpu.memory_space<hbm>>
      %dma_wait3A_18 = tpu.memref_squeeze %dma_wait3A_17 : memref<1x640x128xf32, #tpu.memory_space<hbm>> -> memref<640x128xf32, #tpu.memory_space<hbm>>
      %dma_wait3A_19 = arith.constant 0 : i32
      %dma_wait3A_20 = tpu.memref_slice %arg7[%mul3A_10, %dma_wait3A_19] : memref<10240x128xf32, #tpu.memory_space<vmem_shared>> -> memref<640x128xf32, #tpu.memory_space<vmem_shared>>
      tpu.wait_dma2 semaphore(%run_scoped3A : memref<!tpu.dma_semaphore, #tpu.memory_space<semaphore_mem>>) src(%dma_wait3A_20 : memref<640x128xf32, #tpu.memory_space<vmem_shared>>) dst(%dma_wait3A_18 : memref<640x128xf32, #tpu.memory_space<hbm>>)
      tpu.yield
    }) : () -> ()
    return
  }
}

#map = affine_map<(d0, d1) -> (0, 0)>
#map1 = affine_map<(d0, d1) -> (0, 0, 0)>
module attributes {stable_mosaic.version = 14 : i64} {
  func.func @_v2e_kernel(%arg0: i32, %arg1: i32, %arg2: memref<10240x128xf32, #tpu.memory_space<hbm>>, %arg3: memref<32x10000xi32, #tpu.memory_space<hbm>>, %arg4: memref<32x10000xi32, #tpu.memory_space<hbm>>, %arg5: memref<640x128xf32, #tpu.memory_space<hbm>>, %arg6: memref<2x2560x128xf32, #tpu.memory_space<hbm>>, %arg7: memref<2560x128xf32, #tpu.memory_space<vmem_shared>>, %arg8: memref<2000xi32, #tpu.memory_space<vmem>>, %arg9: memref<2000xi32, #tpu.memory_space<vmem>>, %arg10: memref<400x128xf32, #tpu.memory_space<vmem>>, %arg11: memref<400x128xf32, #tpu.memory_space<vmem>>, %arg12: memref<!tpu.dma_semaphore, #tpu.memory_space<semaphore_mem>>, %arg13: memref<!tpu.dma_semaphore, #tpu.memory_space<semaphore_mem>>) attributes {dimension_semantics = [#tpu.dimension_semantics<core_parallel>, #tpu.dimension_semantics<subcore_parallel>], iteration_bounds = array<i64: 2, 16>, scalar_prefetch = 0 : i64, scratch_operands = 7 : i64, tpu.core_type = #tpu.core_type<sc_vector_subcore>, window_params = [{transform_indices = #map}, {transform_indices = #map}, {transform_indices = #map}, {transform_indices = #map}, {transform_indices = #map1}]} {
    %mul3A = arith.constant 16 : i32
    %mul3A_0 = arith.muli %arg0, %mul3A : i32
    %add3A = arith.addi %mul3A_0, %arg1 : i32
    %mul3A_1 = arith.constant 160 : i32
    %mul3A_2 = arith.muli %arg1, %mul3A_1 : i32
    "tpu.region"() ({
      %run_scoped3A = tpu.sem_alloc : memref<!tpu.dma_semaphore, #tpu.memory_space<semaphore_mem>>
      %dma_start3A = arith.constant 0 : i32
      %dma_start3A_13 = tpu.memref_slice %arg7[%mul3A_2, %dma_start3A] : memref<2560x128xf32, #tpu.memory_space<vmem_shared>> -> memref<160x128xf32, #tpu.memory_space<vmem_shared>>
      %dma_start3A_14 = arith.constant 0 : i32
      %dma_start3A_15 = arith.constant 0 : i32
      %dma_start3A_16 = tpu.memref_slice %arg5[%dma_start3A_14, %dma_start3A_15] : memref<640x128xf32, #tpu.memory_space<hbm>> -> memref<160x128xf32, #tpu.memory_space<hbm>>
      tpu.enqueue_dma source(%dma_start3A_16 : memref<160x128xf32, #tpu.memory_space<hbm>>) target(%dma_start3A_13 : memref<160x128xf32, #tpu.memory_space<vmem_shared>>) target_semaphore(%run_scoped3A : memref<!tpu.dma_semaphore, #tpu.memory_space<semaphore_mem>>)
      %dma_wait3A = arith.constant 0 : i32
      %dma_wait3A_17 = tpu.memref_slice %arg7[%mul3A_2, %dma_wait3A] : memref<2560x128xf32, #tpu.memory_space<vmem_shared>> -> memref<160x128xf32, #tpu.memory_space<vmem_shared>>
      %dma_wait3A_18 = arith.constant 0 : i32
      %dma_wait3A_19 = arith.constant 0 : i32
      %dma_wait3A_20 = tpu.memref_slice %arg5[%dma_wait3A_18, %dma_wait3A_19] : memref<640x128xf32, #tpu.memory_space<hbm>> -> memref<160x128xf32, #tpu.memory_space<hbm>>
      tpu.wait_dma2 semaphore(%run_scoped3A : memref<!tpu.dma_semaphore, #tpu.memory_space<semaphore_mem>>) src(%dma_wait3A_20 : memref<160x128xf32, #tpu.memory_space<hbm>>) dst(%dma_wait3A_17 : memref<160x128xf32, #tpu.memory_space<vmem_shared>>)
      tpu.yield
    }) : () -> ()
    %barrier3A = arith.constant 0 : index
    tpu.barrier barrier_id(%barrier3A)
    %scan3A = arith.constant 0 : i32
    %scan3A_3 = arith.constant 0 : i32
    %scan3A_4 = arith.constant 5 : i32
    %scan3A_5 = arith.addi %scan3A_3, %scan3A_4 : i32
    %scan3A_6 = arith.constant 1 : i32
    scf.for %scan3A_13 = %scan3A_3 to %scan3A_5 step %scan3A_6  : i32 {
      %mul3A_14 = arith.constant 2000 : i32
      %mul3A_15 = arith.muli %scan3A_13, %mul3A_14 : i32
      "tpu.region"() ({
        %run_scoped3A = tpu.sem_alloc : memref<!tpu.dma_semaphore, #tpu.memory_space<semaphore_mem>>
        %dma_start3A_33 = tpu.memref_slice %arg3[%add3A, %mul3A_15] : memref<32x10000xi32, #tpu.memory_space<hbm>> -> memref<1x2000xi32, #tpu.memory_space<hbm>>
        %dma_start3A_34 = tpu.memref_squeeze %dma_start3A_33 : memref<1x2000xi32, #tpu.memory_space<hbm>> -> memref<2000xi32, #tpu.memory_space<hbm>>
        %dma_start3A_35 = tpu.memref_slice %arg3[%add3A, %mul3A_15] : memref<32x10000xi32, #tpu.memory_space<hbm>> -> memref<1x2000xi32, #tpu.memory_space<hbm>>
        %dma_start3A_36 = tpu.memref_squeeze %dma_start3A_35 : memref<1x2000xi32, #tpu.memory_space<hbm>> -> memref<2000xi32, #tpu.memory_space<hbm>>
        tpu.enqueue_dma source(%dma_start3A_36 : memref<2000xi32, #tpu.memory_space<hbm>>) target(%arg8 : memref<2000xi32, #tpu.memory_space<vmem>>) target_semaphore(%run_scoped3A : memref<!tpu.dma_semaphore, #tpu.memory_space<semaphore_mem>>)
        %dma_wait3A_37 = tpu.memref_slice %arg3[%add3A, %mul3A_15] : memref<32x10000xi32, #tpu.memory_space<hbm>> -> memref<1x2000xi32, #tpu.memory_space<hbm>>
        %dma_wait3A_38 = tpu.memref_squeeze %dma_wait3A_37 : memref<1x2000xi32, #tpu.memory_space<hbm>> -> memref<2000xi32, #tpu.memory_space<hbm>>
        %dma_wait3A_39 = tpu.memref_slice %arg3[%add3A, %mul3A_15] : memref<32x10000xi32, #tpu.memory_space<hbm>> -> memref<1x2000xi32, #tpu.memory_space<hbm>>
        %dma_wait3A_40 = tpu.memref_squeeze %dma_wait3A_39 : memref<1x2000xi32, #tpu.memory_space<hbm>> -> memref<2000xi32, #tpu.memory_space<hbm>>
        tpu.wait_dma2 semaphore(%run_scoped3A : memref<!tpu.dma_semaphore, #tpu.memory_space<semaphore_mem>>) src(%dma_wait3A_40 : memref<2000xi32, #tpu.memory_space<hbm>>) dst(%arg8 : memref<2000xi32, #tpu.memory_space<vmem>>)
        tpu.yield
      }) : () -> ()
      %mul3A_16 = arith.constant 2000 : i32
      %mul3A_17 = arith.muli %scan3A_13, %mul3A_16 : i32
      "tpu.region"() ({
        %run_scoped3A = tpu.sem_alloc : memref<!tpu.dma_semaphore, #tpu.memory_space<semaphore_mem>>
        %dma_start3A_33 = tpu.memref_slice %arg4[%add3A, %mul3A_17] : memref<32x10000xi32, #tpu.memory_space<hbm>> -> memref<1x2000xi32, #tpu.memory_space<hbm>>
        %dma_start3A_34 = tpu.memref_squeeze %dma_start3A_33 : memref<1x2000xi32, #tpu.memory_space<hbm>> -> memref<2000xi32, #tpu.memory_space<hbm>>
        %dma_start3A_35 = tpu.memref_slice %arg4[%add3A, %mul3A_17] : memref<32x10000xi32, #tpu.memory_space<hbm>> -> memref<1x2000xi32, #tpu.memory_space<hbm>>
        %dma_start3A_36 = tpu.memref_squeeze %dma_start3A_35 : memref<1x2000xi32, #tpu.memory_space<hbm>> -> memref<2000xi32, #tpu.memory_space<hbm>>
        tpu.enqueue_dma source(%dma_start3A_36 : memref<2000xi32, #tpu.memory_space<hbm>>) target(%arg9 : memref<2000xi32, #tpu.memory_space<vmem>>) target_semaphore(%run_scoped3A : memref<!tpu.dma_semaphore, #tpu.memory_space<semaphore_mem>>)
        %dma_wait3A_37 = tpu.memref_slice %arg4[%add3A, %mul3A_17] : memref<32x10000xi32, #tpu.memory_space<hbm>> -> memref<1x2000xi32, #tpu.memory_space<hbm>>
        %dma_wait3A_38 = tpu.memref_squeeze %dma_wait3A_37 : memref<1x2000xi32, #tpu.memory_space<hbm>> -> memref<2000xi32, #tpu.memory_space<hbm>>
        %dma_wait3A_39 = tpu.memref_slice %arg4[%add3A, %mul3A_17] : memref<32x10000xi32, #tpu.memory_space<hbm>> -> memref<1x2000xi32, #tpu.memory_space<hbm>>
        %dma_wait3A_40 = tpu.memref_squeeze %dma_wait3A_39 : memref<1x2000xi32, #tpu.memory_space<hbm>> -> memref<2000xi32, #tpu.memory_space<hbm>>
        tpu.wait_dma2 semaphore(%run_scoped3A : memref<!tpu.dma_semaphore, #tpu.memory_space<semaphore_mem>>) src(%dma_wait3A_40 : memref<2000xi32, #tpu.memory_space<hbm>>) dst(%arg9 : memref<2000xi32, #tpu.memory_space<vmem>>)
        tpu.yield
      }) : () -> ()
      %dma_start3A = arith.constant 0 : i32
      %dma_start3A_18 = tpu.memref_slice %arg8[%dma_start3A] : memref<2000xi32, #tpu.memory_space<vmem>> -> memref<400xi32, #tpu.memory_space<vmem>>
      %dma_start3A_19 = arith.constant 0 : i32
      %dma_start3A_20 = arith.constant 0 : i32
      %dma_start3A_21 = tpu.memref_slice %arg2[%dma_start3A_19, %dma_start3A_20] : memref<10240x128xf32, #tpu.memory_space<hbm>> -> memref<10240x128xf32, #tpu.memory_space<hbm>>
      tpu.enqueue_indirect_dma source(%dma_start3A_21 : memref<10240x128xf32, #tpu.memory_space<hbm>>) target(%arg10 : memref<400x128xf32, #tpu.memory_space<vmem>>) offsets(%dma_start3A_18 : memref<400xi32, #tpu.memory_space<vmem>>) semaphore(%arg12 : memref<!tpu.dma_semaphore, #tpu.memory_space<semaphore_mem>>)
      %scan3A_22 = arith.constant 0 : i32
      %scan3A_23 = arith.constant 0 : i32
      %scan3A_24 = arith.constant 5 : i32
      %scan3A_25 = arith.addi %scan3A_23, %scan3A_24 : i32
      %scan3A_26 = arith.constant 1 : i32
      scf.for %scan3A_33 = %scan3A_23 to %scan3A_25 step %scan3A_26  : i32 {
        %jit3A = arith.constant 2 : i32
        %eq3A = arith.constant 0 : i32
        %eq3A_34 = arith.cmpi eq, %jit3A, %eq3A : i32
        %jit3A_35 = arith.constant 1 : i32
        %select_n3A = arith.select %eq3A_34, %jit3A_35, %jit3A : i32
        %rem3A = arith.remsi %scan3A_33, %select_n3A : i32
        %ne3A = arith.constant 0 : i32
        %ne3A_36 = arith.cmpi ne, %rem3A, %ne3A : i32
        %lt3A = arith.constant 0 : i32
        %lt3A_37 = arith.cmpi slt, %rem3A, %lt3A : i32
        %lt3A_38 = arith.constant 0 : i32
        %lt3A_39 = arith.cmpi slt, %select_n3A, %lt3A_38 : i32
        %ne3A_40 = arith.xori %lt3A_37, %lt3A_39 : i1
        %and3A = arith.andi %ne3A_40, %ne3A_36 : i1
        %add3A_41 = arith.addi %rem3A, %select_n3A : i32
        %select_n3A_42 = arith.select %and3A, %add3A_41, %rem3A : i32
        %eq3A_43 = arith.constant 0 : i32
        %eq3A_44 = arith.cmpi eq, %select_n3A_42, %eq3A_43 : i32
        %convert_element_type3A = arith.extui %eq3A_44 : i1 to i32
        %cond3A = arith.constant 0 : i32
        %cond3A_45 = arith.cmpi ne, %convert_element_type3A, %cond3A : i32
        scf.if %cond3A_45 {
          %mul3A_67 = arith.constant 400 : i32
          %mul3A_68 = arith.muli %scan3A_33, %mul3A_67 : i32
          %dma_wait3A_69 = tpu.memref_slice %arg8[%mul3A_68] : memref<2000xi32, #tpu.memory_space<vmem>> -> memref<400xi32, #tpu.memory_space<vmem>>
          %dma_wait3A_70 = arith.constant 0 : i32
          %dma_wait3A_71 = arith.constant 0 : i32
          %dma_wait3A_72 = tpu.memref_slice %arg2[%dma_wait3A_70, %dma_wait3A_71] : memref<10240x128xf32, #tpu.memory_space<hbm>> -> memref<10240x128xf32, #tpu.memory_space<hbm>>
          tpu.wait_indirect_dma semaphore(%arg12 : memref<!tpu.dma_semaphore, #tpu.memory_space<semaphore_mem>>) src(%dma_wait3A_72 : memref<10240x128xf32, #tpu.memory_space<hbm>>) dst(%arg10 : memref<400x128xf32, #tpu.memory_space<vmem>>)
          %gt3A = arith.constant 0 : i32
          %gt3A_73 = arith.cmpi sgt, %scan3A_33, %gt3A : i32
          %convert_element_type3A_74 = arith.extui %gt3A_73 : i1 to i32
          %cond3A_75 = arith.constant 0 : i32
          %cond3A_76 = arith.cmpi ne, %convert_element_type3A_74, %cond3A_75 : i32
          scf.if %cond3A_76 {
            %dma_wait3A_88 = arith.constant 0 : i32
            %dma_wait3A_89 = arith.constant 0 : i32
            %dma_wait3A_90 = tpu.memref_slice %arg7[%dma_wait3A_88, %dma_wait3A_89] : memref<2560x128xf32, #tpu.memory_space<vmem_shared>> -> memref<400x128xf32, #tpu.memory_space<vmem_shared>>
            %dma_wait3A_91 = arith.constant 0 : i32
            %dma_wait3A_92 = arith.constant 0 : i32
            %dma_wait3A_93 = tpu.memref_slice %arg7[%dma_wait3A_91, %dma_wait3A_92] : memref<2560x128xf32, #tpu.memory_space<vmem_shared>> -> memref<400x128xf32, #tpu.memory_space<vmem_shared>>
            tpu.wait_dma2 semaphore(%arg13 : memref<!tpu.dma_semaphore, #tpu.memory_space<semaphore_mem>>) src(%arg11 : memref<400x128xf32, #tpu.memory_space<vmem>>) dst(%dma_wait3A_93 : memref<400x128xf32, #tpu.memory_space<vmem_shared>>)
          } else {
          }
          %lt3A_77 = arith.constant 4 : i32
          %lt3A_78 = arith.cmpi slt, %scan3A_33, %lt3A_77 : i32
          %convert_element_type3A_79 = arith.extui %lt3A_78 : i1 to i32
          %cond3A_80 = arith.constant 0 : i32
          %cond3A_81 = arith.cmpi ne, %convert_element_type3A_79, %cond3A_80 : i32
          scf.if %cond3A_81 {
            %add3A_88 = arith.constant 1 : i32
            %add3A_89 = arith.addi %scan3A_33, %add3A_88 : i32
            %mul3A_90 = arith.constant 400 : i32
            %mul3A_91 = arith.muli %add3A_89, %mul3A_90 : i32
            %dma_start3A_92 = tpu.memref_slice %arg8[%mul3A_91] : memref<2000xi32, #tpu.memory_space<vmem>> -> memref<400xi32, #tpu.memory_space<vmem>>
            %dma_start3A_93 = arith.constant 0 : i32
            %dma_start3A_94 = arith.constant 0 : i32
            %dma_start3A_95 = tpu.memref_slice %arg2[%dma_start3A_93, %dma_start3A_94] : memref<10240x128xf32, #tpu.memory_space<hbm>> -> memref<10240x128xf32, #tpu.memory_space<hbm>>
            tpu.enqueue_indirect_dma source(%dma_start3A_95 : memref<10240x128xf32, #tpu.memory_space<hbm>>) target(%arg11 : memref<400x128xf32, #tpu.memory_space<vmem>>) offsets(%dma_start3A_92 : memref<400xi32, #tpu.memory_space<vmem>>) semaphore(%arg12 : memref<!tpu.dma_semaphore, #tpu.memory_space<semaphore_mem>>)
          } else {
          }
          %mul3A_82 = arith.constant 400 : i32
          %mul3A_83 = arith.muli %scan3A_33, %mul3A_82 : i32
          %dma_start3A_84 = tpu.memref_slice %arg9[%mul3A_83] : memref<2000xi32, #tpu.memory_space<vmem>> -> memref<400xi32, #tpu.memory_space<vmem>>
          %dma_start3A_85 = arith.constant 0 : i32
          %dma_start3A_86 = arith.constant 0 : i32
          %dma_start3A_87 = tpu.memref_slice %arg7[%dma_start3A_85, %dma_start3A_86] : memref<2560x128xf32, #tpu.memory_space<vmem_shared>> -> memref<2560x128xf32, #tpu.memory_space<vmem_shared>>
          tpu.enqueue_indirect_dma source(%arg10 : memref<400x128xf32, #tpu.memory_space<vmem>>) target(%dma_start3A_87 : memref<2560x128xf32, #tpu.memory_space<vmem_shared>>) offsets(%dma_start3A_84 : memref<400xi32, #tpu.memory_space<vmem>>) semaphore(%arg13 : memref<!tpu.dma_semaphore, #tpu.memory_space<semaphore_mem>>) {add = true}
        } else {
        }
        %jit3A_46 = arith.constant 2 : i32
        %eq3A_47 = arith.constant 0 : i32
        %eq3A_48 = arith.cmpi eq, %jit3A_46, %eq3A_47 : i32
        %jit3A_49 = arith.constant 1 : i32
        %select_n3A_50 = arith.select %eq3A_48, %jit3A_49, %jit3A_46 : i32
        %rem3A_51 = arith.remsi %scan3A_33, %select_n3A_50 : i32
        %ne3A_52 = arith.constant 0 : i32
        %ne3A_53 = arith.cmpi ne, %rem3A_51, %ne3A_52 : i32
        %lt3A_54 = arith.constant 0 : i32
        %lt3A_55 = arith.cmpi slt, %rem3A_51, %lt3A_54 : i32
        %lt3A_56 = arith.constant 0 : i32
        %lt3A_57 = arith.cmpi slt, %select_n3A_50, %lt3A_56 : i32
        %ne3A_58 = arith.xori %lt3A_55, %lt3A_57 : i1
        %and3A_59 = arith.andi %ne3A_58, %ne3A_53 : i1
        %add3A_60 = arith.addi %rem3A_51, %select_n3A_50 : i32
        %select_n3A_61 = arith.select %and3A_59, %add3A_60, %rem3A_51 : i32
        %eq3A_62 = arith.constant 1 : i32
        %eq3A_63 = arith.cmpi eq, %select_n3A_61, %eq3A_62 : i32
        %convert_element_type3A_64 = arith.extui %eq3A_63 : i1 to i32
        %cond3A_65 = arith.constant 0 : i32
        %cond3A_66 = arith.cmpi ne, %convert_element_type3A_64, %cond3A_65 : i32
        scf.if %cond3A_66 {
          %mul3A_67 = arith.constant 400 : i32
          %mul3A_68 = arith.muli %scan3A_33, %mul3A_67 : i32
          %dma_wait3A_69 = tpu.memref_slice %arg8[%mul3A_68] : memref<2000xi32, #tpu.memory_space<vmem>> -> memref<400xi32, #tpu.memory_space<vmem>>
          %dma_wait3A_70 = arith.constant 0 : i32
          %dma_wait3A_71 = arith.constant 0 : i32
          %dma_wait3A_72 = tpu.memref_slice %arg2[%dma_wait3A_70, %dma_wait3A_71] : memref<10240x128xf32, #tpu.memory_space<hbm>> -> memref<10240x128xf32, #tpu.memory_space<hbm>>
          tpu.wait_indirect_dma semaphore(%arg12 : memref<!tpu.dma_semaphore, #tpu.memory_space<semaphore_mem>>) src(%dma_wait3A_72 : memref<10240x128xf32, #tpu.memory_space<hbm>>) dst(%arg11 : memref<400x128xf32, #tpu.memory_space<vmem>>)
          %dma_wait3A_73 = arith.constant 0 : i32
          %dma_wait3A_74 = arith.constant 0 : i32
          %dma_wait3A_75 = tpu.memref_slice %arg7[%dma_wait3A_73, %dma_wait3A_74] : memref<2560x128xf32, #tpu.memory_space<vmem_shared>> -> memref<400x128xf32, #tpu.memory_space<vmem_shared>>
          %dma_wait3A_76 = arith.constant 0 : i32
          %dma_wait3A_77 = arith.constant 0 : i32
          %dma_wait3A_78 = tpu.memref_slice %arg7[%dma_wait3A_76, %dma_wait3A_77] : memref<2560x128xf32, #tpu.memory_space<vmem_shared>> -> memref<400x128xf32, #tpu.memory_space<vmem_shared>>
          tpu.wait_dma2 semaphore(%arg13 : memref<!tpu.dma_semaphore, #tpu.memory_space<semaphore_mem>>) src(%arg10 : memref<400x128xf32, #tpu.memory_space<vmem>>) dst(%dma_wait3A_78 : memref<400x128xf32, #tpu.memory_space<vmem_shared>>)
          %lt3A_79 = arith.constant 4 : i32
          %lt3A_80 = arith.cmpi slt, %scan3A_33, %lt3A_79 : i32
          %convert_element_type3A_81 = arith.extui %lt3A_80 : i1 to i32
          %cond3A_82 = arith.constant 0 : i32
          %cond3A_83 = arith.cmpi ne, %convert_element_type3A_81, %cond3A_82 : i32
          scf.if %cond3A_83 {
            %add3A_90 = arith.constant 1 : i32
            %add3A_91 = arith.addi %scan3A_33, %add3A_90 : i32
            %mul3A_92 = arith.constant 400 : i32
            %mul3A_93 = arith.muli %add3A_91, %mul3A_92 : i32
            %dma_start3A_94 = tpu.memref_slice %arg8[%mul3A_93] : memref<2000xi32, #tpu.memory_space<vmem>> -> memref<400xi32, #tpu.memory_space<vmem>>
            %dma_start3A_95 = arith.constant 0 : i32
            %dma_start3A_96 = arith.constant 0 : i32
            %dma_start3A_97 = tpu.memref_slice %arg2[%dma_start3A_95, %dma_start3A_96] : memref<10240x128xf32, #tpu.memory_space<hbm>> -> memref<10240x128xf32, #tpu.memory_space<hbm>>
            tpu.enqueue_indirect_dma source(%dma_start3A_97 : memref<10240x128xf32, #tpu.memory_space<hbm>>) target(%arg10 : memref<400x128xf32, #tpu.memory_space<vmem>>) offsets(%dma_start3A_94 : memref<400xi32, #tpu.memory_space<vmem>>) semaphore(%arg12 : memref<!tpu.dma_semaphore, #tpu.memory_space<semaphore_mem>>)
          } else {
          }
          %mul3A_84 = arith.constant 400 : i32
          %mul3A_85 = arith.muli %scan3A_33, %mul3A_84 : i32
          %dma_start3A_86 = tpu.memref_slice %arg9[%mul3A_85] : memref<2000xi32, #tpu.memory_space<vmem>> -> memref<400xi32, #tpu.memory_space<vmem>>
          %dma_start3A_87 = arith.constant 0 : i32
          %dma_start3A_88 = arith.constant 0 : i32
          %dma_start3A_89 = tpu.memref_slice %arg7[%dma_start3A_87, %dma_start3A_88] : memref<2560x128xf32, #tpu.memory_space<vmem_shared>> -> memref<2560x128xf32, #tpu.memory_space<vmem_shared>>
          tpu.enqueue_indirect_dma source(%arg11 : memref<400x128xf32, #tpu.memory_space<vmem>>) target(%dma_start3A_89 : memref<2560x128xf32, #tpu.memory_space<vmem_shared>>) offsets(%dma_start3A_86 : memref<400xi32, #tpu.memory_space<vmem>>) semaphore(%arg13 : memref<!tpu.dma_semaphore, #tpu.memory_space<semaphore_mem>>) {add = true}
        } else {
        }
      }
      %scan3A_27 = arith.constant 5 : i32
      %dma_wait3A = arith.constant 0 : i32
      %dma_wait3A_28 = arith.constant 0 : i32
      %dma_wait3A_29 = tpu.memref_slice %arg7[%dma_wait3A, %dma_wait3A_28] : memref<2560x128xf32, #tpu.memory_space<vmem_shared>> -> memref<400x128xf32, #tpu.memory_space<vmem_shared>>
      %dma_wait3A_30 = arith.constant 0 : i32
      %dma_wait3A_31 = arith.constant 0 : i32
      %dma_wait3A_32 = tpu.memref_slice %arg7[%dma_wait3A_30, %dma_wait3A_31] : memref<2560x128xf32, #tpu.memory_space<vmem_shared>> -> memref<400x128xf32, #tpu.memory_space<vmem_shared>>
      tpu.wait_dma2 semaphore(%arg13 : memref<!tpu.dma_semaphore, #tpu.memory_space<semaphore_mem>>) src(%arg10 : memref<400x128xf32, #tpu.memory_space<vmem>>) dst(%dma_wait3A_32 : memref<400x128xf32, #tpu.memory_space<vmem_shared>>)
    }
    %scan3A_7 = arith.constant 5 : i32
    %barrier3A_8 = arith.constant 0 : index
    tpu.barrier barrier_id(%barrier3A_8)
    %mul3A_9 = arith.constant 160 : i32
    %mul3A_10 = arith.muli %arg1, %mul3A_9 : i32
    %mul3A_11 = arith.constant 160 : i32
    %mul3A_12 = arith.muli %arg1, %mul3A_11 : i32
    "tpu.region"() ({
      %run_scoped3A = tpu.sem_alloc : memref<!tpu.dma_semaphore, #tpu.memory_space<semaphore_mem>>
      %dma_start3A = arith.constant 0 : i32
      %dma_start3A_13 = tpu.memref_slice %arg6[%arg0, %mul3A_12, %dma_start3A] : memref<2x2560x128xf32, #tpu.memory_space<hbm>> -> memref<1x160x128xf32, #tpu.memory_space<hbm>>
      %dma_start3A_14 = tpu.memref_squeeze %dma_start3A_13 : memref<1x160x128xf32, #tpu.memory_space<hbm>> -> memref<160x128xf32, #tpu.memory_space<hbm>>
      %dma_start3A_15 = arith.constant 0 : i32
      %dma_start3A_16 = tpu.memref_slice %arg7[%mul3A_10, %dma_start3A_15] : memref<2560x128xf32, #tpu.memory_space<vmem_shared>> -> memref<160x128xf32, #tpu.memory_space<vmem_shared>>
      tpu.enqueue_dma source(%dma_start3A_16 : memref<160x128xf32, #tpu.memory_space<vmem_shared>>) target(%dma_start3A_14 : memref<160x128xf32, #tpu.memory_space<hbm>>) target_semaphore(%run_scoped3A : memref<!tpu.dma_semaphore, #tpu.memory_space<semaphore_mem>>)
      %dma_wait3A = arith.constant 0 : i32
      %dma_wait3A_17 = tpu.memref_slice %arg6[%arg0, %mul3A_12, %dma_wait3A] : memref<2x2560x128xf32, #tpu.memory_space<hbm>> -> memref<1x160x128xf32, #tpu.memory_space<hbm>>
      %dma_wait3A_18 = tpu.memref_squeeze %dma_wait3A_17 : memref<1x160x128xf32, #tpu.memory_space<hbm>> -> memref<160x128xf32, #tpu.memory_space<hbm>>
      %dma_wait3A_19 = arith.constant 0 : i32
      %dma_wait3A_20 = tpu.memref_slice %arg7[%mul3A_10, %dma_wait3A_19] : memref<2560x128xf32, #tpu.memory_space<vmem_shared>> -> memref<160x128xf32, #tpu.memory_space<vmem_shared>>
      tpu.wait_dma2 semaphore(%run_scoped3A : memref<!tpu.dma_semaphore, #tpu.memory_space<semaphore_mem>>) src(%dma_wait3A_20 : memref<160x128xf32, #tpu.memory_space<vmem_shared>>) dst(%dma_wait3A_18 : memref<160x128xf32, #tpu.memory_space<hbm>>)
      tpu.yield
    }) : () -> ()
    return
  }
}

#map = affine_map<(d0, d1) -> (0)>
module attributes {stable_mosaic.version = 14 : i64} {
  func.func @_deg_kernel(%arg0: i32, %arg1: i32, %arg2: memref<320000xi32, #tpu.memory_space<hbm>>, %arg3: memref<320000xi32, #tpu.memory_space<hbm>>, %arg4: memref<20000xf32, #tpu.memory_space<hbm>>, %arg5: memref<10240xf32, #tpu.memory_space<hbm>>, %arg6: memref<2560xf32, #tpu.memory_space<hbm>>, %arg7: memref<10240xf32, #tpu.memory_space<vmem_shared>>, %arg8: memref<2560xf32, #tpu.memory_space<vmem_shared>>, %arg9: memref<20000xi32, #tpu.memory_space<vmem>>, %arg10: memref<20000xf32, #tpu.memory_space<vmem>>, %arg11: memref<640xf32, #tpu.memory_space<vmem>>) attributes {dimension_semantics = [#tpu.dimension_semantics<core_parallel>, #tpu.dimension_semantics<subcore_parallel>], iteration_bounds = array<i64: 2, 16>, scalar_prefetch = 0 : i64, scratch_operands = 5 : i64, tpu.core_type = #tpu.core_type<sc_vector_subcore>, window_params = [{transform_indices = #map}, {transform_indices = #map}, {transform_indices = #map}, {transform_indices = #map}, {transform_indices = #map}]} {
    "tpu.region"() ({
      %run_scoped3A = tpu.sem_alloc : memref<!tpu.dma_semaphore, #tpu.memory_space<semaphore_mem>>
      tpu.enqueue_dma source(%arg4 : memref<20000xf32, #tpu.memory_space<hbm>>) target(%arg10 : memref<20000xf32, #tpu.memory_space<vmem>>) target_semaphore(%run_scoped3A : memref<!tpu.dma_semaphore, #tpu.memory_space<semaphore_mem>>)
      tpu.wait_dma2 semaphore(%run_scoped3A : memref<!tpu.dma_semaphore, #tpu.memory_space<semaphore_mem>>) src(%arg4 : memref<20000xf32, #tpu.memory_space<hbm>>) dst(%arg10 : memref<20000xf32, #tpu.memory_space<vmem>>)
      tpu.yield
    }) : () -> ()
    %broadcast_in_dim3A = arith.constant 0.000000e+00 : f32
    %broadcast_in_dim3A_0 = vector.broadcast %broadcast_in_dim3A : f32 to vector<16xf32>
    %swap3A = arith.constant 0 : index
    %swap3A_1 = tpu.vector_load %arg11[%swap3A] {strides = array<i32>} : memref<640xf32, #tpu.memory_space<vmem>>, vector<16xf32>,
    %swap3A_2 = vector.shape_cast %swap3A_1 : vector<16xf32> to vector<16xf32>
    %swap3A_3 = vector.shape_cast %broadcast_in_dim3A_0 : vector<16xf32> to vector<16xf32>
    tpu.vector_store %arg11[%swap3A], %swap3A_3 {strides = array<i32>} : memref<640xf32, #tpu.memory_space<vmem>>, vector<16xf32>,
    %broadcast_in_dim3A_4 = arith.constant 0.000000e+00 : f32
    %broadcast_in_dim3A_5 = vector.broadcast %broadcast_in_dim3A_4 : f32 to vector<16xf32>
    %swap3A_6 = arith.constant 16 : index
    %swap3A_7 = tpu.vector_load %arg11[%swap3A_6] {strides = array<i32>} : memref<640xf32, #tpu.memory_space<vmem>>, vector<16xf32>,
    %swap3A_8 = vector.shape_cast %swap3A_7 : vector<16xf32> to vector<16xf32>
    %swap3A_9 = vector.shape_cast %broadcast_in_dim3A_5 : vector<16xf32> to vector<16xf32>
    tpu.vector_store %arg11[%swap3A_6], %swap3A_9 {strides = array<i32>} : memref<640xf32, #tpu.memory_space<vmem>>, vector<16xf32>,
    %broadcast_in_dim3A_10 = arith.constant 0.000000e+00 : f32
    %broadcast_in_dim3A_11 = vector.broadcast %broadcast_in_dim3A_10 : f32 to vector<16xf32>
    %swap3A_12 = arith.constant 32 : index
    %swap3A_13 = tpu.vector_load %arg11[%swap3A_12] {strides = array<i32>} : memref<640xf32, #tpu.memory_space<vmem>>, vector<16xf32>,
    %swap3A_14 = vector.shape_cast %swap3A_13 : vector<16xf32> to vector<16xf32>
    %swap3A_15 = vector.shape_cast %broadcast_in_dim3A_11 : vector<16xf32> to vector<16xf32>
    tpu.vector_store %arg11[%swap3A_12], %swap3A_15 {strides = array<i32>} : memref<640xf32, #tpu.memory_space<vmem>>, vector<16xf32>,
    %broadcast_in_dim3A_16 = arith.constant 0.000000e+00 : f32
    %broadcast_in_dim3A_17 = vector.broadcast %broadcast_in_dim3A_16 : f32 to vector<16xf32>
    %swap3A_18 = arith.constant 48 : index
    %swap3A_19 = tpu.vector_load %arg11[%swap3A_18] {strides = array<i32>} : memref<640xf32, #tpu.memory_space<vmem>>, vector<16xf32>,
    %swap3A_20 = vector.shape_cast %swap3A_19 : vector<16xf32> to vector<16xf32>
    %swap3A_21 = vector.shape_cast %broadcast_in_dim3A_17 : vector<16xf32> to vector<16xf32>
    tpu.vector_store %arg11[%swap3A_18], %swap3A_21 {strides = array<i32>} : memref<640xf32, #tpu.memory_space<vmem>>, vector<16xf32>,
    %broadcast_in_dim3A_22 = arith.constant 0.000000e+00 : f32
    %broadcast_in_dim3A_23 = vector.broadcast %broadcast_in_dim3A_22 : f32 to vector<16xf32>
    %swap3A_24 = arith.constant 64 : index
    %swap3A_25 = tpu.vector_load %arg11[%swap3A_24] {strides = array<i32>} : memref<640xf32, #tpu.memory_space<vmem>>, vector<16xf32>,
    %swap3A_26 = vector.shape_cast %swap3A_25 : vector<16xf32> to vector<16xf32>
    %swap3A_27 = vector.shape_cast %broadcast_in_dim3A_23 : vector<16xf32> to vector<16xf32>
    tpu.vector_store %arg11[%swap3A_24], %swap3A_27 {strides = array<i32>} : memref<640xf32, #tpu.memory_space<vmem>>, vector<16xf32>,
    %broadcast_in_dim3A_28 = arith.constant 0.000000e+00 : f32
    %broadcast_in_dim3A_29 = vector.broadcast %broadcast_in_dim3A_28 : f32 to vector<16xf32>
    %swap3A_30 = arith.constant 80 : index
    %swap3A_31 = tpu.vector_load %arg11[%swap3A_30] {strides = array<i32>} : memref<640xf32, #tpu.memory_space<vmem>>, vector<16xf32>,
    %swap3A_32 = vector.shape_cast %swap3A_31 : vector<16xf32> to vector<16xf32>
    %swap3A_33 = vector.shape_cast %broadcast_in_dim3A_29 : vector<16xf32> to vector<16xf32>
    tpu.vector_store %arg11[%swap3A_30], %swap3A_33 {strides = array<i32>} : memref<640xf32, #tpu.memory_space<vmem>>, vector<16xf32>,
    %broadcast_in_dim3A_34 = arith.constant 0.000000e+00 : f32
    %broadcast_in_dim3A_35 = vector.broadcast %broadcast_in_dim3A_34 : f32 to vector<16xf32>
    %swap3A_36 = arith.constant 96 : index
    %swap3A_37 = tpu.vector_load %arg11[%swap3A_36] {strides = array<i32>} : memref<640xf32, #tpu.memory_space<vmem>>, vector<16xf32>,
    %swap3A_38 = vector.shape_cast %swap3A_37 : vector<16xf32> to vector<16xf32>
    %swap3A_39 = vector.shape_cast %broadcast_in_dim3A_35 : vector<16xf32> to vector<16xf32>
    tpu.vector_store %arg11[%swap3A_36], %swap3A_39 {strides = array<i32>} : memref<640xf32, #tpu.memory_space<vmem>>, vector<16xf32>,
    %broadcast_in_dim3A_40 = arith.constant 0.000000e+00 : f32
    %broadcast_in_dim3A_41 = vector.broadcast %broadcast_in_dim3A_40 : f32 to vector<16xf32>
    %swap3A_42 = arith.constant 112 : index
    %swap3A_43 = tpu.vector_load %arg11[%swap3A_42] {strides = array<i32>} : memref<640xf32, #tpu.memory_space<vmem>>, vector<16xf32>,
    %swap3A_44 = vector.shape_cast %swap3A_43 : vector<16xf32> to vector<16xf32>
    %swap3A_45 = vector.shape_cast %broadcast_in_dim3A_41 : vector<16xf32> to vector<16xf32>
    tpu.vector_store %arg11[%swap3A_42], %swap3A_45 {strides = array<i32>} : memref<640xf32, #tpu.memory_space<vmem>>, vector<16xf32>,
    %broadcast_in_dim3A_46 = arith.constant 0.000000e+00 : f32
    %broadcast_in_dim3A_47 = vector.broadcast %broadcast_in_dim3A_46 : f32 to vector<16xf32>
    %swap3A_48 = arith.constant 128 : index
    %swap3A_49 = tpu.vector_load %arg11[%swap3A_48] {strides = array<i32>} : memref<640xf32, #tpu.memory_space<vmem>>, vector<16xf32>,
    %swap3A_50 = vector.shape_cast %swap3A_49 : vector<16xf32> to vector<16xf32>
    %swap3A_51 = vector.shape_cast %broadcast_in_dim3A_47 : vector<16xf32> to vector<16xf32>
    tpu.vector_store %arg11[%swap3A_48], %swap3A_51 {strides = array<i32>} : memref<640xf32, #tpu.memory_space<vmem>>, vector<16xf32>,
    %broadcast_in_dim3A_52 = arith.constant 0.000000e+00 : f32
    %broadcast_in_dim3A_53 = vector.broadcast %broadcast_in_dim3A_52 : f32 to vector<16xf32>
    %swap3A_54 = arith.constant 144 : index
    %swap3A_55 = tpu.vector_load %arg11[%swap3A_54] {strides = array<i32>} : memref<640xf32, #tpu.memory_space<vmem>>, vector<16xf32>,
    %swap3A_56 = vector.shape_cast %swap3A_55 : vector<16xf32> to vector<16xf32>
    %swap3A_57 = vector.shape_cast %broadcast_in_dim3A_53 : vector<16xf32> to vector<16xf32>
    tpu.vector_store %arg11[%swap3A_54], %swap3A_57 {strides = array<i32>} : memref<640xf32, #tpu.memory_space<vmem>>, vector<16xf32>,
    %broadcast_in_dim3A_58 = arith.constant 0.000000e+00 : f32
    %broadcast_in_dim3A_59 = vector.broadcast %broadcast_in_dim3A_58 : f32 to vector<16xf32>
    %swap3A_60 = arith.constant 160 : index
    %swap3A_61 = tpu.vector_load %arg11[%swap3A_60] {strides = array<i32>} : memref<640xf32, #tpu.memory_space<vmem>>, vector<16xf32>,
    %swap3A_62 = vector.shape_cast %swap3A_61 : vector<16xf32> to vector<16xf32>
    %swap3A_63 = vector.shape_cast %broadcast_in_dim3A_59 : vector<16xf32> to vector<16xf32>
    tpu.vector_store %arg11[%swap3A_60], %swap3A_63 {strides = array<i32>} : memref<640xf32, #tpu.memory_space<vmem>>, vector<16xf32>,
    %broadcast_in_dim3A_64 = arith.constant 0.000000e+00 : f32
    %broadcast_in_dim3A_65 = vector.broadcast %broadcast_in_dim3A_64 : f32 to vector<16xf32>
    %swap3A_66 = arith.constant 176 : index
    %swap3A_67 = tpu.vector_load %arg11[%swap3A_66] {strides = array<i32>} : memref<640xf32, #tpu.memory_space<vmem>>, vector<16xf32>,
    %swap3A_68 = vector.shape_cast %swap3A_67 : vector<16xf32> to vector<16xf32>
    %swap3A_69 = vector.shape_cast %broadcast_in_dim3A_65 : vector<16xf32> to vector<16xf32>
    tpu.vector_store %arg11[%swap3A_66], %swap3A_69 {strides = array<i32>} : memref<640xf32, #tpu.memory_space<vmem>>, vector<16xf32>,
    %broadcast_in_dim3A_70 = arith.constant 0.000000e+00 : f32
    %broadcast_in_dim3A_71 = vector.broadcast %broadcast_in_dim3A_70 : f32 to vector<16xf32>
    %swap3A_72 = arith.constant 192 : index
    %swap3A_73 = tpu.vector_load %arg11[%swap3A_72] {strides = array<i32>} : memref<640xf32, #tpu.memory_space<vmem>>, vector<16xf32>,
    %swap3A_74 = vector.shape_cast %swap3A_73 : vector<16xf32> to vector<16xf32>
    %swap3A_75 = vector.shape_cast %broadcast_in_dim3A_71 : vector<16xf32> to vector<16xf32>
    tpu.vector_store %arg11[%swap3A_72], %swap3A_75 {strides = array<i32>} : memref<640xf32, #tpu.memory_space<vmem>>, vector<16xf32>,
    %broadcast_in_dim3A_76 = arith.constant 0.000000e+00 : f32
    %broadcast_in_dim3A_77 = vector.broadcast %broadcast_in_dim3A_76 : f32 to vector<16xf32>
    %swap3A_78 = arith.constant 208 : index
    %swap3A_79 = tpu.vector_load %arg11[%swap3A_78] {strides = array<i32>} : memref<640xf32, #tpu.memory_space<vmem>>, vector<16xf32>,
    %swap3A_80 = vector.shape_cast %swap3A_79 : vector<16xf32> to vector<16xf32>
    %swap3A_81 = vector.shape_cast %broadcast_in_dim3A_77 : vector<16xf32> to vector<16xf32>
    tpu.vector_store %arg11[%swap3A_78], %swap3A_81 {strides = array<i32>} : memref<640xf32, #tpu.memory_space<vmem>>, vector<16xf32>,
    %broadcast_in_dim3A_82 = arith.constant 0.000000e+00 : f32
    %broadcast_in_dim3A_83 = vector.broadcast %broadcast_in_dim3A_82 : f32 to vector<16xf32>
    %swap3A_84 = arith.constant 224 : index
    %swap3A_85 = tpu.vector_load %arg11[%swap3A_84] {strides = array<i32>} : memref<640xf32, #tpu.memory_space<vmem>>, vector<16xf32>,
    %swap3A_86 = vector.shape_cast %swap3A_85 : vector<16xf32> to vector<16xf32>
    %swap3A_87 = vector.shape_cast %broadcast_in_dim3A_83 : vector<16xf32> to vector<16xf32>
    tpu.vector_store %arg11[%swap3A_84], %swap3A_87 {strides = array<i32>} : memref<640xf32, #tpu.memory_space<vmem>>, vector<16xf32>,
    %broadcast_in_dim3A_88 = arith.constant 0.000000e+00 : f32
    %broadcast_in_dim3A_89 = vector.broadcast %broadcast_in_dim3A_88 : f32 to vector<16xf32>
    %swap3A_90 = arith.constant 240 : index
    %swap3A_91 = tpu.vector_load %arg11[%swap3A_90] {strides = array<i32>} : memref<640xf32, #tpu.memory_space<vmem>>, vector<16xf32>,
    %swap3A_92 = vector.shape_cast %swap3A_91 : vector<16xf32> to vector<16xf32>
    %swap3A_93 = vector.shape_cast %broadcast_in_dim3A_89 : vector<16xf32> to vector<16xf32>
    tpu.vector_store %arg11[%swap3A_90], %swap3A_93 {strides = array<i32>} : memref<640xf32, #tpu.memory_space<vmem>>, vector<16xf32>,
    %broadcast_in_dim3A_94 = arith.constant 0.000000e+00 : f32
    %broadcast_in_dim3A_95 = vector.broadcast %broadcast_in_dim3A_94 : f32 to vector<16xf32>
    %swap3A_96 = arith.constant 256 : index
    %swap3A_97 = tpu.vector_load %arg11[%swap3A_96] {strides = array<i32>} : memref<640xf32, #tpu.memory_space<vmem>>, vector<16xf32>,
    %swap3A_98 = vector.shape_cast %swap3A_97 : vector<16xf32> to vector<16xf32>
    %swap3A_99 = vector.shape_cast %broadcast_in_dim3A_95 : vector<16xf32> to vector<16xf32>
    tpu.vector_store %arg11[%swap3A_96], %swap3A_99 {strides = array<i32>} : memref<640xf32, #tpu.memory_space<vmem>>, vector<16xf32>,
    %broadcast_in_dim3A_100 = arith.constant 0.000000e+00 : f32
    %broadcast_in_dim3A_101 = vector.broadcast %broadcast_in_dim3A_100 : f32 to vector<16xf32>
    %swap3A_102 = arith.constant 272 : index
    %swap3A_103 = tpu.vector_load %arg11[%swap3A_102] {strides = array<i32>} : memref<640xf32, #tpu.memory_space<vmem>>, vector<16xf32>,
    %swap3A_104 = vector.shape_cast %swap3A_103 : vector<16xf32> to vector<16xf32>
    %swap3A_105 = vector.shape_cast %broadcast_in_dim3A_101 : vector<16xf32> to vector<16xf32>
    tpu.vector_store %arg11[%swap3A_102], %swap3A_105 {strides = array<i32>} : memref<640xf32, #tpu.memory_space<vmem>>, vector<16xf32>,
    %broadcast_in_dim3A_106 = arith.constant 0.000000e+00 : f32
    %broadcast_in_dim3A_107 = vector.broadcast %broadcast_in_dim3A_106 : f32 to vector<16xf32>
    %swap3A_108 = arith.constant 288 : index
    %swap3A_109 = tpu.vector_load %arg11[%swap3A_108] {strides = array<i32>} : memref<640xf32, #tpu.memory_space<vmem>>, vector<16xf32>,
    %swap3A_110 = vector.shape_cast %swap3A_109 : vector<16xf32> to vector<16xf32>
    %swap3A_111 = vector.shape_cast %broadcast_in_dim3A_107 : vector<16xf32> to vector<16xf32>
    tpu.vector_store %arg11[%swap3A_108], %swap3A_111 {strides = array<i32>} : memref<640xf32, #tpu.memory_space<vmem>>, vector<16xf32>,
    %broadcast_in_dim3A_112 = arith.constant 0.000000e+00 : f32
    %broadcast_in_dim3A_113 = vector.broadcast %broadcast_in_dim3A_112 : f32 to vector<16xf32>
    %swap3A_114 = arith.constant 304 : index
    %swap3A_115 = tpu.vector_load %arg11[%swap3A_114] {strides = array<i32>} : memref<640xf32, #tpu.memory_space<vmem>>, vector<16xf32>,
    %swap3A_116 = vector.shape_cast %swap3A_115 : vector<16xf32> to vector<16xf32>
    %swap3A_117 = vector.shape_cast %broadcast_in_dim3A_113 : vector<16xf32> to vector<16xf32>
    tpu.vector_store %arg11[%swap3A_114], %swap3A_117 {strides = array<i32>} : memref<640xf32, #tpu.memory_space<vmem>>, vector<16xf32>,
    %broadcast_in_dim3A_118 = arith.constant 0.000000e+00 : f32
    %broadcast_in_dim3A_119 = vector.broadcast %broadcast_in_dim3A_118 : f32 to vector<16xf32>
    %swap3A_120 = arith.constant 320 : index
    %swap3A_121 = tpu.vector_load %arg11[%swap3A_120] {strides = array<i32>} : memref<640xf32, #tpu.memory_space<vmem>>, vector<16xf32>,
    %swap3A_122 = vector.shape_cast %swap3A_121 : vector<16xf32> to vector<16xf32>
    %swap3A_123 = vector.shape_cast %broadcast_in_dim3A_119 : vector<16xf32> to vector<16xf32>
    tpu.vector_store %arg11[%swap3A_120], %swap3A_123 {strides = array<i32>} : memref<640xf32, #tpu.memory_space<vmem>>, vector<16xf32>,
    %broadcast_in_dim3A_124 = arith.constant 0.000000e+00 : f32
    %broadcast_in_dim3A_125 = vector.broadcast %broadcast_in_dim3A_124 : f32 to vector<16xf32>
    %swap3A_126 = arith.constant 336 : index
    %swap3A_127 = tpu.vector_load %arg11[%swap3A_126] {strides = array<i32>} : memref<640xf32, #tpu.memory_space<vmem>>, vector<16xf32>,
    %swap3A_128 = vector.shape_cast %swap3A_127 : vector<16xf32> to vector<16xf32>
    %swap3A_129 = vector.shape_cast %broadcast_in_dim3A_125 : vector<16xf32> to vector<16xf32>
    tpu.vector_store %arg11[%swap3A_126], %swap3A_129 {strides = array<i32>} : memref<640xf32, #tpu.memory_space<vmem>>, vector<16xf32>,
    %broadcast_in_dim3A_130 = arith.constant 0.000000e+00 : f32
    %broadcast_in_dim3A_131 = vector.broadcast %broadcast_in_dim3A_130 : f32 to vector<16xf32>
    %swap3A_132 = arith.constant 352 : index
    %swap3A_133 = tpu.vector_load %arg11[%swap3A_132] {strides = array<i32>} : memref<640xf32, #tpu.memory_space<vmem>>, vector<16xf32>,
    %swap3A_134 = vector.shape_cast %swap3A_133 : vector<16xf32> to vector<16xf32>
    %swap3A_135 = vector.shape_cast %broadcast_in_dim3A_131 : vector<16xf32> to vector<16xf32>
    tpu.vector_store %arg11[%swap3A_132], %swap3A_135 {strides = array<i32>} : memref<640xf32, #tpu.memory_space<vmem>>, vector<16xf32>,
    %broadcast_in_dim3A_136 = arith.constant 0.000000e+00 : f32
    %broadcast_in_dim3A_137 = vector.broadcast %broadcast_in_dim3A_136 : f32 to vector<16xf32>
    %swap3A_138 = arith.constant 368 : index
    %swap3A_139 = tpu.vector_load %arg11[%swap3A_138] {strides = array<i32>} : memref<640xf32, #tpu.memory_space<vmem>>, vector<16xf32>,
    %swap3A_140 = vector.shape_cast %swap3A_139 : vector<16xf32> to vector<16xf32>
    %swap3A_141 = vector.shape_cast %broadcast_in_dim3A_137 : vector<16xf32> to vector<16xf32>
    tpu.vector_store %arg11[%swap3A_138], %swap3A_141 {strides = array<i32>} : memref<640xf32, #tpu.memory_space<vmem>>, vector<16xf32>,
    %broadcast_in_dim3A_142 = arith.constant 0.000000e+00 : f32
    %broadcast_in_dim3A_143 = vector.broadcast %broadcast_in_dim3A_142 : f32 to vector<16xf32>
    %swap3A_144 = arith.constant 384 : index
    %swap3A_145 = tpu.vector_load %arg11[%swap3A_144] {strides = array<i32>} : memref<640xf32, #tpu.memory_space<vmem>>, vector<16xf32>,
    %swap3A_146 = vector.shape_cast %swap3A_145 : vector<16xf32> to vector<16xf32>
    %swap3A_147 = vector.shape_cast %broadcast_in_dim3A_143 : vector<16xf32> to vector<16xf32>
    tpu.vector_store %arg11[%swap3A_144], %swap3A_147 {strides = array<i32>} : memref<640xf32, #tpu.memory_space<vmem>>, vector<16xf32>,
    %broadcast_in_dim3A_148 = arith.constant 0.000000e+00 : f32
    %broadcast_in_dim3A_149 = vector.broadcast %broadcast_in_dim3A_148 : f32 to vector<16xf32>
    %swap3A_150 = arith.constant 400 : index
    %swap3A_151 = tpu.vector_load %arg11[%swap3A_150] {strides = array<i32>} : memref<640xf32, #tpu.memory_space<vmem>>, vector<16xf32>,
    %swap3A_152 = vector.shape_cast %swap3A_151 : vector<16xf32> to vector<16xf32>
    %swap3A_153 = vector.shape_cast %broadcast_in_dim3A_149 : vector<16xf32> to vector<16xf32>
    tpu.vector_store %arg11[%swap3A_150], %swap3A_153 {strides = array<i32>} : memref<640xf32, #tpu.memory_space<vmem>>, vector<16xf32>,
    %broadcast_in_dim3A_154 = arith.constant 0.000000e+00 : f32
    %broadcast_in_dim3A_155 = vector.broadcast %broadcast_in_dim3A_154 : f32 to vector<16xf32>
    %swap3A_156 = arith.constant 416 : index
    %swap3A_157 = tpu.vector_load %arg11[%swap3A_156] {strides = array<i32>} : memref<640xf32, #tpu.memory_space<vmem>>, vector<16xf32>,
    %swap3A_158 = vector.shape_cast %swap3A_157 : vector<16xf32> to vector<16xf32>
    %swap3A_159 = vector.shape_cast %broadcast_in_dim3A_155 : vector<16xf32> to vector<16xf32>
    tpu.vector_store %arg11[%swap3A_156], %swap3A_159 {strides = array<i32>} : memref<640xf32, #tpu.memory_space<vmem>>, vector<16xf32>,
    %broadcast_in_dim3A_160 = arith.constant 0.000000e+00 : f32
    %broadcast_in_dim3A_161 = vector.broadcast %broadcast_in_dim3A_160 : f32 to vector<16xf32>
    %swap3A_162 = arith.constant 432 : index
    %swap3A_163 = tpu.vector_load %arg11[%swap3A_162] {strides = array<i32>} : memref<640xf32, #tpu.memory_space<vmem>>, vector<16xf32>,
    %swap3A_164 = vector.shape_cast %swap3A_163 : vector<16xf32> to vector<16xf32>
    %swap3A_165 = vector.shape_cast %broadcast_in_dim3A_161 : vector<16xf32> to vector<16xf32>
    tpu.vector_store %arg11[%swap3A_162], %swap3A_165 {strides = array<i32>} : memref<640xf32, #tpu.memory_space<vmem>>, vector<16xf32>,
    %broadcast_in_dim3A_166 = arith.constant 0.000000e+00 : f32
    %broadcast_in_dim3A_167 = vector.broadcast %broadcast_in_dim3A_166 : f32 to vector<16xf32>
    %swap3A_168 = arith.constant 448 : index
    %swap3A_169 = tpu.vector_load %arg11[%swap3A_168] {strides = array<i32>} : memref<640xf32, #tpu.memory_space<vmem>>, vector<16xf32>,
    %swap3A_170 = vector.shape_cast %swap3A_169 : vector<16xf32> to vector<16xf32>
    %swap3A_171 = vector.shape_cast %broadcast_in_dim3A_167 : vector<16xf32> to vector<16xf32>
    tpu.vector_store %arg11[%swap3A_168], %swap3A_171 {strides = array<i32>} : memref<640xf32, #tpu.memory_space<vmem>>, vector<16xf32>,
    %broadcast_in_dim3A_172 = arith.constant 0.000000e+00 : f32
    %broadcast_in_dim3A_173 = vector.broadcast %broadcast_in_dim3A_172 : f32 to vector<16xf32>
    %swap3A_174 = arith.constant 464 : index
    %swap3A_175 = tpu.vector_load %arg11[%swap3A_174] {strides = array<i32>} : memref<640xf32, #tpu.memory_space<vmem>>, vector<16xf32>,
    %swap3A_176 = vector.shape_cast %swap3A_175 : vector<16xf32> to vector<16xf32>
    %swap3A_177 = vector.shape_cast %broadcast_in_dim3A_173 : vector<16xf32> to vector<16xf32>
    tpu.vector_store %arg11[%swap3A_174], %swap3A_177 {strides = array<i32>} : memref<640xf32, #tpu.memory_space<vmem>>, vector<16xf32>,
    %broadcast_in_dim3A_178 = arith.constant 0.000000e+00 : f32
    %broadcast_in_dim3A_179 = vector.broadcast %broadcast_in_dim3A_178 : f32 to vector<16xf32>
    %swap3A_180 = arith.constant 480 : index
    %swap3A_181 = tpu.vector_load %arg11[%swap3A_180] {strides = array<i32>} : memref<640xf32, #tpu.memory_space<vmem>>, vector<16xf32>,
    %swap3A_182 = vector.shape_cast %swap3A_181 : vector<16xf32> to vector<16xf32>
    %swap3A_183 = vector.shape_cast %broadcast_in_dim3A_179 : vector<16xf32> to vector<16xf32>
    tpu.vector_store %arg11[%swap3A_180], %swap3A_183 {strides = array<i32>} : memref<640xf32, #tpu.memory_space<vmem>>, vector<16xf32>,
    %broadcast_in_dim3A_184 = arith.constant 0.000000e+00 : f32
    %broadcast_in_dim3A_185 = vector.broadcast %broadcast_in_dim3A_184 : f32 to vector<16xf32>
    %swap3A_186 = arith.constant 496 : index
    %swap3A_187 = tpu.vector_load %arg11[%swap3A_186] {strides = array<i32>} : memref<640xf32, #tpu.memory_space<vmem>>, vector<16xf32>,
    %swap3A_188 = vector.shape_cast %swap3A_187 : vector<16xf32> to vector<16xf32>
    %swap3A_189 = vector.shape_cast %broadcast_in_dim3A_185 : vector<16xf32> to vector<16xf32>
    tpu.vector_store %arg11[%swap3A_186], %swap3A_189 {strides = array<i32>} : memref<640xf32, #tpu.memory_space<vmem>>, vector<16xf32>,
    %broadcast_in_dim3A_190 = arith.constant 0.000000e+00 : f32
    %broadcast_in_dim3A_191 = vector.broadcast %broadcast_in_dim3A_190 : f32 to vector<16xf32>
    %swap3A_192 = arith.constant 512 : index
    %swap3A_193 = tpu.vector_load %arg11[%swap3A_192] {strides = array<i32>} : memref<640xf32, #tpu.memory_space<vmem>>, vector<16xf32>,
    %swap3A_194 = vector.shape_cast %swap3A_193 : vector<16xf32> to vector<16xf32>
    %swap3A_195 = vector.shape_cast %broadcast_in_dim3A_191 : vector<16xf32> to vector<16xf32>
    tpu.vector_store %arg11[%swap3A_192], %swap3A_195 {strides = array<i32>} : memref<640xf32, #tpu.memory_space<vmem>>, vector<16xf32>,
    %broadcast_in_dim3A_196 = arith.constant 0.000000e+00 : f32
    %broadcast_in_dim3A_197 = vector.broadcast %broadcast_in_dim3A_196 : f32 to vector<16xf32>
    %swap3A_198 = arith.constant 528 : index
    %swap3A_199 = tpu.vector_load %arg11[%swap3A_198] {strides = array<i32>} : memref<640xf32, #tpu.memory_space<vmem>>, vector<16xf32>,
    %swap3A_200 = vector.shape_cast %swap3A_199 : vector<16xf32> to vector<16xf32>
    %swap3A_201 = vector.shape_cast %broadcast_in_dim3A_197 : vector<16xf32> to vector<16xf32>
    tpu.vector_store %arg11[%swap3A_198], %swap3A_201 {strides = array<i32>} : memref<640xf32, #tpu.memory_space<vmem>>, vector<16xf32>,
    %broadcast_in_dim3A_202 = arith.constant 0.000000e+00 : f32
    %broadcast_in_dim3A_203 = vector.broadcast %broadcast_in_dim3A_202 : f32 to vector<16xf32>
    %swap3A_204 = arith.constant 544 : index
    %swap3A_205 = tpu.vector_load %arg11[%swap3A_204] {strides = array<i32>} : memref<640xf32, #tpu.memory_space<vmem>>, vector<16xf32>,
    %swap3A_206 = vector.shape_cast %swap3A_205 : vector<16xf32> to vector<16xf32>
    %swap3A_207 = vector.shape_cast %broadcast_in_dim3A_203 : vector<16xf32> to vector<16xf32>
    tpu.vector_store %arg11[%swap3A_204], %swap3A_207 {strides = array<i32>} : memref<640xf32, #tpu.memory_space<vmem>>, vector<16xf32>,
    %broadcast_in_dim3A_208 = arith.constant 0.000000e+00 : f32
    %broadcast_in_dim3A_209 = vector.broadcast %broadcast_in_dim3A_208 : f32 to vector<16xf32>
    %swap3A_210 = arith.constant 560 : index
    %swap3A_211 = tpu.vector_load %arg11[%swap3A_210] {strides = array<i32>} : memref<640xf32, #tpu.memory_space<vmem>>, vector<16xf32>,
    %swap3A_212 = vector.shape_cast %swap3A_211 : vector<16xf32> to vector<16xf32>
    %swap3A_213 = vector.shape_cast %broadcast_in_dim3A_209 : vector<16xf32> to vector<16xf32>
    tpu.vector_store %arg11[%swap3A_210], %swap3A_213 {strides = array<i32>} : memref<640xf32, #tpu.memory_space<vmem>>, vector<16xf32>,
    %broadcast_in_dim3A_214 = arith.constant 0.000000e+00 : f32
    %broadcast_in_dim3A_215 = vector.broadcast %broadcast_in_dim3A_214 : f32 to vector<16xf32>
    %swap3A_216 = arith.constant 576 : index
    %swap3A_217 = tpu.vector_load %arg11[%swap3A_216] {strides = array<i32>} : memref<640xf32, #tpu.memory_space<vmem>>, vector<16xf32>,
    %swap3A_218 = vector.shape_cast %swap3A_217 : vector<16xf32> to vector<16xf32>
    %swap3A_219 = vector.shape_cast %broadcast_in_dim3A_215 : vector<16xf32> to vector<16xf32>
    tpu.vector_store %arg11[%swap3A_216], %swap3A_219 {strides = array<i32>} : memref<640xf32, #tpu.memory_space<vmem>>, vector<16xf32>,
    %broadcast_in_dim3A_220 = arith.constant 0.000000e+00 : f32
    %broadcast_in_dim3A_221 = vector.broadcast %broadcast_in_dim3A_220 : f32 to vector<16xf32>
    %swap3A_222 = arith.constant 592 : index
    %swap3A_223 = tpu.vector_load %arg11[%swap3A_222] {strides = array<i32>} : memref<640xf32, #tpu.memory_space<vmem>>, vector<16xf32>,
    %swap3A_224 = vector.shape_cast %swap3A_223 : vector<16xf32> to vector<16xf32>
    %swap3A_225 = vector.shape_cast %broadcast_in_dim3A_221 : vector<16xf32> to vector<16xf32>
    tpu.vector_store %arg11[%swap3A_222], %swap3A_225 {strides = array<i32>} : memref<640xf32, #tpu.memory_space<vmem>>, vector<16xf32>,
    %broadcast_in_dim3A_226 = arith.constant 0.000000e+00 : f32
    %broadcast_in_dim3A_227 = vector.broadcast %broadcast_in_dim3A_226 : f32 to vector<16xf32>
    %swap3A_228 = arith.constant 608 : index
    %swap3A_229 = tpu.vector_load %arg11[%swap3A_228] {strides = array<i32>} : memref<640xf32, #tpu.memory_space<vmem>>, vector<16xf32>,
    %swap3A_230 = vector.shape_cast %swap3A_229 : vector<16xf32> to vector<16xf32>
    %swap3A_231 = vector.shape_cast %broadcast_in_dim3A_227 : vector<16xf32> to vector<16xf32>
    tpu.vector_store %arg11[%swap3A_228], %swap3A_231 {strides = array<i32>} : memref<640xf32, #tpu.memory_space<vmem>>, vector<16xf32>,
    %broadcast_in_dim3A_232 = arith.constant 0.000000e+00 : f32
    %broadcast_in_dim3A_233 = vector.broadcast %broadcast_in_dim3A_232 : f32 to vector<16xf32>
    %swap3A_234 = arith.constant 624 : index
    %swap3A_235 = tpu.vector_load %arg11[%swap3A_234] {strides = array<i32>} : memref<640xf32, #tpu.memory_space<vmem>>, vector<16xf32>,
    %swap3A_236 = vector.shape_cast %swap3A_235 : vector<16xf32> to vector<16xf32>
    %swap3A_237 = vector.shape_cast %broadcast_in_dim3A_233 : vector<16xf32> to vector<16xf32>
    tpu.vector_store %arg11[%swap3A_234], %swap3A_237 {strides = array<i32>} : memref<640xf32, #tpu.memory_space<vmem>>, vector<16xf32>,
    %eq3A = arith.constant 0 : i32
    %eq3A_238 = arith.cmpi eq, %arg0, %eq3A : i32
    %convert_element_type3A = arith.extui %eq3A_238 : i1 to i32
    %cond3A = arith.constant 0 : i32
    %cond3A_239 = arith.cmpi ne, %convert_element_type3A, %cond3A : i32
    scf.if %cond3A_239 {
      %mul3A = arith.constant 640 : i32
      %mul3A_245 = arith.muli %arg1, %mul3A : i32
      "tpu.region"() ({
        %run_scoped3A = tpu.sem_alloc : memref<!tpu.dma_semaphore, #tpu.memory_space<semaphore_mem>>
        %dma_start3A = arith.constant 0 : i32
        %dma_start3A_1007 = tpu.memref_slice %arg11[%dma_start3A] : memref<640xf32, #tpu.memory_space<vmem>> -> memref<640xf32, #tpu.memory_space<vmem>>
        %dma_start3A_1008 = tpu.memref_slice %arg7[%mul3A_245] : memref<10240xf32, #tpu.memory_space<vmem_shared>> -> memref<640xf32, #tpu.memory_space<vmem_shared>>
        %dma_start3A_1009 = tpu.memref_slice %arg7[%mul3A_245] : memref<10240xf32, #tpu.memory_space<vmem_shared>> -> memref<640xf32, #tpu.memory_space<vmem_shared>>
        %dma_start3A_1010 = arith.constant 0 : i32
        %dma_start3A_1011 = tpu.memref_slice %arg11[%dma_start3A_1010] : memref<640xf32, #tpu.memory_space<vmem>> -> memref<640xf32, #tpu.memory_space<vmem>>
        tpu.enqueue_dma source(%dma_start3A_1011 : memref<640xf32, #tpu.memory_space<vmem>>) target(%dma_start3A_1009 : memref<640xf32, #tpu.memory_space<vmem_shared>>) target_semaphore(%run_scoped3A : memref<!tpu.dma_semaphore, #tpu.memory_space<semaphore_mem>>)
        %dma_wait3A = arith.constant 0 : i32
        %dma_wait3A_1012 = tpu.memref_slice %arg11[%dma_wait3A] : memref<640xf32, #tpu.memory_space<vmem>> -> memref<640xf32, #tpu.memory_space<vmem>>
        %dma_wait3A_1013 = tpu.memref_slice %arg7[%mul3A_245] : memref<10240xf32, #tpu.memory_space<vmem_shared>> -> memref<640xf32, #tpu.memory_space<vmem_shared>>
        %dma_wait3A_1014 = tpu.memref_slice %arg7[%mul3A_245] : memref<10240xf32, #tpu.memory_space<vmem_shared>> -> memref<640xf32, #tpu.memory_space<vmem_shared>>
        %dma_wait3A_1015 = arith.constant 0 : i32
        %dma_wait3A_1016 = tpu.memref_slice %arg11[%dma_wait3A_1015] : memref<640xf32, #tpu.memory_space<vmem>> -> memref<640xf32, #tpu.memory_space<vmem>>
        tpu.wait_dma2 semaphore(%run_scoped3A : memref<!tpu.dma_semaphore, #tpu.memory_space<semaphore_mem>>) src(%dma_wait3A_1016 : memref<640xf32, #tpu.memory_space<vmem>>) dst(%dma_wait3A_1014 : memref<640xf32, #tpu.memory_space<vmem_shared>>)
        tpu.yield
      }) : () -> ()
      %mul3A_246 = arith.constant 20000 : i32
      %mul3A_247 = arith.muli %arg1, %mul3A_246 : i32
      "tpu.region"() ({
        %run_scoped3A = tpu.sem_alloc : memref<!tpu.dma_semaphore, #tpu.memory_space<semaphore_mem>>
        %dma_start3A = tpu.memref_slice %arg2[%mul3A_247] : memref<320000xi32, #tpu.memory_space<hbm>> -> memref<20000xi32, #tpu.memory_space<hbm>>
        %dma_start3A_1007 = tpu.memref_slice %arg2[%mul3A_247] : memref<320000xi32, #tpu.memory_space<hbm>> -> memref<20000xi32, #tpu.memory_space<hbm>>
        tpu.enqueue_dma source(%dma_start3A_1007 : memref<20000xi32, #tpu.memory_space<hbm>>) target(%arg9 : memref<20000xi32, #tpu.memory_space<vmem>>) target_semaphore(%run_scoped3A : memref<!tpu.dma_semaphore, #tpu.memory_space<semaphore_mem>>)
        %dma_wait3A = tpu.memref_slice %arg2[%mul3A_247] : memref<320000xi32, #tpu.memory_space<hbm>> -> memref<20000xi32, #tpu.memory_space<hbm>>
        %dma_wait3A_1008 = tpu.memref_slice %arg2[%mul3A_247] : memref<320000xi32, #tpu.memory_space<hbm>> -> memref<20000xi32, #tpu.memory_space<hbm>>
        tpu.wait_dma2 semaphore(%run_scoped3A : memref<!tpu.dma_semaphore, #tpu.memory_space<semaphore_mem>>) src(%dma_wait3A_1008 : memref<20000xi32, #tpu.memory_space<hbm>>) dst(%arg9 : memref<20000xi32, #tpu.memory_space<vmem>>)
        tpu.yield
      }) : () -> ()
      %barrier3A = arith.constant 0 : index
      tpu.barrier barrier_id(%barrier3A)
      "tpu.region"() ({
        %run_scoped3A = tpu.sem_alloc : memref<!tpu.dma_semaphore, #tpu.memory_space<semaphore_mem>>
        %dma_start3A = arith.constant 0 : i32
        %dma_start3A_1007 = tpu.memref_slice %arg7[%dma_start3A] : memref<10240xf32, #tpu.memory_space<vmem_shared>> -> memref<10240xf32, #tpu.memory_space<vmem_shared>>
        tpu.enqueue_indirect_dma source(%arg10 : memref<20000xf32, #tpu.memory_space<vmem>>) target(%dma_start3A_1007 : memref<10240xf32, #tpu.memory_space<vmem_shared>>) offsets(%arg9 : memref<20000xi32, #tpu.memory_space<vmem>>) semaphore(%run_scoped3A : memref<!tpu.dma_semaphore, #tpu.memory_space<semaphore_mem>>) {add = true}
        %dma_wait3A = arith.constant 0 : i32
        %dma_wait3A_1008 = tpu.memref_slice %arg7[%dma_wait3A] : memref<10240xf32, #tpu.memory_space<vmem_shared>> -> memref<10240xf32, #tpu.memory_space<vmem_shared>>
        tpu.wait_indirect_dma semaphore(%run_scoped3A : memref<!tpu.dma_semaphore, #tpu.memory_space<semaphore_mem>>) src(%arg10 : memref<20000xf32, #tpu.memory_space<vmem>>) dst(%dma_wait3A_1008 : memref<10240xf32, #tpu.memory_space<vmem_shared>>)
        tpu.yield
      }) : () -> ()
      %barrier3A_248 = arith.constant 0 : index
      tpu.barrier barrier_id(%barrier3A_248)
      %mul3A_249 = arith.constant 640 : i32
      %mul3A_250 = arith.muli %arg1, %mul3A_249 : i32
      "tpu.region"() ({
        %run_scoped3A = tpu.sem_alloc : memref<!tpu.dma_semaphore, #tpu.memory_space<semaphore_mem>>
        %dma_start3A = arith.constant 0 : i32
        %dma_start3A_1007 = tpu.memref_slice %arg11[%dma_start3A] : memref<640xf32, #tpu.memory_space<vmem>> -> memref<640xf32, #tpu.memory_space<vmem>>
        %dma_start3A_1008 = tpu.memref_slice %arg7[%mul3A_250] : memref<10240xf32, #tpu.memory_space<vmem_shared>> -> memref<640xf32, #tpu.memory_space<vmem_shared>>
        %dma_start3A_1009 = arith.constant 0 : i32
        %dma_start3A_1010 = tpu.memref_slice %arg11[%dma_start3A_1009] : memref<640xf32, #tpu.memory_space<vmem>> -> memref<640xf32, #tpu.memory_space<vmem>>
        %dma_start3A_1011 = tpu.memref_slice %arg7[%mul3A_250] : memref<10240xf32, #tpu.memory_space<vmem_shared>> -> memref<640xf32, #tpu.memory_space<vmem_shared>>
        tpu.enqueue_dma source(%dma_start3A_1011 : memref<640xf32, #tpu.memory_space<vmem_shared>>) target(%dma_start3A_1010 : memref<640xf32, #tpu.memory_space<vmem>>) target_semaphore(%run_scoped3A : memref<!tpu.dma_semaphore, #tpu.memory_space<semaphore_mem>>)
        %dma_wait3A = arith.constant 0 : i32
        %dma_wait3A_1012 = tpu.memref_slice %arg11[%dma_wait3A] : memref<640xf32, #tpu.memory_space<vmem>> -> memref<640xf32, #tpu.memory_space<vmem>>
        %dma_wait3A_1013 = tpu.memref_slice %arg7[%mul3A_250] : memref<10240xf32, #tpu.memory_space<vmem_shared>> -> memref<640xf32, #tpu.memory_space<vmem_shared>>
        %dma_wait3A_1014 = arith.constant 0 : i32
        %dma_wait3A_1015 = tpu.memref_slice %arg11[%dma_wait3A_1014] : memref<640xf32, #tpu.memory_space<vmem>> -> memref<640xf32, #tpu.memory_space<vmem>>
        %dma_wait3A_1016 = tpu.memref_slice %arg7[%mul3A_250] : memref<10240xf32, #tpu.memory_space<vmem_shared>> -> memref<640xf32, #tpu.memory_space<vmem_shared>>
        tpu.wait_dma2 semaphore(%run_scoped3A : memref<!tpu.dma_semaphore, #tpu.memory_space<semaphore_mem>>) src(%dma_wait3A_1016 : memref<640xf32, #tpu.memory_space<vmem_shared>>) dst(%dma_wait3A_1015 : memref<640xf32, #tpu.memory_space<vmem>>)
        tpu.yield
      }) : () -> ()
      %get3A = arith.constant 0 : index
      %get3A_251 = tpu.vector_load %arg11[%get3A] {strides = array<i32>} : memref<640xf32, #tpu.memory_space<vmem>>, vector<16xf32>,
      %get3A_252 = vector.shape_cast %get3A_251 : vector<16xf32> to vector<16xf32>
      %gt3A = arith.constant 0.000000e+00 : f32
      %gt3A_253 = vector.broadcast %gt3A : f32 to vector<16xf32>
      %gt3A_254 = arith.cmpf ogt, %get3A_252, %gt3A_253 : vector<16xf32>
      %max3A = arith.constant 1.000000e+00 : f32
      %max3A_255 = vector.broadcast %max3A : f32 to vector<16xf32>
      %max3A_256 = arith.maximumf %get3A_252, %max3A_255 : vector<16xf32>
      %div3A = arith.constant 1.000000e+00 : f32
      %div3A_257 = vector.broadcast %div3A : f32 to vector<16xf32>
      %div3A_258 = arith.divf %div3A_257, %max3A_256 : vector<16xf32>
      %jit3A = arith.constant 0.000000e+00 : f32
      %broadcast_in_dim3A_259 = vector.broadcast %jit3A : f32 to vector<16xf32>
      %select_n3A = arith.select %gt3A_254, %div3A_258, %broadcast_in_dim3A_259 : vector<16xi1>, vector<16xf32>
      %swap3A_260 = arith.constant 0 : index
      %swap3A_261 = tpu.vector_load %arg11[%swap3A_260] {strides = array<i32>} : memref<640xf32, #tpu.memory_space<vmem>>, vector<16xf32>,
      %swap3A_262 = vector.shape_cast %swap3A_261 : vector<16xf32> to vector<16xf32>
      %swap3A_263 = vector.shape_cast %select_n3A : vector<16xf32> to vector<16xf32>
      tpu.vector_store %arg11[%swap3A_260], %swap3A_263 {strides = array<i32>} : memref<640xf32, #tpu.memory_space<vmem>>, vector<16xf32>,
      %get3A_264 = arith.constant 16 : index
      %get3A_265 = tpu.vector_load %arg11[%get3A_264] {strides = array<i32>} : memref<640xf32, #tpu.memory_space<vmem>>, vector<16xf32>,
      %get3A_266 = vector.shape_cast %get3A_265 : vector<16xf32> to vector<16xf32>
      %gt3A_267 = arith.constant 0.000000e+00 : f32
      %gt3A_268 = vector.broadcast %gt3A_267 : f32 to vector<16xf32>
      %gt3A_269 = arith.cmpf ogt, %get3A_266, %gt3A_268 : vector<16xf32>
      %max3A_270 = arith.constant 1.000000e+00 : f32
      %max3A_271 = vector.broadcast %max3A_270 : f32 to vector<16xf32>
      %max3A_272 = arith.maximumf %get3A_266, %max3A_271 : vector<16xf32>
      %div3A_273 = arith.constant 1.000000e+00 : f32
      %div3A_274 = vector.broadcast %div3A_273 : f32 to vector<16xf32>
      %div3A_275 = arith.divf %div3A_274, %max3A_272 : vector<16xf32>
      %jit3A_276 = arith.constant 0.000000e+00 : f32
      %broadcast_in_dim3A_277 = vector.broadcast %jit3A_276 : f32 to vector<16xf32>
      %select_n3A_278 = arith.select %gt3A_269, %div3A_275, %broadcast_in_dim3A_277 : vector<16xi1>, vector<16xf32>
      %swap3A_279 = arith.constant 16 : index
      %swap3A_280 = tpu.vector_load %arg11[%swap3A_279] {strides = array<i32>} : memref<640xf32, #tpu.memory_space<vmem>>, vector<16xf32>,
      %swap3A_281 = vector.shape_cast %swap3A_280 : vector<16xf32> to vector<16xf32>
      %swap3A_282 = vector.shape_cast %select_n3A_278 : vector<16xf32> to vector<16xf32>
      tpu.vector_store %arg11[%swap3A_279], %swap3A_282 {strides = array<i32>} : memref<640xf32, #tpu.memory_space<vmem>>, vector<16xf32>,
      %get3A_283 = arith.constant 32 : index
      %get3A_284 = tpu.vector_load %arg11[%get3A_283] {strides = array<i32>} : memref<640xf32, #tpu.memory_space<vmem>>, vector<16xf32>,
      %get3A_285 = vector.shape_cast %get3A_284 : vector<16xf32> to vector<16xf32>
      %gt3A_286 = arith.constant 0.000000e+00 : f32
      %gt3A_287 = vector.broadcast %gt3A_286 : f32 to vector<16xf32>
      %gt3A_288 = arith.cmpf ogt, %get3A_285, %gt3A_287 : vector<16xf32>
      %max3A_289 = arith.constant 1.000000e+00 : f32
      %max3A_290 = vector.broadcast %max3A_289 : f32 to vector<16xf32>
      %max3A_291 = arith.maximumf %get3A_285, %max3A_290 : vector<16xf32>
      %div3A_292 = arith.constant 1.000000e+00 : f32
      %div3A_293 = vector.broadcast %div3A_292 : f32 to vector<16xf32>
      %div3A_294 = arith.divf %div3A_293, %max3A_291 : vector<16xf32>
      %jit3A_295 = arith.constant 0.000000e+00 : f32
      %broadcast_in_dim3A_296 = vector.broadcast %jit3A_295 : f32 to vector<16xf32>
      %select_n3A_297 = arith.select %gt3A_288, %div3A_294, %broadcast_in_dim3A_296 : vector<16xi1>, vector<16xf32>
      %swap3A_298 = arith.constant 32 : index
      %swap3A_299 = tpu.vector_load %arg11[%swap3A_298] {strides = array<i32>} : memref<640xf32, #tpu.memory_space<vmem>>, vector<16xf32>,
      %swap3A_300 = vector.shape_cast %swap3A_299 : vector<16xf32> to vector<16xf32>
      %swap3A_301 = vector.shape_cast %select_n3A_297 : vector<16xf32> to vector<16xf32>
      tpu.vector_store %arg11[%swap3A_298], %swap3A_301 {strides = array<i32>} : memref<640xf32, #tpu.memory_space<vmem>>, vector<16xf32>,
      %get3A_302 = arith.constant 48 : index
      %get3A_303 = tpu.vector_load %arg11[%get3A_302] {strides = array<i32>} : memref<640xf32, #tpu.memory_space<vmem>>, vector<16xf32>,
      %get3A_304 = vector.shape_cast %get3A_303 : vector<16xf32> to vector<16xf32>
      %gt3A_305 = arith.constant 0.000000e+00 : f32
      %gt3A_306 = vector.broadcast %gt3A_305 : f32 to vector<16xf32>
      %gt3A_307 = arith.cmpf ogt, %get3A_304, %gt3A_306 : vector<16xf32>
      %max3A_308 = arith.constant 1.000000e+00 : f32
      %max3A_309 = vector.broadcast %max3A_308 : f32 to vector<16xf32>
      %max3A_310 = arith.maximumf %get3A_304, %max3A_309 : vector<16xf32>
      %div3A_311 = arith.constant 1.000000e+00 : f32
      %div3A_312 = vector.broadcast %div3A_311 : f32 to vector<16xf32>
      %div3A_313 = arith.divf %div3A_312, %max3A_310 : vector<16xf32>
      %jit3A_314 = arith.constant 0.000000e+00 : f32
      %broadcast_in_dim3A_315 = vector.broadcast %jit3A_314 : f32 to vector<16xf32>
      %select_n3A_316 = arith.select %gt3A_307, %div3A_313, %broadcast_in_dim3A_315 : vector<16xi1>, vector<16xf32>
      %swap3A_317 = arith.constant 48 : index
      %swap3A_318 = tpu.vector_load %arg11[%swap3A_317] {strides = array<i32>} : memref<640xf32, #tpu.memory_space<vmem>>, vector<16xf32>,
      %swap3A_319 = vector.shape_cast %swap3A_318 : vector<16xf32> to vector<16xf32>
      %swap3A_320 = vector.shape_cast %select_n3A_316 : vector<16xf32> to vector<16xf32>
      tpu.vector_store %arg11[%swap3A_317], %swap3A_320 {strides = array<i32>} : memref<640xf32, #tpu.memory_space<vmem>>, vector<16xf32>,
      %get3A_321 = arith.constant 64 : index
      %get3A_322 = tpu.vector_load %arg11[%get3A_321] {strides = array<i32>} : memref<640xf32, #tpu.memory_space<vmem>>, vector<16xf32>,
      %get3A_323 = vector.shape_cast %get3A_322 : vector<16xf32> to vector<16xf32>
      %gt3A_324 = arith.constant 0.000000e+00 : f32
      %gt3A_325 = vector.broadcast %gt3A_324 : f32 to vector<16xf32>
      %gt3A_326 = arith.cmpf ogt, %get3A_323, %gt3A_325 : vector<16xf32>
      %max3A_327 = arith.constant 1.000000e+00 : f32
      %max3A_328 = vector.broadcast %max3A_327 : f32 to vector<16xf32>
      %max3A_329 = arith.maximumf %get3A_323, %max3A_328 : vector<16xf32>
      %div3A_330 = arith.constant 1.000000e+00 : f32
      %div3A_331 = vector.broadcast %div3A_330 : f32 to vector<16xf32>
      %div3A_332 = arith.divf %div3A_331, %max3A_329 : vector<16xf32>
      %jit3A_333 = arith.constant 0.000000e+00 : f32
      %broadcast_in_dim3A_334 = vector.broadcast %jit3A_333 : f32 to vector<16xf32>
      %select_n3A_335 = arith.select %gt3A_326, %div3A_332, %broadcast_in_dim3A_334 : vector<16xi1>, vector<16xf32>
      %swap3A_336 = arith.constant 64 : index
      %swap3A_337 = tpu.vector_load %arg11[%swap3A_336] {strides = array<i32>} : memref<640xf32, #tpu.memory_space<vmem>>, vector<16xf32>,
      %swap3A_338 = vector.shape_cast %swap3A_337 : vector<16xf32> to vector<16xf32>
      %swap3A_339 = vector.shape_cast %select_n3A_335 : vector<16xf32> to vector<16xf32>
      tpu.vector_store %arg11[%swap3A_336], %swap3A_339 {strides = array<i32>} : memref<640xf32, #tpu.memory_space<vmem>>, vector<16xf32>,
      %get3A_340 = arith.constant 80 : index
      %get3A_341 = tpu.vector_load %arg11[%get3A_340] {strides = array<i32>} : memref<640xf32, #tpu.memory_space<vmem>>, vector<16xf32>,
      %get3A_342 = vector.shape_cast %get3A_341 : vector<16xf32> to vector<16xf32>
      %gt3A_343 = arith.constant 0.000000e+00 : f32
      %gt3A_344 = vector.broadcast %gt3A_343 : f32 to vector<16xf32>
      %gt3A_345 = arith.cmpf ogt, %get3A_342, %gt3A_344 : vector<16xf32>
      %max3A_346 = arith.constant 1.000000e+00 : f32
      %max3A_347 = vector.broadcast %max3A_346 : f32 to vector<16xf32>
      %max3A_348 = arith.maximumf %get3A_342, %max3A_347 : vector<16xf32>
      %div3A_349 = arith.constant 1.000000e+00 : f32
      %div3A_350 = vector.broadcast %div3A_349 : f32 to vector<16xf32>
      %div3A_351 = arith.divf %div3A_350, %max3A_348 : vector<16xf32>
      %jit3A_352 = arith.constant 0.000000e+00 : f32
      %broadcast_in_dim3A_353 = vector.broadcast %jit3A_352 : f32 to vector<16xf32>
      %select_n3A_354 = arith.select %gt3A_345, %div3A_351, %broadcast_in_dim3A_353 : vector<16xi1>, vector<16xf32>
      %swap3A_355 = arith.constant 80 : index
      %swap3A_356 = tpu.vector_load %arg11[%swap3A_355] {strides = array<i32>} : memref<640xf32, #tpu.memory_space<vmem>>, vector<16xf32>,
      %swap3A_357 = vector.shape_cast %swap3A_356 : vector<16xf32> to vector<16xf32>
      %swap3A_358 = vector.shape_cast %select_n3A_354 : vector<16xf32> to vector<16xf32>
      tpu.vector_store %arg11[%swap3A_355], %swap3A_358 {strides = array<i32>} : memref<640xf32, #tpu.memory_space<vmem>>, vector<16xf32>,
      %get3A_359 = arith.constant 96 : index
      %get3A_360 = tpu.vector_load %arg11[%get3A_359] {strides = array<i32>} : memref<640xf32, #tpu.memory_space<vmem>>, vector<16xf32>,
      %get3A_361 = vector.shape_cast %get3A_360 : vector<16xf32> to vector<16xf32>
      %gt3A_362 = arith.constant 0.000000e+00 : f32
      %gt3A_363 = vector.broadcast %gt3A_362 : f32 to vector<16xf32>
      %gt3A_364 = arith.cmpf ogt, %get3A_361, %gt3A_363 : vector<16xf32>
      %max3A_365 = arith.constant 1.000000e+00 : f32
      %max3A_366 = vector.broadcast %max3A_365 : f32 to vector<16xf32>
      %max3A_367 = arith.maximumf %get3A_361, %max3A_366 : vector<16xf32>
      %div3A_368 = arith.constant 1.000000e+00 : f32
      %div3A_369 = vector.broadcast %div3A_368 : f32 to vector<16xf32>
      %div3A_370 = arith.divf %div3A_369, %max3A_367 : vector<16xf32>
      %jit3A_371 = arith.constant 0.000000e+00 : f32
      %broadcast_in_dim3A_372 = vector.broadcast %jit3A_371 : f32 to vector<16xf32>
      %select_n3A_373 = arith.select %gt3A_364, %div3A_370, %broadcast_in_dim3A_372 : vector<16xi1>, vector<16xf32>
      %swap3A_374 = arith.constant 96 : index
      %swap3A_375 = tpu.vector_load %arg11[%swap3A_374] {strides = array<i32>} : memref<640xf32, #tpu.memory_space<vmem>>, vector<16xf32>,
      %swap3A_376 = vector.shape_cast %swap3A_375 : vector<16xf32> to vector<16xf32>
      %swap3A_377 = vector.shape_cast %select_n3A_373 : vector<16xf32> to vector<16xf32>
      tpu.vector_store %arg11[%swap3A_374], %swap3A_377 {strides = array<i32>} : memref<640xf32, #tpu.memory_space<vmem>>, vector<16xf32>,
      %get3A_378 = arith.constant 112 : index
      %get3A_379 = tpu.vector_load %arg11[%get3A_378] {strides = array<i32>} : memref<640xf32, #tpu.memory_space<vmem>>, vector<16xf32>,
      %get3A_380 = vector.shape_cast %get3A_379 : vector<16xf32> to vector<16xf32>
      %gt3A_381 = arith.constant 0.000000e+00 : f32
      %gt3A_382 = vector.broadcast %gt3A_381 : f32 to vector<16xf32>
      %gt3A_383 = arith.cmpf ogt, %get3A_380, %gt3A_382 : vector<16xf32>
      %max3A_384 = arith.constant 1.000000e+00 : f32
      %max3A_385 = vector.broadcast %max3A_384 : f32 to vector<16xf32>
      %max3A_386 = arith.maximumf %get3A_380, %max3A_385 : vector<16xf32>
      %div3A_387 = arith.constant 1.000000e+00 : f32
      %div3A_388 = vector.broadcast %div3A_387 : f32 to vector<16xf32>
      %div3A_389 = arith.divf %div3A_388, %max3A_386 : vector<16xf32>
      %jit3A_390 = arith.constant 0.000000e+00 : f32
      %broadcast_in_dim3A_391 = vector.broadcast %jit3A_390 : f32 to vector<16xf32>
      %select_n3A_392 = arith.select %gt3A_383, %div3A_389, %broadcast_in_dim3A_391 : vector<16xi1>, vector<16xf32>
      %swap3A_393 = arith.constant 112 : index
      %swap3A_394 = tpu.vector_load %arg11[%swap3A_393] {strides = array<i32>} : memref<640xf32, #tpu.memory_space<vmem>>, vector<16xf32>,
      %swap3A_395 = vector.shape_cast %swap3A_394 : vector<16xf32> to vector<16xf32>
      %swap3A_396 = vector.shape_cast %select_n3A_392 : vector<16xf32> to vector<16xf32>
      tpu.vector_store %arg11[%swap3A_393], %swap3A_396 {strides = array<i32>} : memref<640xf32, #tpu.memory_space<vmem>>, vector<16xf32>,
      %get3A_397 = arith.constant 128 : index
      %get3A_398 = tpu.vector_load %arg11[%get3A_397] {strides = array<i32>} : memref<640xf32, #tpu.memory_space<vmem>>, vector<16xf32>,
      %get3A_399 = vector.shape_cast %get3A_398 : vector<16xf32> to vector<16xf32>
      %gt3A_400 = arith.constant 0.000000e+00 : f32
      %gt3A_401 = vector.broadcast %gt3A_400 : f32 to vector<16xf32>
      %gt3A_402 = arith.cmpf ogt, %get3A_399, %gt3A_401 : vector<16xf32>
      %max3A_403 = arith.constant 1.000000e+00 : f32
      %max3A_404 = vector.broadcast %max3A_403 : f32 to vector<16xf32>
      %max3A_405 = arith.maximumf %get3A_399, %max3A_404 : vector<16xf32>
      %div3A_406 = arith.constant 1.000000e+00 : f32
      %div3A_407 = vector.broadcast %div3A_406 : f32 to vector<16xf32>
      %div3A_408 = arith.divf %div3A_407, %max3A_405 : vector<16xf32>
      %jit3A_409 = arith.constant 0.000000e+00 : f32
      %broadcast_in_dim3A_410 = vector.broadcast %jit3A_409 : f32 to vector<16xf32>
      %select_n3A_411 = arith.select %gt3A_402, %div3A_408, %broadcast_in_dim3A_410 : vector<16xi1>, vector<16xf32>
      %swap3A_412 = arith.constant 128 : index
      %swap3A_413 = tpu.vector_load %arg11[%swap3A_412] {strides = array<i32>} : memref<640xf32, #tpu.memory_space<vmem>>, vector<16xf32>,
      %swap3A_414 = vector.shape_cast %swap3A_413 : vector<16xf32> to vector<16xf32>
      %swap3A_415 = vector.shape_cast %select_n3A_411 : vector<16xf32> to vector<16xf32>
      tpu.vector_store %arg11[%swap3A_412], %swap3A_415 {strides = array<i32>} : memref<640xf32, #tpu.memory_space<vmem>>, vector<16xf32>,
      %get3A_416 = arith.constant 144 : index
      %get3A_417 = tpu.vector_load %arg11[%get3A_416] {strides = array<i32>} : memref<640xf32, #tpu.memory_space<vmem>>, vector<16xf32>,
      %get3A_418 = vector.shape_cast %get3A_417 : vector<16xf32> to vector<16xf32>
      %gt3A_419 = arith.constant 0.000000e+00 : f32
      %gt3A_420 = vector.broadcast %gt3A_419 : f32 to vector<16xf32>
      %gt3A_421 = arith.cmpf ogt, %get3A_418, %gt3A_420 : vector<16xf32>
      %max3A_422 = arith.constant 1.000000e+00 : f32
      %max3A_423 = vector.broadcast %max3A_422 : f32 to vector<16xf32>
      %max3A_424 = arith.maximumf %get3A_418, %max3A_423 : vector<16xf32>
      %div3A_425 = arith.constant 1.000000e+00 : f32
      %div3A_426 = vector.broadcast %div3A_425 : f32 to vector<16xf32>
      %div3A_427 = arith.divf %div3A_426, %max3A_424 : vector<16xf32>
      %jit3A_428 = arith.constant 0.000000e+00 : f32
      %broadcast_in_dim3A_429 = vector.broadcast %jit3A_428 : f32 to vector<16xf32>
      %select_n3A_430 = arith.select %gt3A_421, %div3A_427, %broadcast_in_dim3A_429 : vector<16xi1>, vector<16xf32>
      %swap3A_431 = arith.constant 144 : index
      %swap3A_432 = tpu.vector_load %arg11[%swap3A_431] {strides = array<i32>} : memref<640xf32, #tpu.memory_space<vmem>>, vector<16xf32>,
      %swap3A_433 = vector.shape_cast %swap3A_432 : vector<16xf32> to vector<16xf32>
      %swap3A_434 = vector.shape_cast %select_n3A_430 : vector<16xf32> to vector<16xf32>
      tpu.vector_store %arg11[%swap3A_431], %swap3A_434 {strides = array<i32>} : memref<640xf32, #tpu.memory_space<vmem>>, vector<16xf32>,
      %get3A_435 = arith.constant 160 : index
      %get3A_436 = tpu.vector_load %arg11[%get3A_435] {strides = array<i32>} : memref<640xf32, #tpu.memory_space<vmem>>, vector<16xf32>,
      %get3A_437 = vector.shape_cast %get3A_436 : vector<16xf32> to vector<16xf32>
      %gt3A_438 = arith.constant 0.000000e+00 : f32
      %gt3A_439 = vector.broadcast %gt3A_438 : f32 to vector<16xf32>
      %gt3A_440 = arith.cmpf ogt, %get3A_437, %gt3A_439 : vector<16xf32>
      %max3A_441 = arith.constant 1.000000e+00 : f32
      %max3A_442 = vector.broadcast %max3A_441 : f32 to vector<16xf32>
      %max3A_443 = arith.maximumf %get3A_437, %max3A_442 : vector<16xf32>
      %div3A_444 = arith.constant 1.000000e+00 : f32
      %div3A_445 = vector.broadcast %div3A_444 : f32 to vector<16xf32>
      %div3A_446 = arith.divf %div3A_445, %max3A_443 : vector<16xf32>
      %jit3A_447 = arith.constant 0.000000e+00 : f32
      %broadcast_in_dim3A_448 = vector.broadcast %jit3A_447 : f32 to vector<16xf32>
      %select_n3A_449 = arith.select %gt3A_440, %div3A_446, %broadcast_in_dim3A_448 : vector<16xi1>, vector<16xf32>
      %swap3A_450 = arith.constant 160 : index
      %swap3A_451 = tpu.vector_load %arg11[%swap3A_450] {strides = array<i32>} : memref<640xf32, #tpu.memory_space<vmem>>, vector<16xf32>,
      %swap3A_452 = vector.shape_cast %swap3A_451 : vector<16xf32> to vector<16xf32>
      %swap3A_453 = vector.shape_cast %select_n3A_449 : vector<16xf32> to vector<16xf32>
      tpu.vector_store %arg11[%swap3A_450], %swap3A_453 {strides = array<i32>} : memref<640xf32, #tpu.memory_space<vmem>>, vector<16xf32>,
      %get3A_454 = arith.constant 176 : index
      %get3A_455 = tpu.vector_load %arg11[%get3A_454] {strides = array<i32>} : memref<640xf32, #tpu.memory_space<vmem>>, vector<16xf32>,
      %get3A_456 = vector.shape_cast %get3A_455 : vector<16xf32> to vector<16xf32>
      %gt3A_457 = arith.constant 0.000000e+00 : f32
      %gt3A_458 = vector.broadcast %gt3A_457 : f32 to vector<16xf32>
      %gt3A_459 = arith.cmpf ogt, %get3A_456, %gt3A_458 : vector<16xf32>
      %max3A_460 = arith.constant 1.000000e+00 : f32
      %max3A_461 = vector.broadcast %max3A_460 : f32 to vector<16xf32>
      %max3A_462 = arith.maximumf %get3A_456, %max3A_461 : vector<16xf32>
      %div3A_463 = arith.constant 1.000000e+00 : f32
      %div3A_464 = vector.broadcast %div3A_463 : f32 to vector<16xf32>
      %div3A_465 = arith.divf %div3A_464, %max3A_462 : vector<16xf32>
      %jit3A_466 = arith.constant 0.000000e+00 : f32
      %broadcast_in_dim3A_467 = vector.broadcast %jit3A_466 : f32 to vector<16xf32>
      %select_n3A_468 = arith.select %gt3A_459, %div3A_465, %broadcast_in_dim3A_467 : vector<16xi1>, vector<16xf32>
      %swap3A_469 = arith.constant 176 : index
      %swap3A_470 = tpu.vector_load %arg11[%swap3A_469] {strides = array<i32>} : memref<640xf32, #tpu.memory_space<vmem>>, vector<16xf32>,
      %swap3A_471 = vector.shape_cast %swap3A_470 : vector<16xf32> to vector<16xf32>
      %swap3A_472 = vector.shape_cast %select_n3A_468 : vector<16xf32> to vector<16xf32>
      tpu.vector_store %arg11[%swap3A_469], %swap3A_472 {strides = array<i32>} : memref<640xf32, #tpu.memory_space<vmem>>, vector<16xf32>,
      %get3A_473 = arith.constant 192 : index
      %get3A_474 = tpu.vector_load %arg11[%get3A_473] {strides = array<i32>} : memref<640xf32, #tpu.memory_space<vmem>>, vector<16xf32>,
      %get3A_475 = vector.shape_cast %get3A_474 : vector<16xf32> to vector<16xf32>
      %gt3A_476 = arith.constant 0.000000e+00 : f32
      %gt3A_477 = vector.broadcast %gt3A_476 : f32 to vector<16xf32>
      %gt3A_478 = arith.cmpf ogt, %get3A_475, %gt3A_477 : vector<16xf32>
      %max3A_479 = arith.constant 1.000000e+00 : f32
      %max3A_480 = vector.broadcast %max3A_479 : f32 to vector<16xf32>
      %max3A_481 = arith.maximumf %get3A_475, %max3A_480 : vector<16xf32>
      %div3A_482 = arith.constant 1.000000e+00 : f32
      %div3A_483 = vector.broadcast %div3A_482 : f32 to vector<16xf32>
      %div3A_484 = arith.divf %div3A_483, %max3A_481 : vector<16xf32>
      %jit3A_485 = arith.constant 0.000000e+00 : f32
      %broadcast_in_dim3A_486 = vector.broadcast %jit3A_485 : f32 to vector<16xf32>
      %select_n3A_487 = arith.select %gt3A_478, %div3A_484, %broadcast_in_dim3A_486 : vector<16xi1>, vector<16xf32>
      %swap3A_488 = arith.constant 192 : index
      %swap3A_489 = tpu.vector_load %arg11[%swap3A_488] {strides = array<i32>} : memref<640xf32, #tpu.memory_space<vmem>>, vector<16xf32>,
      %swap3A_490 = vector.shape_cast %swap3A_489 : vector<16xf32> to vector<16xf32>
      %swap3A_491 = vector.shape_cast %select_n3A_487 : vector<16xf32> to vector<16xf32>
      tpu.vector_store %arg11[%swap3A_488], %swap3A_491 {strides = array<i32>} : memref<640xf32, #tpu.memory_space<vmem>>, vector<16xf32>,
      %get3A_492 = arith.constant 208 : index
      %get3A_493 = tpu.vector_load %arg11[%get3A_492] {strides = array<i32>} : memref<640xf32, #tpu.memory_space<vmem>>, vector<16xf32>,
      %get3A_494 = vector.shape_cast %get3A_493 : vector<16xf32> to vector<16xf32>
      %gt3A_495 = arith.constant 0.000000e+00 : f32
      %gt3A_496 = vector.broadcast %gt3A_495 : f32 to vector<16xf32>
      %gt3A_497 = arith.cmpf ogt, %get3A_494, %gt3A_496 : vector<16xf32>
      %max3A_498 = arith.constant 1.000000e+00 : f32
      %max3A_499 = vector.broadcast %max3A_498 : f32 to vector<16xf32>
      %max3A_500 = arith.maximumf %get3A_494, %max3A_499 : vector<16xf32>
      %div3A_501 = arith.constant 1.000000e+00 : f32
      %div3A_502 = vector.broadcast %div3A_501 : f32 to vector<16xf32>
      %div3A_503 = arith.divf %div3A_502, %max3A_500 : vector<16xf32>
      %jit3A_504 = arith.constant 0.000000e+00 : f32
      %broadcast_in_dim3A_505 = vector.broadcast %jit3A_504 : f32 to vector<16xf32>
      %select_n3A_506 = arith.select %gt3A_497, %div3A_503, %broadcast_in_dim3A_505 : vector<16xi1>, vector<16xf32>
      %swap3A_507 = arith.constant 208 : index
      %swap3A_508 = tpu.vector_load %arg11[%swap3A_507] {strides = array<i32>} : memref<640xf32, #tpu.memory_space<vmem>>, vector<16xf32>,
      %swap3A_509 = vector.shape_cast %swap3A_508 : vector<16xf32> to vector<16xf32>
      %swap3A_510 = vector.shape_cast %select_n3A_506 : vector<16xf32> to vector<16xf32>
      tpu.vector_store %arg11[%swap3A_507], %swap3A_510 {strides = array<i32>} : memref<640xf32, #tpu.memory_space<vmem>>, vector<16xf32>,
      %get3A_511 = arith.constant 224 : index
      %get3A_512 = tpu.vector_load %arg11[%get3A_511] {strides = array<i32>} : memref<640xf32, #tpu.memory_space<vmem>>, vector<16xf32>,
      %get3A_513 = vector.shape_cast %get3A_512 : vector<16xf32> to vector<16xf32>
      %gt3A_514 = arith.constant 0.000000e+00 : f32
      %gt3A_515 = vector.broadcast %gt3A_514 : f32 to vector<16xf32>
      %gt3A_516 = arith.cmpf ogt, %get3A_513, %gt3A_515 : vector<16xf32>
      %max3A_517 = arith.constant 1.000000e+00 : f32
      %max3A_518 = vector.broadcast %max3A_517 : f32 to vector<16xf32>
      %max3A_519 = arith.maximumf %get3A_513, %max3A_518 : vector<16xf32>
      %div3A_520 = arith.constant 1.000000e+00 : f32
      %div3A_521 = vector.broadcast %div3A_520 : f32 to vector<16xf32>
      %div3A_522 = arith.divf %div3A_521, %max3A_519 : vector<16xf32>
      %jit3A_523 = arith.constant 0.000000e+00 : f32
      %broadcast_in_dim3A_524 = vector.broadcast %jit3A_523 : f32 to vector<16xf32>
      %select_n3A_525 = arith.select %gt3A_516, %div3A_522, %broadcast_in_dim3A_524 : vector<16xi1>, vector<16xf32>
      %swap3A_526 = arith.constant 224 : index
      %swap3A_527 = tpu.vector_load %arg11[%swap3A_526] {strides = array<i32>} : memref<640xf32, #tpu.memory_space<vmem>>, vector<16xf32>,
      %swap3A_528 = vector.shape_cast %swap3A_527 : vector<16xf32> to vector<16xf32>
      %swap3A_529 = vector.shape_cast %select_n3A_525 : vector<16xf32> to vector<16xf32>
      tpu.vector_store %arg11[%swap3A_526], %swap3A_529 {strides = array<i32>} : memref<640xf32, #tpu.memory_space<vmem>>, vector<16xf32>,
      %get3A_530 = arith.constant 240 : index
      %get3A_531 = tpu.vector_load %arg11[%get3A_530] {strides = array<i32>} : memref<640xf32, #tpu.memory_space<vmem>>, vector<16xf32>,
      %get3A_532 = vector.shape_cast %get3A_531 : vector<16xf32> to vector<16xf32>
      %gt3A_533 = arith.constant 0.000000e+00 : f32
      %gt3A_534 = vector.broadcast %gt3A_533 : f32 to vector<16xf32>
      %gt3A_535 = arith.cmpf ogt, %get3A_532, %gt3A_534 : vector<16xf32>
      %max3A_536 = arith.constant 1.000000e+00 : f32
      %max3A_537 = vector.broadcast %max3A_536 : f32 to vector<16xf32>
      %max3A_538 = arith.maximumf %get3A_532, %max3A_537 : vector<16xf32>
      %div3A_539 = arith.constant 1.000000e+00 : f32
      %div3A_540 = vector.broadcast %div3A_539 : f32 to vector<16xf32>
      %div3A_541 = arith.divf %div3A_540, %max3A_538 : vector<16xf32>
      %jit3A_542 = arith.constant 0.000000e+00 : f32
      %broadcast_in_dim3A_543 = vector.broadcast %jit3A_542 : f32 to vector<16xf32>
      %select_n3A_544 = arith.select %gt3A_535, %div3A_541, %broadcast_in_dim3A_543 : vector<16xi1>, vector<16xf32>
      %swap3A_545 = arith.constant 240 : index
      %swap3A_546 = tpu.vector_load %arg11[%swap3A_545] {strides = array<i32>} : memref<640xf32, #tpu.memory_space<vmem>>, vector<16xf32>,
      %swap3A_547 = vector.shape_cast %swap3A_546 : vector<16xf32> to vector<16xf32>
      %swap3A_548 = vector.shape_cast %select_n3A_544 : vector<16xf32> to vector<16xf32>
      tpu.vector_store %arg11[%swap3A_545], %swap3A_548 {strides = array<i32>} : memref<640xf32, #tpu.memory_space<vmem>>, vector<16xf32>,
      %get3A_549 = arith.constant 256 : index
      %get3A_550 = tpu.vector_load %arg11[%get3A_549] {strides = array<i32>} : memref<640xf32, #tpu.memory_space<vmem>>, vector<16xf32>,
      %get3A_551 = vector.shape_cast %get3A_550 : vector<16xf32> to vector<16xf32>
      %gt3A_552 = arith.constant 0.000000e+00 : f32
      %gt3A_553 = vector.broadcast %gt3A_552 : f32 to vector<16xf32>
      %gt3A_554 = arith.cmpf ogt, %get3A_551, %gt3A_553 : vector<16xf32>
      %max3A_555 = arith.constant 1.000000e+00 : f32
      %max3A_556 = vector.broadcast %max3A_555 : f32 to vector<16xf32>
      %max3A_557 = arith.maximumf %get3A_551, %max3A_556 : vector<16xf32>
      %div3A_558 = arith.constant 1.000000e+00 : f32
      %div3A_559 = vector.broadcast %div3A_558 : f32 to vector<16xf32>
      %div3A_560 = arith.divf %div3A_559, %max3A_557 : vector<16xf32>
      %jit3A_561 = arith.constant 0.000000e+00 : f32
      %broadcast_in_dim3A_562 = vector.broadcast %jit3A_561 : f32 to vector<16xf32>
      %select_n3A_563 = arith.select %gt3A_554, %div3A_560, %broadcast_in_dim3A_562 : vector<16xi1>, vector<16xf32>
      %swap3A_564 = arith.constant 256 : index
      %swap3A_565 = tpu.vector_load %arg11[%swap3A_564] {strides = array<i32>} : memref<640xf32, #tpu.memory_space<vmem>>, vector<16xf32>,
      %swap3A_566 = vector.shape_cast %swap3A_565 : vector<16xf32> to vector<16xf32>
      %swap3A_567 = vector.shape_cast %select_n3A_563 : vector<16xf32> to vector<16xf32>
      tpu.vector_store %arg11[%swap3A_564], %swap3A_567 {strides = array<i32>} : memref<640xf32, #tpu.memory_space<vmem>>, vector<16xf32>,
      %get3A_568 = arith.constant 272 : index
      %get3A_569 = tpu.vector_load %arg11[%get3A_568] {strides = array<i32>} : memref<640xf32, #tpu.memory_space<vmem>>, vector<16xf32>,
      %get3A_570 = vector.shape_cast %get3A_569 : vector<16xf32> to vector<16xf32>
      %gt3A_571 = arith.constant 0.000000e+00 : f32
      %gt3A_572 = vector.broadcast %gt3A_571 : f32 to vector<16xf32>
      %gt3A_573 = arith.cmpf ogt, %get3A_570, %gt3A_572 : vector<16xf32>
      %max3A_574 = arith.constant 1.000000e+00 : f32
      %max3A_575 = vector.broadcast %max3A_574 : f32 to vector<16xf32>
      %max3A_576 = arith.maximumf %get3A_570, %max3A_575 : vector<16xf32>
      %div3A_577 = arith.constant 1.000000e+00 : f32
      %div3A_578 = vector.broadcast %div3A_577 : f32 to vector<16xf32>
      %div3A_579 = arith.divf %div3A_578, %max3A_576 : vector<16xf32>
      %jit3A_580 = arith.constant 0.000000e+00 : f32
      %broadcast_in_dim3A_581 = vector.broadcast %jit3A_580 : f32 to vector<16xf32>
      %select_n3A_582 = arith.select %gt3A_573, %div3A_579, %broadcast_in_dim3A_581 : vector<16xi1>, vector<16xf32>
      %swap3A_583 = arith.constant 272 : index
      %swap3A_584 = tpu.vector_load %arg11[%swap3A_583] {strides = array<i32>} : memref<640xf32, #tpu.memory_space<vmem>>, vector<16xf32>,
      %swap3A_585 = vector.shape_cast %swap3A_584 : vector<16xf32> to vector<16xf32>
      %swap3A_586 = vector.shape_cast %select_n3A_582 : vector<16xf32> to vector<16xf32>
      tpu.vector_store %arg11[%swap3A_583], %swap3A_586 {strides = array<i32>} : memref<640xf32, #tpu.memory_space<vmem>>, vector<16xf32>,
      %get3A_587 = arith.constant 288 : index
      %get3A_588 = tpu.vector_load %arg11[%get3A_587] {strides = array<i32>} : memref<640xf32, #tpu.memory_space<vmem>>, vector<16xf32>,
      %get3A_589 = vector.shape_cast %get3A_588 : vector<16xf32> to vector<16xf32>
      %gt3A_590 = arith.constant 0.000000e+00 : f32
      %gt3A_591 = vector.broadcast %gt3A_590 : f32 to vector<16xf32>
      %gt3A_592 = arith.cmpf ogt, %get3A_589, %gt3A_591 : vector<16xf32>
      %max3A_593 = arith.constant 1.000000e+00 : f32
      %max3A_594 = vector.broadcast %max3A_593 : f32 to vector<16xf32>
      %max3A_595 = arith.maximumf %get3A_589, %max3A_594 : vector<16xf32>
      %div3A_596 = arith.constant 1.000000e+00 : f32
      %div3A_597 = vector.broadcast %div3A_596 : f32 to vector<16xf32>
      %div3A_598 = arith.divf %div3A_597, %max3A_595 : vector<16xf32>
      %jit3A_599 = arith.constant 0.000000e+00 : f32
      %broadcast_in_dim3A_600 = vector.broadcast %jit3A_599 : f32 to vector<16xf32>
      %select_n3A_601 = arith.select %gt3A_592, %div3A_598, %broadcast_in_dim3A_600 : vector<16xi1>, vector<16xf32>
      %swap3A_602 = arith.constant 288 : index
      %swap3A_603 = tpu.vector_load %arg11[%swap3A_602] {strides = array<i32>} : memref<640xf32, #tpu.memory_space<vmem>>, vector<16xf32>,
      %swap3A_604 = vector.shape_cast %swap3A_603 : vector<16xf32> to vector<16xf32>
      %swap3A_605 = vector.shape_cast %select_n3A_601 : vector<16xf32> to vector<16xf32>
      tpu.vector_store %arg11[%swap3A_602], %swap3A_605 {strides = array<i32>} : memref<640xf32, #tpu.memory_space<vmem>>, vector<16xf32>,
      %get3A_606 = arith.constant 304 : index
      %get3A_607 = tpu.vector_load %arg11[%get3A_606] {strides = array<i32>} : memref<640xf32, #tpu.memory_space<vmem>>, vector<16xf32>,
      %get3A_608 = vector.shape_cast %get3A_607 : vector<16xf32> to vector<16xf32>
      %gt3A_609 = arith.constant 0.000000e+00 : f32
      %gt3A_610 = vector.broadcast %gt3A_609 : f32 to vector<16xf32>
      %gt3A_611 = arith.cmpf ogt, %get3A_608, %gt3A_610 : vector<16xf32>
      %max3A_612 = arith.constant 1.000000e+00 : f32
      %max3A_613 = vector.broadcast %max3A_612 : f32 to vector<16xf32>
      %max3A_614 = arith.maximumf %get3A_608, %max3A_613 : vector<16xf32>
      %div3A_615 = arith.constant 1.000000e+00 : f32
      %div3A_616 = vector.broadcast %div3A_615 : f32 to vector<16xf32>
      %div3A_617 = arith.divf %div3A_616, %max3A_614 : vector<16xf32>
      %jit3A_618 = arith.constant 0.000000e+00 : f32
      %broadcast_in_dim3A_619 = vector.broadcast %jit3A_618 : f32 to vector<16xf32>
      %select_n3A_620 = arith.select %gt3A_611, %div3A_617, %broadcast_in_dim3A_619 : vector<16xi1>, vector<16xf32>
      %swap3A_621 = arith.constant 304 : index
      %swap3A_622 = tpu.vector_load %arg11[%swap3A_621] {strides = array<i32>} : memref<640xf32, #tpu.memory_space<vmem>>, vector<16xf32>,
      %swap3A_623 = vector.shape_cast %swap3A_622 : vector<16xf32> to vector<16xf32>
      %swap3A_624 = vector.shape_cast %select_n3A_620 : vector<16xf32> to vector<16xf32>
      tpu.vector_store %arg11[%swap3A_621], %swap3A_624 {strides = array<i32>} : memref<640xf32, #tpu.memory_space<vmem>>, vector<16xf32>,
      %get3A_625 = arith.constant 320 : index
      %get3A_626 = tpu.vector_load %arg11[%get3A_625] {strides = array<i32>} : memref<640xf32, #tpu.memory_space<vmem>>, vector<16xf32>,
      %get3A_627 = vector.shape_cast %get3A_626 : vector<16xf32> to vector<16xf32>
      %gt3A_628 = arith.constant 0.000000e+00 : f32
      %gt3A_629 = vector.broadcast %gt3A_628 : f32 to vector<16xf32>
      %gt3A_630 = arith.cmpf ogt, %get3A_627, %gt3A_629 : vector<16xf32>
      %max3A_631 = arith.constant 1.000000e+00 : f32
      %max3A_632 = vector.broadcast %max3A_631 : f32 to vector<16xf32>
      %max3A_633 = arith.maximumf %get3A_627, %max3A_632 : vector<16xf32>
      %div3A_634 = arith.constant 1.000000e+00 : f32
      %div3A_635 = vector.broadcast %div3A_634 : f32 to vector<16xf32>
      %div3A_636 = arith.divf %div3A_635, %max3A_633 : vector<16xf32>
      %jit3A_637 = arith.constant 0.000000e+00 : f32
      %broadcast_in_dim3A_638 = vector.broadcast %jit3A_637 : f32 to vector<16xf32>
      %select_n3A_639 = arith.select %gt3A_630, %div3A_636, %broadcast_in_dim3A_638 : vector<16xi1>, vector<16xf32>
      %swap3A_640 = arith.constant 320 : index
      %swap3A_641 = tpu.vector_load %arg11[%swap3A_640] {strides = array<i32>} : memref<640xf32, #tpu.memory_space<vmem>>, vector<16xf32>,
      %swap3A_642 = vector.shape_cast %swap3A_641 : vector<16xf32> to vector<16xf32>
      %swap3A_643 = vector.shape_cast %select_n3A_639 : vector<16xf32> to vector<16xf32>
      tpu.vector_store %arg11[%swap3A_640], %swap3A_643 {strides = array<i32>} : memref<640xf32, #tpu.memory_space<vmem>>, vector<16xf32>,
      %get3A_644 = arith.constant 336 : index
      %get3A_645 = tpu.vector_load %arg11[%get3A_644] {strides = array<i32>} : memref<640xf32, #tpu.memory_space<vmem>>, vector<16xf32>,
      %get3A_646 = vector.shape_cast %get3A_645 : vector<16xf32> to vector<16xf32>
      %gt3A_647 = arith.constant 0.000000e+00 : f32
      %gt3A_648 = vector.broadcast %gt3A_647 : f32 to vector<16xf32>
      %gt3A_649 = arith.cmpf ogt, %get3A_646, %gt3A_648 : vector<16xf32>
      %max3A_650 = arith.constant 1.000000e+00 : f32
      %max3A_651 = vector.broadcast %max3A_650 : f32 to vector<16xf32>
      %max3A_652 = arith.maximumf %get3A_646, %max3A_651 : vector<16xf32>
      %div3A_653 = arith.constant 1.000000e+00 : f32
      %div3A_654 = vector.broadcast %div3A_653 : f32 to vector<16xf32>
      %div3A_655 = arith.divf %div3A_654, %max3A_652 : vector<16xf32>
      %jit3A_656 = arith.constant 0.000000e+00 : f32
      %broadcast_in_dim3A_657 = vector.broadcast %jit3A_656 : f32 to vector<16xf32>
      %select_n3A_658 = arith.select %gt3A_649, %div3A_655, %broadcast_in_dim3A_657 : vector<16xi1>, vector<16xf32>
      %swap3A_659 = arith.constant 336 : index
      %swap3A_660 = tpu.vector_load %arg11[%swap3A_659] {strides = array<i32>} : memref<640xf32, #tpu.memory_space<vmem>>, vector<16xf32>,
      %swap3A_661 = vector.shape_cast %swap3A_660 : vector<16xf32> to vector<16xf32>
      %swap3A_662 = vector.shape_cast %select_n3A_658 : vector<16xf32> to vector<16xf32>
      tpu.vector_store %arg11[%swap3A_659], %swap3A_662 {strides = array<i32>} : memref<640xf32, #tpu.memory_space<vmem>>, vector<16xf32>,
      %get3A_663 = arith.constant 352 : index
      %get3A_664 = tpu.vector_load %arg11[%get3A_663] {strides = array<i32>} : memref<640xf32, #tpu.memory_space<vmem>>, vector<16xf32>,
      %get3A_665 = vector.shape_cast %get3A_664 : vector<16xf32> to vector<16xf32>
      %gt3A_666 = arith.constant 0.000000e+00 : f32
      %gt3A_667 = vector.broadcast %gt3A_666 : f32 to vector<16xf32>
      %gt3A_668 = arith.cmpf ogt, %get3A_665, %gt3A_667 : vector<16xf32>
      %max3A_669 = arith.constant 1.000000e+00 : f32
      %max3A_670 = vector.broadcast %max3A_669 : f32 to vector<16xf32>
      %max3A_671 = arith.maximumf %get3A_665, %max3A_670 : vector<16xf32>
      %div3A_672 = arith.constant 1.000000e+00 : f32
      %div3A_673 = vector.broadcast %div3A_672 : f32 to vector<16xf32>
      %div3A_674 = arith.divf %div3A_673, %max3A_671 : vector<16xf32>
      %jit3A_675 = arith.constant 0.000000e+00 : f32
      %broadcast_in_dim3A_676 = vector.broadcast %jit3A_675 : f32 to vector<16xf32>
      %select_n3A_677 = arith.select %gt3A_668, %div3A_674, %broadcast_in_dim3A_676 : vector<16xi1>, vector<16xf32>
      %swap3A_678 = arith.constant 352 : index
      %swap3A_679 = tpu.vector_load %arg11[%swap3A_678] {strides = array<i32>} : memref<640xf32, #tpu.memory_space<vmem>>, vector<16xf32>,
      %swap3A_680 = vector.shape_cast %swap3A_679 : vector<16xf32> to vector<16xf32>
      %swap3A_681 = vector.shape_cast %select_n3A_677 : vector<16xf32> to vector<16xf32>
      tpu.vector_store %arg11[%swap3A_678], %swap3A_681 {strides = array<i32>} : memref<640xf32, #tpu.memory_space<vmem>>, vector<16xf32>,
      %get3A_682 = arith.constant 368 : index
      %get3A_683 = tpu.vector_load %arg11[%get3A_682] {strides = array<i32>} : memref<640xf32, #tpu.memory_space<vmem>>, vector<16xf32>,
      %get3A_684 = vector.shape_cast %get3A_683 : vector<16xf32> to vector<16xf32>
      %gt3A_685 = arith.constant 0.000000e+00 : f32
      %gt3A_686 = vector.broadcast %gt3A_685 : f32 to vector<16xf32>
      %gt3A_687 = arith.cmpf ogt, %get3A_684, %gt3A_686 : vector<16xf32>
      %max3A_688 = arith.constant 1.000000e+00 : f32
      %max3A_689 = vector.broadcast %max3A_688 : f32 to vector<16xf32>
      %max3A_690 = arith.maximumf %get3A_684, %max3A_689 : vector<16xf32>
      %div3A_691 = arith.constant 1.000000e+00 : f32
      %div3A_692 = vector.broadcast %div3A_691 : f32 to vector<16xf32>
      %div3A_693 = arith.divf %div3A_692, %max3A_690 : vector<16xf32>
      %jit3A_694 = arith.constant 0.000000e+00 : f32
      %broadcast_in_dim3A_695 = vector.broadcast %jit3A_694 : f32 to vector<16xf32>
      %select_n3A_696 = arith.select %gt3A_687, %div3A_693, %broadcast_in_dim3A_695 : vector<16xi1>, vector<16xf32>
      %swap3A_697 = arith.constant 368 : index
      %swap3A_698 = tpu.vector_load %arg11[%swap3A_697] {strides = array<i32>} : memref<640xf32, #tpu.memory_space<vmem>>, vector<16xf32>,
      %swap3A_699 = vector.shape_cast %swap3A_698 : vector<16xf32> to vector<16xf32>
      %swap3A_700 = vector.shape_cast %select_n3A_696 : vector<16xf32> to vector<16xf32>
      tpu.vector_store %arg11[%swap3A_697], %swap3A_700 {strides = array<i32>} : memref<640xf32, #tpu.memory_space<vmem>>, vector<16xf32>,
      %get3A_701 = arith.constant 384 : index
      %get3A_702 = tpu.vector_load %arg11[%get3A_701] {strides = array<i32>} : memref<640xf32, #tpu.memory_space<vmem>>, vector<16xf32>,
      %get3A_703 = vector.shape_cast %get3A_702 : vector<16xf32> to vector<16xf32>
      %gt3A_704 = arith.constant 0.000000e+00 : f32
      %gt3A_705 = vector.broadcast %gt3A_704 : f32 to vector<16xf32>
      %gt3A_706 = arith.cmpf ogt, %get3A_703, %gt3A_705 : vector<16xf32>
      %max3A_707 = arith.constant 1.000000e+00 : f32
      %max3A_708 = vector.broadcast %max3A_707 : f32 to vector<16xf32>
      %max3A_709 = arith.maximumf %get3A_703, %max3A_708 : vector<16xf32>
      %div3A_710 = arith.constant 1.000000e+00 : f32
      %div3A_711 = vector.broadcast %div3A_710 : f32 to vector<16xf32>
      %div3A_712 = arith.divf %div3A_711, %max3A_709 : vector<16xf32>
      %jit3A_713 = arith.constant 0.000000e+00 : f32
      %broadcast_in_dim3A_714 = vector.broadcast %jit3A_713 : f32 to vector<16xf32>
      %select_n3A_715 = arith.select %gt3A_706, %div3A_712, %broadcast_in_dim3A_714 : vector<16xi1>, vector<16xf32>
      %swap3A_716 = arith.constant 384 : index
      %swap3A_717 = tpu.vector_load %arg11[%swap3A_716] {strides = array<i32>} : memref<640xf32, #tpu.memory_space<vmem>>, vector<16xf32>,
      %swap3A_718 = vector.shape_cast %swap3A_717 : vector<16xf32> to vector<16xf32>
      %swap3A_719 = vector.shape_cast %select_n3A_715 : vector<16xf32> to vector<16xf32>
      tpu.vector_store %arg11[%swap3A_716], %swap3A_719 {strides = array<i32>} : memref<640xf32, #tpu.memory_space<vmem>>, vector<16xf32>,
      %get3A_720 = arith.constant 400 : index
      %get3A_721 = tpu.vector_load %arg11[%get3A_720] {strides = array<i32>} : memref<640xf32, #tpu.memory_space<vmem>>, vector<16xf32>,
      %get3A_722 = vector.shape_cast %get3A_721 : vector<16xf32> to vector<16xf32>
      %gt3A_723 = arith.constant 0.000000e+00 : f32
      %gt3A_724 = vector.broadcast %gt3A_723 : f32 to vector<16xf32>
      %gt3A_725 = arith.cmpf ogt, %get3A_722, %gt3A_724 : vector<16xf32>
      %max3A_726 = arith.constant 1.000000e+00 : f32
      %max3A_727 = vector.broadcast %max3A_726 : f32 to vector<16xf32>
      %max3A_728 = arith.maximumf %get3A_722, %max3A_727 : vector<16xf32>
      %div3A_729 = arith.constant 1.000000e+00 : f32
      %div3A_730 = vector.broadcast %div3A_729 : f32 to vector<16xf32>
      %div3A_731 = arith.divf %div3A_730, %max3A_728 : vector<16xf32>
      %jit3A_732 = arith.constant 0.000000e+00 : f32
      %broadcast_in_dim3A_733 = vector.broadcast %jit3A_732 : f32 to vector<16xf32>
      %select_n3A_734 = arith.select %gt3A_725, %div3A_731, %broadcast_in_dim3A_733 : vector<16xi1>, vector<16xf32>
      %swap3A_735 = arith.constant 400 : index
      %swap3A_736 = tpu.vector_load %arg11[%swap3A_735] {strides = array<i32>} : memref<640xf32, #tpu.memory_space<vmem>>, vector<16xf32>,
      %swap3A_737 = vector.shape_cast %swap3A_736 : vector<16xf32> to vector<16xf32>
      %swap3A_738 = vector.shape_cast %select_n3A_734 : vector<16xf32> to vector<16xf32>
      tpu.vector_store %arg11[%swap3A_735], %swap3A_738 {strides = array<i32>} : memref<640xf32, #tpu.memory_space<vmem>>, vector<16xf32>,
      %get3A_739 = arith.constant 416 : index
      %get3A_740 = tpu.vector_load %arg11[%get3A_739] {strides = array<i32>} : memref<640xf32, #tpu.memory_space<vmem>>, vector<16xf32>,
      %get3A_741 = vector.shape_cast %get3A_740 : vector<16xf32> to vector<16xf32>
      %gt3A_742 = arith.constant 0.000000e+00 : f32
      %gt3A_743 = vector.broadcast %gt3A_742 : f32 to vector<16xf32>
      %gt3A_744 = arith.cmpf ogt, %get3A_741, %gt3A_743 : vector<16xf32>
      %max3A_745 = arith.constant 1.000000e+00 : f32
      %max3A_746 = vector.broadcast %max3A_745 : f32 to vector<16xf32>
      %max3A_747 = arith.maximumf %get3A_741, %max3A_746 : vector<16xf32>
      %div3A_748 = arith.constant 1.000000e+00 : f32
      %div3A_749 = vector.broadcast %div3A_748 : f32 to vector<16xf32>
      %div3A_750 = arith.divf %div3A_749, %max3A_747 : vector<16xf32>
      %jit3A_751 = arith.constant 0.000000e+00 : f32
      %broadcast_in_dim3A_752 = vector.broadcast %jit3A_751 : f32 to vector<16xf32>
      %select_n3A_753 = arith.select %gt3A_744, %div3A_750, %broadcast_in_dim3A_752 : vector<16xi1>, vector<16xf32>
      %swap3A_754 = arith.constant 416 : index
      %swap3A_755 = tpu.vector_load %arg11[%swap3A_754] {strides = array<i32>} : memref<640xf32, #tpu.memory_space<vmem>>, vector<16xf32>,
      %swap3A_756 = vector.shape_cast %swap3A_755 : vector<16xf32> to vector<16xf32>
      %swap3A_757 = vector.shape_cast %select_n3A_753 : vector<16xf32> to vector<16xf32>
      tpu.vector_store %arg11[%swap3A_754], %swap3A_757 {strides = array<i32>} : memref<640xf32, #tpu.memory_space<vmem>>, vector<16xf32>,
      %get3A_758 = arith.constant 432 : index
      %get3A_759 = tpu.vector_load %arg11[%get3A_758] {strides = array<i32>} : memref<640xf32, #tpu.memory_space<vmem>>, vector<16xf32>,
      %get3A_760 = vector.shape_cast %get3A_759 : vector<16xf32> to vector<16xf32>
      %gt3A_761 = arith.constant 0.000000e+00 : f32
      %gt3A_762 = vector.broadcast %gt3A_761 : f32 to vector<16xf32>
      %gt3A_763 = arith.cmpf ogt, %get3A_760, %gt3A_762 : vector<16xf32>
      %max3A_764 = arith.constant 1.000000e+00 : f32
      %max3A_765 = vector.broadcast %max3A_764 : f32 to vector<16xf32>
      %max3A_766 = arith.maximumf %get3A_760, %max3A_765 : vector<16xf32>
      %div3A_767 = arith.constant 1.000000e+00 : f32
      %div3A_768 = vector.broadcast %div3A_767 : f32 to vector<16xf32>
      %div3A_769 = arith.divf %div3A_768, %max3A_766 : vector<16xf32>
      %jit3A_770 = arith.constant 0.000000e+00 : f32
      %broadcast_in_dim3A_771 = vector.broadcast %jit3A_770 : f32 to vector<16xf32>
      %select_n3A_772 = arith.select %gt3A_763, %div3A_769, %broadcast_in_dim3A_771 : vector<16xi1>, vector<16xf32>
      %swap3A_773 = arith.constant 432 : index
      %swap3A_774 = tpu.vector_load %arg11[%swap3A_773] {strides = array<i32>} : memref<640xf32, #tpu.memory_space<vmem>>, vector<16xf32>,
      %swap3A_775 = vector.shape_cast %swap3A_774 : vector<16xf32> to vector<16xf32>
      %swap3A_776 = vector.shape_cast %select_n3A_772 : vector<16xf32> to vector<16xf32>
      tpu.vector_store %arg11[%swap3A_773], %swap3A_776 {strides = array<i32>} : memref<640xf32, #tpu.memory_space<vmem>>, vector<16xf32>,
      %get3A_777 = arith.constant 448 : index
      %get3A_778 = tpu.vector_load %arg11[%get3A_777] {strides = array<i32>} : memref<640xf32, #tpu.memory_space<vmem>>, vector<16xf32>,
      %get3A_779 = vector.shape_cast %get3A_778 : vector<16xf32> to vector<16xf32>
      %gt3A_780 = arith.constant 0.000000e+00 : f32
      %gt3A_781 = vector.broadcast %gt3A_780 : f32 to vector<16xf32>
      %gt3A_782 = arith.cmpf ogt, %get3A_779, %gt3A_781 : vector<16xf32>
      %max3A_783 = arith.constant 1.000000e+00 : f32
      %max3A_784 = vector.broadcast %max3A_783 : f32 to vector<16xf32>
      %max3A_785 = arith.maximumf %get3A_779, %max3A_784 : vector<16xf32>
      %div3A_786 = arith.constant 1.000000e+00 : f32
      %div3A_787 = vector.broadcast %div3A_786 : f32 to vector<16xf32>
      %div3A_788 = arith.divf %div3A_787, %max3A_785 : vector<16xf32>
      %jit3A_789 = arith.constant 0.000000e+00 : f32
      %broadcast_in_dim3A_790 = vector.broadcast %jit3A_789 : f32 to vector<16xf32>
      %select_n3A_791 = arith.select %gt3A_782, %div3A_788, %broadcast_in_dim3A_790 : vector<16xi1>, vector<16xf32>
      %swap3A_792 = arith.constant 448 : index
      %swap3A_793 = tpu.vector_load %arg11[%swap3A_792] {strides = array<i32>} : memref<640xf32, #tpu.memory_space<vmem>>, vector<16xf32>,
      %swap3A_794 = vector.shape_cast %swap3A_793 : vector<16xf32> to vector<16xf32>
      %swap3A_795 = vector.shape_cast %select_n3A_791 : vector<16xf32> to vector<16xf32>
      tpu.vector_store %arg11[%swap3A_792], %swap3A_795 {strides = array<i32>} : memref<640xf32, #tpu.memory_space<vmem>>, vector<16xf32>,
      %get3A_796 = arith.constant 464 : index
      %get3A_797 = tpu.vector_load %arg11[%get3A_796] {strides = array<i32>} : memref<640xf32, #tpu.memory_space<vmem>>, vector<16xf32>,
      %get3A_798 = vector.shape_cast %get3A_797 : vector<16xf32> to vector<16xf32>
      %gt3A_799 = arith.constant 0.000000e+00 : f32
      %gt3A_800 = vector.broadcast %gt3A_799 : f32 to vector<16xf32>
      %gt3A_801 = arith.cmpf ogt, %get3A_798, %gt3A_800 : vector<16xf32>
      %max3A_802 = arith.constant 1.000000e+00 : f32
      %max3A_803 = vector.broadcast %max3A_802 : f32 to vector<16xf32>
      %max3A_804 = arith.maximumf %get3A_798, %max3A_803 : vector<16xf32>
      %div3A_805 = arith.constant 1.000000e+00 : f32
      %div3A_806 = vector.broadcast %div3A_805 : f32 to vector<16xf32>
      %div3A_807 = arith.divf %div3A_806, %max3A_804 : vector<16xf32>
      %jit3A_808 = arith.constant 0.000000e+00 : f32
      %broadcast_in_dim3A_809 = vector.broadcast %jit3A_808 : f32 to vector<16xf32>
      %select_n3A_810 = arith.select %gt3A_801, %div3A_807, %broadcast_in_dim3A_809 : vector<16xi1>, vector<16xf32>
      %swap3A_811 = arith.constant 464 : index
      %swap3A_812 = tpu.vector_load %arg11[%swap3A_811] {strides = array<i32>} : memref<640xf32, #tpu.memory_space<vmem>>, vector<16xf32>,
      %swap3A_813 = vector.shape_cast %swap3A_812 : vector<16xf32> to vector<16xf32>
      %swap3A_814 = vector.shape_cast %select_n3A_810 : vector<16xf32> to vector<16xf32>
      tpu.vector_store %arg11[%swap3A_811], %swap3A_814 {strides = array<i32>} : memref<640xf32, #tpu.memory_space<vmem>>, vector<16xf32>,
      %get3A_815 = arith.constant 480 : index
      %get3A_816 = tpu.vector_load %arg11[%get3A_815] {strides = array<i32>} : memref<640xf32, #tpu.memory_space<vmem>>, vector<16xf32>,
      %get3A_817 = vector.shape_cast %get3A_816 : vector<16xf32> to vector<16xf32>
      %gt3A_818 = arith.constant 0.000000e+00 : f32
      %gt3A_819 = vector.broadcast %gt3A_818 : f32 to vector<16xf32>
      %gt3A_820 = arith.cmpf ogt, %get3A_817, %gt3A_819 : vector<16xf32>
      %max3A_821 = arith.constant 1.000000e+00 : f32
      %max3A_822 = vector.broadcast %max3A_821 : f32 to vector<16xf32>
      %max3A_823 = arith.maximumf %get3A_817, %max3A_822 : vector<16xf32>
      %div3A_824 = arith.constant 1.000000e+00 : f32
      %div3A_825 = vector.broadcast %div3A_824 : f32 to vector<16xf32>
      %div3A_826 = arith.divf %div3A_825, %max3A_823 : vector<16xf32>
      %jit3A_827 = arith.constant 0.000000e+00 : f32
      %broadcast_in_dim3A_828 = vector.broadcast %jit3A_827 : f32 to vector<16xf32>
      %select_n3A_829 = arith.select %gt3A_820, %div3A_826, %broadcast_in_dim3A_828 : vector<16xi1>, vector<16xf32>
      %swap3A_830 = arith.constant 480 : index
      %swap3A_831 = tpu.vector_load %arg11[%swap3A_830] {strides = array<i32>} : memref<640xf32, #tpu.memory_space<vmem>>, vector<16xf32>,
      %swap3A_832 = vector.shape_cast %swap3A_831 : vector<16xf32> to vector<16xf32>
      %swap3A_833 = vector.shape_cast %select_n3A_829 : vector<16xf32> to vector<16xf32>
      tpu.vector_store %arg11[%swap3A_830], %swap3A_833 {strides = array<i32>} : memref<640xf32, #tpu.memory_space<vmem>>, vector<16xf32>,
      %get3A_834 = arith.constant 496 : index
      %get3A_835 = tpu.vector_load %arg11[%get3A_834] {strides = array<i32>} : memref<640xf32, #tpu.memory_space<vmem>>, vector<16xf32>,
      %get3A_836 = vector.shape_cast %get3A_835 : vector<16xf32> to vector<16xf32>
      %gt3A_837 = arith.constant 0.000000e+00 : f32
      %gt3A_838 = vector.broadcast %gt3A_837 : f32 to vector<16xf32>
      %gt3A_839 = arith.cmpf ogt, %get3A_836, %gt3A_838 : vector<16xf32>
      %max3A_840 = arith.constant 1.000000e+00 : f32
      %max3A_841 = vector.broadcast %max3A_840 : f32 to vector<16xf32>
      %max3A_842 = arith.maximumf %get3A_836, %max3A_841 : vector<16xf32>
      %div3A_843 = arith.constant 1.000000e+00 : f32
      %div3A_844 = vector.broadcast %div3A_843 : f32 to vector<16xf32>
      %div3A_845 = arith.divf %div3A_844, %max3A_842 : vector<16xf32>
      %jit3A_846 = arith.constant 0.000000e+00 : f32
      %broadcast_in_dim3A_847 = vector.broadcast %jit3A_846 : f32 to vector<16xf32>
      %select_n3A_848 = arith.select %gt3A_839, %div3A_845, %broadcast_in_dim3A_847 : vector<16xi1>, vector<16xf32>
      %swap3A_849 = arith.constant 496 : index
      %swap3A_850 = tpu.vector_load %arg11[%swap3A_849] {strides = array<i32>} : memref<640xf32, #tpu.memory_space<vmem>>, vector<16xf32>,
      %swap3A_851 = vector.shape_cast %swap3A_850 : vector<16xf32> to vector<16xf32>
      %swap3A_852 = vector.shape_cast %select_n3A_848 : vector<16xf32> to vector<16xf32>
      tpu.vector_store %arg11[%swap3A_849], %swap3A_852 {strides = array<i32>} : memref<640xf32, #tpu.memory_space<vmem>>, vector<16xf32>,
      %get3A_853 = arith.constant 512 : index
      %get3A_854 = tpu.vector_load %arg11[%get3A_853] {strides = array<i32>} : memref<640xf32, #tpu.memory_space<vmem>>, vector<16xf32>,
      %get3A_855 = vector.shape_cast %get3A_854 : vector<16xf32> to vector<16xf32>
      %gt3A_856 = arith.constant 0.000000e+00 : f32
      %gt3A_857 = vector.broadcast %gt3A_856 : f32 to vector<16xf32>
      %gt3A_858 = arith.cmpf ogt, %get3A_855, %gt3A_857 : vector<16xf32>
      %max3A_859 = arith.constant 1.000000e+00 : f32
      %max3A_860 = vector.broadcast %max3A_859 : f32 to vector<16xf32>
      %max3A_861 = arith.maximumf %get3A_855, %max3A_860 : vector<16xf32>
      %div3A_862 = arith.constant 1.000000e+00 : f32
      %div3A_863 = vector.broadcast %div3A_862 : f32 to vector<16xf32>
      %div3A_864 = arith.divf %div3A_863, %max3A_861 : vector<16xf32>
      %jit3A_865 = arith.constant 0.000000e+00 : f32
      %broadcast_in_dim3A_866 = vector.broadcast %jit3A_865 : f32 to vector<16xf32>
      %select_n3A_867 = arith.select %gt3A_858, %div3A_864, %broadcast_in_dim3A_866 : vector<16xi1>, vector<16xf32>
      %swap3A_868 = arith.constant 512 : index
      %swap3A_869 = tpu.vector_load %arg11[%swap3A_868] {strides = array<i32>} : memref<640xf32, #tpu.memory_space<vmem>>, vector<16xf32>,
      %swap3A_870 = vector.shape_cast %swap3A_869 : vector<16xf32> to vector<16xf32>
      %swap3A_871 = vector.shape_cast %select_n3A_867 : vector<16xf32> to vector<16xf32>
      tpu.vector_store %arg11[%swap3A_868], %swap3A_871 {strides = array<i32>} : memref<640xf32, #tpu.memory_space<vmem>>, vector<16xf32>,
      %get3A_872 = arith.constant 528 : index
      %get3A_873 = tpu.vector_load %arg11[%get3A_872] {strides = array<i32>} : memref<640xf32, #tpu.memory_space<vmem>>, vector<16xf32>,
      %get3A_874 = vector.shape_cast %get3A_873 : vector<16xf32> to vector<16xf32>
      %gt3A_875 = arith.constant 0.000000e+00 : f32
      %gt3A_876 = vector.broadcast %gt3A_875 : f32 to vector<16xf32>
      %gt3A_877 = arith.cmpf ogt, %get3A_874, %gt3A_876 : vector<16xf32>
      %max3A_878 = arith.constant 1.000000e+00 : f32
      %max3A_879 = vector.broadcast %max3A_878 : f32 to vector<16xf32>
      %max3A_880 = arith.maximumf %get3A_874, %max3A_879 : vector<16xf32>
      %div3A_881 = arith.constant 1.000000e+00 : f32
      %div3A_882 = vector.broadcast %div3A_881 : f32 to vector<16xf32>
      %div3A_883 = arith.divf %div3A_882, %max3A_880 : vector<16xf32>
      %jit3A_884 = arith.constant 0.000000e+00 : f32
      %broadcast_in_dim3A_885 = vector.broadcast %jit3A_884 : f32 to vector<16xf32>
      %select_n3A_886 = arith.select %gt3A_877, %div3A_883, %broadcast_in_dim3A_885 : vector<16xi1>, vector<16xf32>
      %swap3A_887 = arith.constant 528 : index
      %swap3A_888 = tpu.vector_load %arg11[%swap3A_887] {strides = array<i32>} : memref<640xf32, #tpu.memory_space<vmem>>, vector<16xf32>,
      %swap3A_889 = vector.shape_cast %swap3A_888 : vector<16xf32> to vector<16xf32>
      %swap3A_890 = vector.shape_cast %select_n3A_886 : vector<16xf32> to vector<16xf32>
      tpu.vector_store %arg11[%swap3A_887], %swap3A_890 {strides = array<i32>} : memref<640xf32, #tpu.memory_space<vmem>>, vector<16xf32>,
      %get3A_891 = arith.constant 544 : index
      %get3A_892 = tpu.vector_load %arg11[%get3A_891] {strides = array<i32>} : memref<640xf32, #tpu.memory_space<vmem>>, vector<16xf32>,
      %get3A_893 = vector.shape_cast %get3A_892 : vector<16xf32> to vector<16xf32>
      %gt3A_894 = arith.constant 0.000000e+00 : f32
      %gt3A_895 = vector.broadcast %gt3A_894 : f32 to vector<16xf32>
      %gt3A_896 = arith.cmpf ogt, %get3A_893, %gt3A_895 : vector<16xf32>
      %max3A_897 = arith.constant 1.000000e+00 : f32
      %max3A_898 = vector.broadcast %max3A_897 : f32 to vector<16xf32>
      %max3A_899 = arith.maximumf %get3A_893, %max3A_898 : vector<16xf32>
      %div3A_900 = arith.constant 1.000000e+00 : f32
      %div3A_901 = vector.broadcast %div3A_900 : f32 to vector<16xf32>
      %div3A_902 = arith.divf %div3A_901, %max3A_899 : vector<16xf32>
      %jit3A_903 = arith.constant 0.000000e+00 : f32
      %broadcast_in_dim3A_904 = vector.broadcast %jit3A_903 : f32 to vector<16xf32>
      %select_n3A_905 = arith.select %gt3A_896, %div3A_902, %broadcast_in_dim3A_904 : vector<16xi1>, vector<16xf32>
      %swap3A_906 = arith.constant 544 : index
      %swap3A_907 = tpu.vector_load %arg11[%swap3A_906] {strides = array<i32>} : memref<640xf32, #tpu.memory_space<vmem>>, vector<16xf32>,
      %swap3A_908 = vector.shape_cast %swap3A_907 : vector<16xf32> to vector<16xf32>
      %swap3A_909 = vector.shape_cast %select_n3A_905 : vector<16xf32> to vector<16xf32>
      tpu.vector_store %arg11[%swap3A_906], %swap3A_909 {strides = array<i32>} : memref<640xf32, #tpu.memory_space<vmem>>, vector<16xf32>,
      %get3A_910 = arith.constant 560 : index
      %get3A_911 = tpu.vector_load %arg11[%get3A_910] {strides = array<i32>} : memref<640xf32, #tpu.memory_space<vmem>>, vector<16xf32>,
      %get3A_912 = vector.shape_cast %get3A_911 : vector<16xf32> to vector<16xf32>
      %gt3A_913 = arith.constant 0.000000e+00 : f32
      %gt3A_914 = vector.broadcast %gt3A_913 : f32 to vector<16xf32>
      %gt3A_915 = arith.cmpf ogt, %get3A_912, %gt3A_914 : vector<16xf32>
      %max3A_916 = arith.constant 1.000000e+00 : f32
      %max3A_917 = vector.broadcast %max3A_916 : f32 to vector<16xf32>
      %max3A_918 = arith.maximumf %get3A_912, %max3A_917 : vector<16xf32>
      %div3A_919 = arith.constant 1.000000e+00 : f32
      %div3A_920 = vector.broadcast %div3A_919 : f32 to vector<16xf32>
      %div3A_921 = arith.divf %div3A_920, %max3A_918 : vector<16xf32>
      %jit3A_922 = arith.constant 0.000000e+00 : f32
      %broadcast_in_dim3A_923 = vector.broadcast %jit3A_922 : f32 to vector<16xf32>
      %select_n3A_924 = arith.select %gt3A_915, %div3A_921, %broadcast_in_dim3A_923 : vector<16xi1>, vector<16xf32>
      %swap3A_925 = arith.constant 560 : index
      %swap3A_926 = tpu.vector_load %arg11[%swap3A_925] {strides = array<i32>} : memref<640xf32, #tpu.memory_space<vmem>>, vector<16xf32>,
      %swap3A_927 = vector.shape_cast %swap3A_926 : vector<16xf32> to vector<16xf32>
      %swap3A_928 = vector.shape_cast %select_n3A_924 : vector<16xf32> to vector<16xf32>
      tpu.vector_store %arg11[%swap3A_925], %swap3A_928 {strides = array<i32>} : memref<640xf32, #tpu.memory_space<vmem>>, vector<16xf32>,
      %get3A_929 = arith.constant 576 : index
      %get3A_930 = tpu.vector_load %arg11[%get3A_929] {strides = array<i32>} : memref<640xf32, #tpu.memory_space<vmem>>, vector<16xf32>,
      %get3A_931 = vector.shape_cast %get3A_930 : vector<16xf32> to vector<16xf32>
      %gt3A_932 = arith.constant 0.000000e+00 : f32
      %gt3A_933 = vector.broadcast %gt3A_932 : f32 to vector<16xf32>
      %gt3A_934 = arith.cmpf ogt, %get3A_931, %gt3A_933 : vector<16xf32>
      %max3A_935 = arith.constant 1.000000e+00 : f32
      %max3A_936 = vector.broadcast %max3A_935 : f32 to vector<16xf32>
      %max3A_937 = arith.maximumf %get3A_931, %max3A_936 : vector<16xf32>
      %div3A_938 = arith.constant 1.000000e+00 : f32
      %div3A_939 = vector.broadcast %div3A_938 : f32 to vector<16xf32>
      %div3A_940 = arith.divf %div3A_939, %max3A_937 : vector<16xf32>
      %jit3A_941 = arith.constant 0.000000e+00 : f32
      %broadcast_in_dim3A_942 = vector.broadcast %jit3A_941 : f32 to vector<16xf32>
      %select_n3A_943 = arith.select %gt3A_934, %div3A_940, %broadcast_in_dim3A_942 : vector<16xi1>, vector<16xf32>
      %swap3A_944 = arith.constant 576 : index
      %swap3A_945 = tpu.vector_load %arg11[%swap3A_944] {strides = array<i32>} : memref<640xf32, #tpu.memory_space<vmem>>, vector<16xf32>,
      %swap3A_946 = vector.shape_cast %swap3A_945 : vector<16xf32> to vector<16xf32>
      %swap3A_947 = vector.shape_cast %select_n3A_943 : vector<16xf32> to vector<16xf32>
      tpu.vector_store %arg11[%swap3A_944], %swap3A_947 {strides = array<i32>} : memref<640xf32, #tpu.memory_space<vmem>>, vector<16xf32>,
      %get3A_948 = arith.constant 592 : index
      %get3A_949 = tpu.vector_load %arg11[%get3A_948] {strides = array<i32>} : memref<640xf32, #tpu.memory_space<vmem>>, vector<16xf32>,
      %get3A_950 = vector.shape_cast %get3A_949 : vector<16xf32> to vector<16xf32>
      %gt3A_951 = arith.constant 0.000000e+00 : f32
      %gt3A_952 = vector.broadcast %gt3A_951 : f32 to vector<16xf32>
      %gt3A_953 = arith.cmpf ogt, %get3A_950, %gt3A_952 : vector<16xf32>
      %max3A_954 = arith.constant 1.000000e+00 : f32
      %max3A_955 = vector.broadcast %max3A_954 : f32 to vector<16xf32>
      %max3A_956 = arith.maximumf %get3A_950, %max3A_955 : vector<16xf32>
      %div3A_957 = arith.constant 1.000000e+00 : f32
      %div3A_958 = vector.broadcast %div3A_957 : f32 to vector<16xf32>
      %div3A_959 = arith.divf %div3A_958, %max3A_956 : vector<16xf32>
      %jit3A_960 = arith.constant 0.000000e+00 : f32
      %broadcast_in_dim3A_961 = vector.broadcast %jit3A_960 : f32 to vector<16xf32>
      %select_n3A_962 = arith.select %gt3A_953, %div3A_959, %broadcast_in_dim3A_961 : vector<16xi1>, vector<16xf32>
      %swap3A_963 = arith.constant 592 : index
      %swap3A_964 = tpu.vector_load %arg11[%swap3A_963] {strides = array<i32>} : memref<640xf32, #tpu.memory_space<vmem>>, vector<16xf32>,
      %swap3A_965 = vector.shape_cast %swap3A_964 : vector<16xf32> to vector<16xf32>
      %swap3A_966 = vector.shape_cast %select_n3A_962 : vector<16xf32> to vector<16xf32>
      tpu.vector_store %arg11[%swap3A_963], %swap3A_966 {strides = array<i32>} : memref<640xf32, #tpu.memory_space<vmem>>, vector<16xf32>,
      %get3A_967 = arith.constant 608 : index
      %get3A_968 = tpu.vector_load %arg11[%get3A_967] {strides = array<i32>} : memref<640xf32, #tpu.memory_space<vmem>>, vector<16xf32>,
      %get3A_969 = vector.shape_cast %get3A_968 : vector<16xf32> to vector<16xf32>
      %gt3A_970 = arith.constant 0.000000e+00 : f32
      %gt3A_971 = vector.broadcast %gt3A_970 : f32 to vector<16xf32>
      %gt3A_972 = arith.cmpf ogt, %get3A_969, %gt3A_971 : vector<16xf32>
      %max3A_973 = arith.constant 1.000000e+00 : f32
      %max3A_974 = vector.broadcast %max3A_973 : f32 to vector<16xf32>
      %max3A_975 = arith.maximumf %get3A_969, %max3A_974 : vector<16xf32>
      %div3A_976 = arith.constant 1.000000e+00 : f32
      %div3A_977 = vector.broadcast %div3A_976 : f32 to vector<16xf32>
      %div3A_978 = arith.divf %div3A_977, %max3A_975 : vector<16xf32>
      %jit3A_979 = arith.constant 0.000000e+00 : f32
      %broadcast_in_dim3A_980 = vector.broadcast %jit3A_979 : f32 to vector<16xf32>
      %select_n3A_981 = arith.select %gt3A_972, %div3A_978, %broadcast_in_dim3A_980 : vector<16xi1>, vector<16xf32>
      %swap3A_982 = arith.constant 608 : index
      %swap3A_983 = tpu.vector_load %arg11[%swap3A_982] {strides = array<i32>} : memref<640xf32, #tpu.memory_space<vmem>>, vector<16xf32>,
      %swap3A_984 = vector.shape_cast %swap3A_983 : vector<16xf32> to vector<16xf32>
      %swap3A_985 = vector.shape_cast %select_n3A_981 : vector<16xf32> to vector<16xf32>
      tpu.vector_store %arg11[%swap3A_982], %swap3A_985 {strides = array<i32>} : memref<640xf32, #tpu.memory_space<vmem>>, vector<16xf32>,
      %get3A_986 = arith.constant 624 : index
      %get3A_987 = tpu.vector_load %arg11[%get3A_986] {strides = array<i32>} : memref<640xf32, #tpu.memory_space<vmem>>, vector<16xf32>,
      %get3A_988 = vector.shape_cast %get3A_987 : vector<16xf32> to vector<16xf32>
      %gt3A_989 = arith.constant 0.000000e+00 : f32
      %gt3A_990 = vector.broadcast %gt3A_989 : f32 to vector<16xf32>
      %gt3A_991 = arith.cmpf ogt, %get3A_988, %gt3A_990 : vector<16xf32>
      %max3A_992 = arith.constant 1.000000e+00 : f32
      %max3A_993 = vector.broadcast %max3A_992 : f32 to vector<16xf32>
      %max3A_994 = arith.maximumf %get3A_988, %max3A_993 : vector<16xf32>
      %div3A_995 = arith.constant 1.000000e+00 : f32
      %div3A_996 = vector.broadcast %div3A_995 : f32 to vector<16xf32>
      %div3A_997 = arith.divf %div3A_996, %max3A_994 : vector<16xf32>
      %jit3A_998 = arith.constant 0.000000e+00 : f32
      %broadcast_in_dim3A_999 = vector.broadcast %jit3A_998 : f32 to vector<16xf32>
      %select_n3A_1000 = arith.select %gt3A_991, %div3A_997, %broadcast_in_dim3A_999 : vector<16xi1>, vector<16xf32>
      %swap3A_1001 = arith.constant 624 : index
      %swap3A_1002 = tpu.vector_load %arg11[%swap3A_1001] {strides = array<i32>} : memref<640xf32, #tpu.memory_space<vmem>>, vector<16xf32>,
      %swap3A_1003 = vector.shape_cast %swap3A_1002 : vector<16xf32> to vector<16xf32>
      %swap3A_1004 = vector.shape_cast %select_n3A_1000 : vector<16xf32> to vector<16xf32>
      tpu.vector_store %arg11[%swap3A_1001], %swap3A_1004 {strides = array<i32>} : memref<640xf32, #tpu.memory_space<vmem>>, vector<16xf32>,
      %mul3A_1005 = arith.constant 640 : i32
      %mul3A_1006 = arith.muli %arg1, %mul3A_1005 : i32
      "tpu.region"() ({
        %run_scoped3A = tpu.sem_alloc : memref<!tpu.dma_semaphore, #tpu.memory_space<semaphore_mem>>
        %dma_start3A = arith.constant 0 : i32
        %dma_start3A_1007 = tpu.memref_slice %arg11[%dma_start3A] : memref<640xf32, #tpu.memory_space<vmem>> -> memref<640xf32, #tpu.memory_space<vmem>>
        %dma_start3A_1008 = tpu.memref_slice %arg5[%mul3A_1006] : memref<10240xf32, #tpu.memory_space<hbm>> -> memref<640xf32, #tpu.memory_space<hbm>>
        %dma_start3A_1009 = tpu.memref_slice %arg5[%mul3A_1006] : memref<10240xf32, #tpu.memory_space<hbm>> -> memref<640xf32, #tpu.memory_space<hbm>>
        %dma_start3A_1010 = arith.constant 0 : i32
        %dma_start3A_1011 = tpu.memref_slice %arg11[%dma_start3A_1010] : memref<640xf32, #tpu.memory_space<vmem>> -> memref<640xf32, #tpu.memory_space<vmem>>
        tpu.enqueue_dma source(%dma_start3A_1011 : memref<640xf32, #tpu.memory_space<vmem>>) target(%dma_start3A_1009 : memref<640xf32, #tpu.memory_space<hbm>>) target_semaphore(%run_scoped3A : memref<!tpu.dma_semaphore, #tpu.memory_space<semaphore_mem>>)
        %dma_wait3A = arith.constant 0 : i32
        %dma_wait3A_1012 = tpu.memref_slice %arg11[%dma_wait3A] : memref<640xf32, #tpu.memory_space<vmem>> -> memref<640xf32, #tpu.memory_space<vmem>>
        %dma_wait3A_1013 = tpu.memref_slice %arg5[%mul3A_1006] : memref<10240xf32, #tpu.memory_space<hbm>> -> memref<640xf32, #tpu.memory_space<hbm>>
        %dma_wait3A_1014 = tpu.memref_slice %arg5[%mul3A_1006] : memref<10240xf32, #tpu.memory_space<hbm>> -> memref<640xf32, #tpu.memory_space<hbm>>
        %dma_wait3A_1015 = arith.constant 0 : i32
        %dma_wait3A_1016 = tpu.memref_slice %arg11[%dma_wait3A_1015] : memref<640xf32, #tpu.memory_space<vmem>> -> memref<640xf32, #tpu.memory_space<vmem>>
        tpu.wait_dma2 semaphore(%run_scoped3A : memref<!tpu.dma_semaphore, #tpu.memory_space<semaphore_mem>>) src(%dma_wait3A_1016 : memref<640xf32, #tpu.memory_space<vmem>>) dst(%dma_wait3A_1014 : memref<640xf32, #tpu.memory_space<hbm>>)
        tpu.yield
      }) : () -> ()
    } else {
    }
    %eq3A_240 = arith.constant 1 : i32
    %eq3A_241 = arith.cmpi eq, %arg0, %eq3A_240 : i32
    %convert_element_type3A_242 = arith.extui %eq3A_241 : i1 to i32
    %cond3A_243 = arith.constant 0 : i32
    %cond3A_244 = arith.cmpi ne, %convert_element_type3A_242, %cond3A_243 : i32
    scf.if %cond3A_244 {
      %mul3A = arith.constant 160 : i32
      %mul3A_245 = arith.muli %arg1, %mul3A : i32
      "tpu.region"() ({
        %run_scoped3A = tpu.sem_alloc : memref<!tpu.dma_semaphore, #tpu.memory_space<semaphore_mem>>
        %dma_start3A = arith.constant 0 : i32
        %dma_start3A_437 = tpu.memref_slice %arg11[%dma_start3A] : memref<640xf32, #tpu.memory_space<vmem>> -> memref<160xf32, #tpu.memory_space<vmem>>
        %dma_start3A_438 = tpu.memref_slice %arg8[%mul3A_245] : memref<2560xf32, #tpu.memory_space<vmem_shared>> -> memref<160xf32, #tpu.memory_space<vmem_shared>>
        %dma_start3A_439 = tpu.memref_slice %arg8[%mul3A_245] : memref<2560xf32, #tpu.memory_space<vmem_shared>> -> memref<160xf32, #tpu.memory_space<vmem_shared>>
        %dma_start3A_440 = arith.constant 0 : i32
        %dma_start3A_441 = tpu.memref_slice %arg11[%dma_start3A_440] : memref<640xf32, #tpu.memory_space<vmem>> -> memref<160xf32, #tpu.memory_space<vmem>>
        tpu.enqueue_dma source(%dma_start3A_441 : memref<160xf32, #tpu.memory_space<vmem>>) target(%dma_start3A_439 : memref<160xf32, #tpu.memory_space<vmem_shared>>) target_semaphore(%run_scoped3A : memref<!tpu.dma_semaphore, #tpu.memory_space<semaphore_mem>>)
        %dma_wait3A = arith.constant 0 : i32
        %dma_wait3A_442 = tpu.memref_slice %arg11[%dma_wait3A] : memref<640xf32, #tpu.memory_space<vmem>> -> memref<160xf32, #tpu.memory_space<vmem>>
        %dma_wait3A_443 = tpu.memref_slice %arg8[%mul3A_245] : memref<2560xf32, #tpu.memory_space<vmem_shared>> -> memref<160xf32, #tpu.memory_space<vmem_shared>>
        %dma_wait3A_444 = tpu.memref_slice %arg8[%mul3A_245] : memref<2560xf32, #tpu.memory_space<vmem_shared>> -> memref<160xf32, #tpu.memory_space<vmem_shared>>
        %dma_wait3A_445 = arith.constant 0 : i32
        %dma_wait3A_446 = tpu.memref_slice %arg11[%dma_wait3A_445] : memref<640xf32, #tpu.memory_space<vmem>> -> memref<160xf32, #tpu.memory_space<vmem>>
        tpu.wait_dma2 semaphore(%run_scoped3A : memref<!tpu.dma_semaphore, #tpu.memory_space<semaphore_mem>>) src(%dma_wait3A_446 : memref<160xf32, #tpu.memory_space<vmem>>) dst(%dma_wait3A_444 : memref<160xf32, #tpu.memory_space<vmem_shared>>)
        tpu.yield
      }) : () -> ()
      %mul3A_246 = arith.constant 20000 : i32
      %mul3A_247 = arith.muli %arg1, %mul3A_246 : i32
      "tpu.region"() ({
        %run_scoped3A = tpu.sem_alloc : memref<!tpu.dma_semaphore, #tpu.memory_space<semaphore_mem>>
        %dma_start3A = tpu.memref_slice %arg3[%mul3A_247] : memref<320000xi32, #tpu.memory_space<hbm>> -> memref<20000xi32, #tpu.memory_space<hbm>>
        %dma_start3A_437 = tpu.memref_slice %arg3[%mul3A_247] : memref<320000xi32, #tpu.memory_space<hbm>> -> memref<20000xi32, #tpu.memory_space<hbm>>
        tpu.enqueue_dma source(%dma_start3A_437 : memref<20000xi32, #tpu.memory_space<hbm>>) target(%arg9 : memref<20000xi32, #tpu.memory_space<vmem>>) target_semaphore(%run_scoped3A : memref<!tpu.dma_semaphore, #tpu.memory_space<semaphore_mem>>)
        %dma_wait3A = tpu.memref_slice %arg3[%mul3A_247] : memref<320000xi32, #tpu.memory_space<hbm>> -> memref<20000xi32, #tpu.memory_space<hbm>>
        %dma_wait3A_438 = tpu.memref_slice %arg3[%mul3A_247] : memref<320000xi32, #tpu.memory_space<hbm>> -> memref<20000xi32, #tpu.memory_space<hbm>>
        tpu.wait_dma2 semaphore(%run_scoped3A : memref<!tpu.dma_semaphore, #tpu.memory_space<semaphore_mem>>) src(%dma_wait3A_438 : memref<20000xi32, #tpu.memory_space<hbm>>) dst(%arg9 : memref<20000xi32, #tpu.memory_space<vmem>>)
        tpu.yield
      }) : () -> ()
      %barrier3A = arith.constant 0 : index
      tpu.barrier barrier_id(%barrier3A)
      "tpu.region"() ({
        %run_scoped3A = tpu.sem_alloc : memref<!tpu.dma_semaphore, #tpu.memory_space<semaphore_mem>>
        %dma_start3A = arith.constant 0 : i32
        %dma_start3A_437 = tpu.memref_slice %arg8[%dma_start3A] : memref<2560xf32, #tpu.memory_space<vmem_shared>> -> memref<2560xf32, #tpu.memory_space<vmem_shared>>
        tpu.enqueue_indirect_dma source(%arg10 : memref<20000xf32, #tpu.memory_space<vmem>>) target(%dma_start3A_437 : memref<2560xf32, #tpu.memory_space<vmem_shared>>) offsets(%arg9 : memref<20000xi32, #tpu.memory_space<vmem>>) semaphore(%run_scoped3A : memref<!tpu.dma_semaphore, #tpu.memory_space<semaphore_mem>>) {add = true}
        %dma_wait3A = arith.constant 0 : i32
        %dma_wait3A_438 = tpu.memref_slice %arg8[%dma_wait3A] : memref<2560xf32, #tpu.memory_space<vmem_shared>> -> memref<2560xf32, #tpu.memory_space<vmem_shared>>
        tpu.wait_indirect_dma semaphore(%run_scoped3A : memref<!tpu.dma_semaphore, #tpu.memory_space<semaphore_mem>>) src(%arg10 : memref<20000xf32, #tpu.memory_space<vmem>>) dst(%dma_wait3A_438 : memref<2560xf32, #tpu.memory_space<vmem_shared>>)
        tpu.yield
      }) : () -> ()
      %barrier3A_248 = arith.constant 0 : index
      tpu.barrier barrier_id(%barrier3A_248)
      %mul3A_249 = arith.constant 160 : i32
      %mul3A_250 = arith.muli %arg1, %mul3A_249 : i32
      "tpu.region"() ({
        %run_scoped3A = tpu.sem_alloc : memref<!tpu.dma_semaphore, #tpu.memory_space<semaphore_mem>>
        %dma_start3A = arith.constant 0 : i32
        %dma_start3A_437 = tpu.memref_slice %arg11[%dma_start3A] : memref<640xf32, #tpu.memory_space<vmem>> -> memref<160xf32, #tpu.memory_space<vmem>>
        %dma_start3A_438 = tpu.memref_slice %arg8[%mul3A_250] : memref<2560xf32, #tpu.memory_space<vmem_shared>> -> memref<160xf32, #tpu.memory_space<vmem_shared>>
        %dma_start3A_439 = arith.constant 0 : i32
        %dma_start3A_440 = tpu.memref_slice %arg11[%dma_start3A_439] : memref<640xf32, #tpu.memory_space<vmem>> -> memref<160xf32, #tpu.memory_space<vmem>>
        %dma_start3A_441 = tpu.memref_slice %arg8[%mul3A_250] : memref<2560xf32, #tpu.memory_space<vmem_shared>> -> memref<160xf32, #tpu.memory_space<vmem_shared>>
        tpu.enqueue_dma source(%dma_start3A_441 : memref<160xf32, #tpu.memory_space<vmem_shared>>) target(%dma_start3A_440 : memref<160xf32, #tpu.memory_space<vmem>>) target_semaphore(%run_scoped3A : memref<!tpu.dma_semaphore, #tpu.memory_space<semaphore_mem>>)
        %dma_wait3A = arith.constant 0 : i32
        %dma_wait3A_442 = tpu.memref_slice %arg11[%dma_wait3A] : memref<640xf32, #tpu.memory_space<vmem>> -> memref<160xf32, #tpu.memory_space<vmem>>
        %dma_wait3A_443 = tpu.memref_slice %arg8[%mul3A_250] : memref<2560xf32, #tpu.memory_space<vmem_shared>> -> memref<160xf32, #tpu.memory_space<vmem_shared>>
        %dma_wait3A_444 = arith.constant 0 : i32
        %dma_wait3A_445 = tpu.memref_slice %arg11[%dma_wait3A_444] : memref<640xf32, #tpu.memory_space<vmem>> -> memref<160xf32, #tpu.memory_space<vmem>>
        %dma_wait3A_446 = tpu.memref_slice %arg8[%mul3A_250] : memref<2560xf32, #tpu.memory_space<vmem_shared>> -> memref<160xf32, #tpu.memory_space<vmem_shared>>
        tpu.wait_dma2 semaphore(%run_scoped3A : memref<!tpu.dma_semaphore, #tpu.memory_space<semaphore_mem>>) src(%dma_wait3A_446 : memref<160xf32, #tpu.memory_space<vmem_shared>>) dst(%dma_wait3A_445 : memref<160xf32, #tpu.memory_space<vmem>>)
        tpu.yield
      }) : () -> ()
      %get3A = arith.constant 0 : index
      %get3A_251 = tpu.vector_load %arg11[%get3A] {strides = array<i32>} : memref<640xf32, #tpu.memory_space<vmem>>, vector<16xf32>,
      %get3A_252 = vector.shape_cast %get3A_251 : vector<16xf32> to vector<16xf32>
      %gt3A = arith.constant 0.000000e+00 : f32
      %gt3A_253 = vector.broadcast %gt3A : f32 to vector<16xf32>
      %gt3A_254 = arith.cmpf ogt, %get3A_252, %gt3A_253 : vector<16xf32>
      %max3A = arith.constant 1.000000e+00 : f32
      %max3A_255 = vector.broadcast %max3A : f32 to vector<16xf32>
      %max3A_256 = arith.maximumf %get3A_252, %max3A_255 : vector<16xf32>
      %div3A = arith.constant 1.000000e+00 : f32
      %div3A_257 = vector.broadcast %div3A : f32 to vector<16xf32>
      %div3A_258 = arith.divf %div3A_257, %max3A_256 : vector<16xf32>
      %jit3A = arith.constant 0.000000e+00 : f32
      %broadcast_in_dim3A_259 = vector.broadcast %jit3A : f32 to vector<16xf32>
      %select_n3A = arith.select %gt3A_254, %div3A_258, %broadcast_in_dim3A_259 : vector<16xi1>, vector<16xf32>
      %swap3A_260 = arith.constant 0 : index
      %swap3A_261 = tpu.vector_load %arg11[%swap3A_260] {strides = array<i32>} : memref<640xf32, #tpu.memory_space<vmem>>, vector<16xf32>,
      %swap3A_262 = vector.shape_cast %swap3A_261 : vector<16xf32> to vector<16xf32>
      %swap3A_263 = vector.shape_cast %select_n3A : vector<16xf32> to vector<16xf32>
      tpu.vector_store %arg11[%swap3A_260], %swap3A_263 {strides = array<i32>} : memref<640xf32, #tpu.memory_space<vmem>>, vector<16xf32>,
      %get3A_264 = arith.constant 16 : index
      %get3A_265 = tpu.vector_load %arg11[%get3A_264] {strides = array<i32>} : memref<640xf32, #tpu.memory_space<vmem>>, vector<16xf32>,
      %get3A_266 = vector.shape_cast %get3A_265 : vector<16xf32> to vector<16xf32>
      %gt3A_267 = arith.constant 0.000000e+00 : f32
      %gt3A_268 = vector.broadcast %gt3A_267 : f32 to vector<16xf32>
      %gt3A_269 = arith.cmpf ogt, %get3A_266, %gt3A_268 : vector<16xf32>
      %max3A_270 = arith.constant 1.000000e+00 : f32
      %max3A_271 = vector.broadcast %max3A_270 : f32 to vector<16xf32>
      %max3A_272 = arith.maximumf %get3A_266, %max3A_271 : vector<16xf32>
      %div3A_273 = arith.constant 1.000000e+00 : f32
      %div3A_274 = vector.broadcast %div3A_273 : f32 to vector<16xf32>
      %div3A_275 = arith.divf %div3A_274, %max3A_272 : vector<16xf32>
      %jit3A_276 = arith.constant 0.000000e+00 : f32
      %broadcast_in_dim3A_277 = vector.broadcast %jit3A_276 : f32 to vector<16xf32>
      %select_n3A_278 = arith.select %gt3A_269, %div3A_275, %broadcast_in_dim3A_277 : vector<16xi1>, vector<16xf32>
      %swap3A_279 = arith.constant 16 : index
      %swap3A_280 = tpu.vector_load %arg11[%swap3A_279] {strides = array<i32>} : memref<640xf32, #tpu.memory_space<vmem>>, vector<16xf32>,
      %swap3A_281 = vector.shape_cast %swap3A_280 : vector<16xf32> to vector<16xf32>
      %swap3A_282 = vector.shape_cast %select_n3A_278 : vector<16xf32> to vector<16xf32>
      tpu.vector_store %arg11[%swap3A_279], %swap3A_282 {strides = array<i32>} : memref<640xf32, #tpu.memory_space<vmem>>, vector<16xf32>,
      %get3A_283 = arith.constant 32 : index
      %get3A_284 = tpu.vector_load %arg11[%get3A_283] {strides = array<i32>} : memref<640xf32, #tpu.memory_space<vmem>>, vector<16xf32>,
      %get3A_285 = vector.shape_cast %get3A_284 : vector<16xf32> to vector<16xf32>
      %gt3A_286 = arith.constant 0.000000e+00 : f32
      %gt3A_287 = vector.broadcast %gt3A_286 : f32 to vector<16xf32>
      %gt3A_288 = arith.cmpf ogt, %get3A_285, %gt3A_287 : vector<16xf32>
      %max3A_289 = arith.constant 1.000000e+00 : f32
      %max3A_290 = vector.broadcast %max3A_289 : f32 to vector<16xf32>
      %max3A_291 = arith.maximumf %get3A_285, %max3A_290 : vector<16xf32>
      %div3A_292 = arith.constant 1.000000e+00 : f32
      %div3A_293 = vector.broadcast %div3A_292 : f32 to vector<16xf32>
      %div3A_294 = arith.divf %div3A_293, %max3A_291 : vector<16xf32>
      %jit3A_295 = arith.constant 0.000000e+00 : f32
      %broadcast_in_dim3A_296 = vector.broadcast %jit3A_295 : f32 to vector<16xf32>
      %select_n3A_297 = arith.select %gt3A_288, %div3A_294, %broadcast_in_dim3A_296 : vector<16xi1>, vector<16xf32>
      %swap3A_298 = arith.constant 32 : index
      %swap3A_299 = tpu.vector_load %arg11[%swap3A_298] {strides = array<i32>} : memref<640xf32, #tpu.memory_space<vmem>>, vector<16xf32>,
      %swap3A_300 = vector.shape_cast %swap3A_299 : vector<16xf32> to vector<16xf32>
      %swap3A_301 = vector.shape_cast %select_n3A_297 : vector<16xf32> to vector<16xf32>
      tpu.vector_store %arg11[%swap3A_298], %swap3A_301 {strides = array<i32>} : memref<640xf32, #tpu.memory_space<vmem>>, vector<16xf32>,
      %get3A_302 = arith.constant 48 : index
      %get3A_303 = tpu.vector_load %arg11[%get3A_302] {strides = array<i32>} : memref<640xf32, #tpu.memory_space<vmem>>, vector<16xf32>,
      %get3A_304 = vector.shape_cast %get3A_303 : vector<16xf32> to vector<16xf32>
      %gt3A_305 = arith.constant 0.000000e+00 : f32
      %gt3A_306 = vector.broadcast %gt3A_305 : f32 to vector<16xf32>
      %gt3A_307 = arith.cmpf ogt, %get3A_304, %gt3A_306 : vector<16xf32>
      %max3A_308 = arith.constant 1.000000e+00 : f32
      %max3A_309 = vector.broadcast %max3A_308 : f32 to vector<16xf32>
      %max3A_310 = arith.maximumf %get3A_304, %max3A_309 : vector<16xf32>
      %div3A_311 = arith.constant 1.000000e+00 : f32
      %div3A_312 = vector.broadcast %div3A_311 : f32 to vector<16xf32>
      %div3A_313 = arith.divf %div3A_312, %max3A_310 : vector<16xf32>
      %jit3A_314 = arith.constant 0.000000e+00 : f32
      %broadcast_in_dim3A_315 = vector.broadcast %jit3A_314 : f32 to vector<16xf32>
      %select_n3A_316 = arith.select %gt3A_307, %div3A_313, %broadcast_in_dim3A_315 : vector<16xi1>, vector<16xf32>
      %swap3A_317 = arith.constant 48 : index
      %swap3A_318 = tpu.vector_load %arg11[%swap3A_317] {strides = array<i32>} : memref<640xf32, #tpu.memory_space<vmem>>, vector<16xf32>,
      %swap3A_319 = vector.shape_cast %swap3A_318 : vector<16xf32> to vector<16xf32>
      %swap3A_320 = vector.shape_cast %select_n3A_316 : vector<16xf32> to vector<16xf32>
      tpu.vector_store %arg11[%swap3A_317], %swap3A_320 {strides = array<i32>} : memref<640xf32, #tpu.memory_space<vmem>>, vector<16xf32>,
      %get3A_321 = arith.constant 64 : index
      %get3A_322 = tpu.vector_load %arg11[%get3A_321] {strides = array<i32>} : memref<640xf32, #tpu.memory_space<vmem>>, vector<16xf32>,
      %get3A_323 = vector.shape_cast %get3A_322 : vector<16xf32> to vector<16xf32>
      %gt3A_324 = arith.constant 0.000000e+00 : f32
      %gt3A_325 = vector.broadcast %gt3A_324 : f32 to vector<16xf32>
      %gt3A_326 = arith.cmpf ogt, %get3A_323, %gt3A_325 : vector<16xf32>
      %max3A_327 = arith.constant 1.000000e+00 : f32
      %max3A_328 = vector.broadcast %max3A_327 : f32 to vector<16xf32>
      %max3A_329 = arith.maximumf %get3A_323, %max3A_328 : vector<16xf32>
      %div3A_330 = arith.constant 1.000000e+00 : f32
      %div3A_331 = vector.broadcast %div3A_330 : f32 to vector<16xf32>
      %div3A_332 = arith.divf %div3A_331, %max3A_329 : vector<16xf32>
      %jit3A_333 = arith.constant 0.000000e+00 : f32
      %broadcast_in_dim3A_334 = vector.broadcast %jit3A_333 : f32 to vector<16xf32>
      %select_n3A_335 = arith.select %gt3A_326, %div3A_332, %broadcast_in_dim3A_334 : vector<16xi1>, vector<16xf32>
      %swap3A_336 = arith.constant 64 : index
      %swap3A_337 = tpu.vector_load %arg11[%swap3A_336] {strides = array<i32>} : memref<640xf32, #tpu.memory_space<vmem>>, vector<16xf32>,
      %swap3A_338 = vector.shape_cast %swap3A_337 : vector<16xf32> to vector<16xf32>
      %swap3A_339 = vector.shape_cast %select_n3A_335 : vector<16xf32> to vector<16xf32>
      tpu.vector_store %arg11[%swap3A_336], %swap3A_339 {strides = array<i32>} : memref<640xf32, #tpu.memory_space<vmem>>, vector<16xf32>,
      %get3A_340 = arith.constant 80 : index
      %get3A_341 = tpu.vector_load %arg11[%get3A_340] {strides = array<i32>} : memref<640xf32, #tpu.memory_space<vmem>>, vector<16xf32>,
      %get3A_342 = vector.shape_cast %get3A_341 : vector<16xf32> to vector<16xf32>
      %gt3A_343 = arith.constant 0.000000e+00 : f32
      %gt3A_344 = vector.broadcast %gt3A_343 : f32 to vector<16xf32>
      %gt3A_345 = arith.cmpf ogt, %get3A_342, %gt3A_344 : vector<16xf32>
      %max3A_346 = arith.constant 1.000000e+00 : f32
      %max3A_347 = vector.broadcast %max3A_346 : f32 to vector<16xf32>
      %max3A_348 = arith.maximumf %get3A_342, %max3A_347 : vector<16xf32>
      %div3A_349 = arith.constant 1.000000e+00 : f32
      %div3A_350 = vector.broadcast %div3A_349 : f32 to vector<16xf32>
      %div3A_351 = arith.divf %div3A_350, %max3A_348 : vector<16xf32>
      %jit3A_352 = arith.constant 0.000000e+00 : f32
      %broadcast_in_dim3A_353 = vector.broadcast %jit3A_352 : f32 to vector<16xf32>
      %select_n3A_354 = arith.select %gt3A_345, %div3A_351, %broadcast_in_dim3A_353 : vector<16xi1>, vector<16xf32>
      %swap3A_355 = arith.constant 80 : index
      %swap3A_356 = tpu.vector_load %arg11[%swap3A_355] {strides = array<i32>} : memref<640xf32, #tpu.memory_space<vmem>>, vector<16xf32>,
      %swap3A_357 = vector.shape_cast %swap3A_356 : vector<16xf32> to vector<16xf32>
      %swap3A_358 = vector.shape_cast %select_n3A_354 : vector<16xf32> to vector<16xf32>
      tpu.vector_store %arg11[%swap3A_355], %swap3A_358 {strides = array<i32>} : memref<640xf32, #tpu.memory_space<vmem>>, vector<16xf32>,
      %get3A_359 = arith.constant 96 : index
      %get3A_360 = tpu.vector_load %arg11[%get3A_359] {strides = array<i32>} : memref<640xf32, #tpu.memory_space<vmem>>, vector<16xf32>,
      %get3A_361 = vector.shape_cast %get3A_360 : vector<16xf32> to vector<16xf32>
      %gt3A_362 = arith.constant 0.000000e+00 : f32
      %gt3A_363 = vector.broadcast %gt3A_362 : f32 to vector<16xf32>
      %gt3A_364 = arith.cmpf ogt, %get3A_361, %gt3A_363 : vector<16xf32>
      %max3A_365 = arith.constant 1.000000e+00 : f32
      %max3A_366 = vector.broadcast %max3A_365 : f32 to vector<16xf32>
      %max3A_367 = arith.maximumf %get3A_361, %max3A_366 : vector<16xf32>
      %div3A_368 = arith.constant 1.000000e+00 : f32
      %div3A_369 = vector.broadcast %div3A_368 : f32 to vector<16xf32>
      %div3A_370 = arith.divf %div3A_369, %max3A_367 : vector<16xf32>
      %jit3A_371 = arith.constant 0.000000e+00 : f32
      %broadcast_in_dim3A_372 = vector.broadcast %jit3A_371 : f32 to vector<16xf32>
      %select_n3A_373 = arith.select %gt3A_364, %div3A_370, %broadcast_in_dim3A_372 : vector<16xi1>, vector<16xf32>
      %swap3A_374 = arith.constant 96 : index
      %swap3A_375 = tpu.vector_load %arg11[%swap3A_374] {strides = array<i32>} : memref<640xf32, #tpu.memory_space<vmem>>, vector<16xf32>,
      %swap3A_376 = vector.shape_cast %swap3A_375 : vector<16xf32> to vector<16xf32>
      %swap3A_377 = vector.shape_cast %select_n3A_373 : vector<16xf32> to vector<16xf32>
      tpu.vector_store %arg11[%swap3A_374], %swap3A_377 {strides = array<i32>} : memref<640xf32, #tpu.memory_space<vmem>>, vector<16xf32>,
      %get3A_378 = arith.constant 112 : index
      %get3A_379 = tpu.vector_load %arg11[%get3A_378] {strides = array<i32>} : memref<640xf32, #tpu.memory_space<vmem>>, vector<16xf32>,
      %get3A_380 = vector.shape_cast %get3A_379 : vector<16xf32> to vector<16xf32>
      %gt3A_381 = arith.constant 0.000000e+00 : f32
      %gt3A_382 = vector.broadcast %gt3A_381 : f32 to vector<16xf32>
      %gt3A_383 = arith.cmpf ogt, %get3A_380, %gt3A_382 : vector<16xf32>
      %max3A_384 = arith.constant 1.000000e+00 : f32
      %max3A_385 = vector.broadcast %max3A_384 : f32 to vector<16xf32>
      %max3A_386 = arith.maximumf %get3A_380, %max3A_385 : vector<16xf32>
      %div3A_387 = arith.constant 1.000000e+00 : f32
      %div3A_388 = vector.broadcast %div3A_387 : f32 to vector<16xf32>
      %div3A_389 = arith.divf %div3A_388, %max3A_386 : vector<16xf32>
      %jit3A_390 = arith.constant 0.000000e+00 : f32
      %broadcast_in_dim3A_391 = vector.broadcast %jit3A_390 : f32 to vector<16xf32>
      %select_n3A_392 = arith.select %gt3A_383, %div3A_389, %broadcast_in_dim3A_391 : vector<16xi1>, vector<16xf32>
      %swap3A_393 = arith.constant 112 : index
      %swap3A_394 = tpu.vector_load %arg11[%swap3A_393] {strides = array<i32>} : memref<640xf32, #tpu.memory_space<vmem>>, vector<16xf32>,
      %swap3A_395 = vector.shape_cast %swap3A_394 : vector<16xf32> to vector<16xf32>
      %swap3A_396 = vector.shape_cast %select_n3A_392 : vector<16xf32> to vector<16xf32>
      tpu.vector_store %arg11[%swap3A_393], %swap3A_396 {strides = array<i32>} : memref<640xf32, #tpu.memory_space<vmem>>, vector<16xf32>,
      %get3A_397 = arith.constant 128 : index
      %get3A_398 = tpu.vector_load %arg11[%get3A_397] {strides = array<i32>} : memref<640xf32, #tpu.memory_space<vmem>>, vector<16xf32>,
      %get3A_399 = vector.shape_cast %get3A_398 : vector<16xf32> to vector<16xf32>
      %gt3A_400 = arith.constant 0.000000e+00 : f32
      %gt3A_401 = vector.broadcast %gt3A_400 : f32 to vector<16xf32>
      %gt3A_402 = arith.cmpf ogt, %get3A_399, %gt3A_401 : vector<16xf32>
      %max3A_403 = arith.constant 1.000000e+00 : f32
      %max3A_404 = vector.broadcast %max3A_403 : f32 to vector<16xf32>
      %max3A_405 = arith.maximumf %get3A_399, %max3A_404 : vector<16xf32>
      %div3A_406 = arith.constant 1.000000e+00 : f32
      %div3A_407 = vector.broadcast %div3A_406 : f32 to vector<16xf32>
      %div3A_408 = arith.divf %div3A_407, %max3A_405 : vector<16xf32>
      %jit3A_409 = arith.constant 0.000000e+00 : f32
      %broadcast_in_dim3A_410 = vector.broadcast %jit3A_409 : f32 to vector<16xf32>
      %select_n3A_411 = arith.select %gt3A_402, %div3A_408, %broadcast_in_dim3A_410 : vector<16xi1>, vector<16xf32>
      %swap3A_412 = arith.constant 128 : index
      %swap3A_413 = tpu.vector_load %arg11[%swap3A_412] {strides = array<i32>} : memref<640xf32, #tpu.memory_space<vmem>>, vector<16xf32>,
      %swap3A_414 = vector.shape_cast %swap3A_413 : vector<16xf32> to vector<16xf32>
      %swap3A_415 = vector.shape_cast %select_n3A_411 : vector<16xf32> to vector<16xf32>
      tpu.vector_store %arg11[%swap3A_412], %swap3A_415 {strides = array<i32>} : memref<640xf32, #tpu.memory_space<vmem>>, vector<16xf32>,
      %get3A_416 = arith.constant 144 : index
      %get3A_417 = tpu.vector_load %arg11[%get3A_416] {strides = array<i32>} : memref<640xf32, #tpu.memory_space<vmem>>, vector<16xf32>,
      %get3A_418 = vector.shape_cast %get3A_417 : vector<16xf32> to vector<16xf32>
      %gt3A_419 = arith.constant 0.000000e+00 : f32
      %gt3A_420 = vector.broadcast %gt3A_419 : f32 to vector<16xf32>
      %gt3A_421 = arith.cmpf ogt, %get3A_418, %gt3A_420 : vector<16xf32>
      %max3A_422 = arith.constant 1.000000e+00 : f32
      %max3A_423 = vector.broadcast %max3A_422 : f32 to vector<16xf32>
      %max3A_424 = arith.maximumf %get3A_418, %max3A_423 : vector<16xf32>
      %div3A_425 = arith.constant 1.000000e+00 : f32
      %div3A_426 = vector.broadcast %div3A_425 : f32 to vector<16xf32>
      %div3A_427 = arith.divf %div3A_426, %max3A_424 : vector<16xf32>
      %jit3A_428 = arith.constant 0.000000e+00 : f32
      %broadcast_in_dim3A_429 = vector.broadcast %jit3A_428 : f32 to vector<16xf32>
      %select_n3A_430 = arith.select %gt3A_421, %div3A_427, %broadcast_in_dim3A_429 : vector<16xi1>, vector<16xf32>
      %swap3A_431 = arith.constant 144 : index
      %swap3A_432 = tpu.vector_load %arg11[%swap3A_431] {strides = array<i32>} : memref<640xf32, #tpu.memory_space<vmem>>, vector<16xf32>,
      %swap3A_433 = vector.shape_cast %swap3A_432 : vector<16xf32> to vector<16xf32>
      %swap3A_434 = vector.shape_cast %select_n3A_430 : vector<16xf32> to vector<16xf32>
      tpu.vector_store %arg11[%swap3A_431], %swap3A_434 {strides = array<i32>} : memref<640xf32, #tpu.memory_space<vmem>>, vector<16xf32>,
      %mul3A_435 = arith.constant 160 : i32
      %mul3A_436 = arith.muli %arg1, %mul3A_435 : i32
      "tpu.region"() ({
        %run_scoped3A = tpu.sem_alloc : memref<!tpu.dma_semaphore, #tpu.memory_space<semaphore_mem>>
        %dma_start3A = arith.constant 0 : i32
        %dma_start3A_437 = tpu.memref_slice %arg11[%dma_start3A] : memref<640xf32, #tpu.memory_space<vmem>> -> memref<160xf32, #tpu.memory_space<vmem>>
        %dma_start3A_438 = tpu.memref_slice %arg6[%mul3A_436] : memref<2560xf32, #tpu.memory_space<hbm>> -> memref<160xf32, #tpu.memory_space<hbm>>
        %dma_start3A_439 = tpu.memref_slice %arg6[%mul3A_436] : memref<2560xf32, #tpu.memory_space<hbm>> -> memref<160xf32, #tpu.memory_space<hbm>>
        %dma_start3A_440 = arith.constant 0 : i32
        %dma_start3A_441 = tpu.memref_slice %arg11[%dma_start3A_440] : memref<640xf32, #tpu.memory_space<vmem>> -> memref<160xf32, #tpu.memory_space<vmem>>
        tpu.enqueue_dma source(%dma_start3A_441 : memref<160xf32, #tpu.memory_space<vmem>>) target(%dma_start3A_439 : memref<160xf32, #tpu.memory_space<hbm>>) target_semaphore(%run_scoped3A : memref<!tpu.dma_semaphore, #tpu.memory_space<semaphore_mem>>)
        %dma_wait3A = arith.constant 0 : i32
        %dma_wait3A_442 = tpu.memref_slice %arg11[%dma_wait3A] : memref<640xf32, #tpu.memory_space<vmem>> -> memref<160xf32, #tpu.memory_space<vmem>>
        %dma_wait3A_443 = tpu.memref_slice %arg6[%mul3A_436] : memref<2560xf32, #tpu.memory_space<hbm>> -> memref<160xf32, #tpu.memory_space<hbm>>
        %dma_wait3A_444 = tpu.memref_slice %arg6[%mul3A_436] : memref<2560xf32, #tpu.memory_space<hbm>> -> memref<160xf32, #tpu.memory_space<hbm>>
        %dma_wait3A_445 = arith.constant 0 : i32
        %dma_wait3A_446 = tpu.memref_slice %arg11[%dma_wait3A_445] : memref<640xf32, #tpu.memory_space<vmem>> -> memref<160xf32, #tpu.memory_space<vmem>>
        tpu.wait_dma2 semaphore(%run_scoped3A : memref<!tpu.dma_semaphore, #tpu.memory_space<semaphore_mem>>) src(%dma_wait3A_446 : memref<160xf32, #tpu.memory_space<vmem>>) dst(%dma_wait3A_444 : memref<160xf32, #tpu.memory_space<hbm>>)
        tpu.yield
      }) : () -> ()
    } else {
    }
    return
  }
}

module attributes {stable_mosaic.version = 14 : i64} {
  func.func @_xnorm_body(%arg0: i32, %arg1: memref<1000x128xf32, #tpu.memory_space<vmem>>, %arg2: memref<1000x1xf32, #tpu.memory_space<vmem>>, %arg3: memref<1000x128xf32, #tpu.memory_space<vmem>>) attributes {dimension_semantics = [#tpu.dimension_semantics<arbitrary>], iteration_bounds = array<i64: 10>, scalar_prefetch = 0 : i64, scratch_operands = 0 : i64, tpu.core_type = #tpu.core_type<tc>, window_params = [{transform_indices = @transform_0, window_bounds = array<i64: 1000, 128>}, {transform_indices = @transform_1, window_bounds = array<i64: 1000, 1>}, {transform_indices = @transform_2, window_bounds = array<i64: 1000, 128>}]} {
    %get3A = arith.constant 0 : index
    %get3A_0 = arith.constant 0 : index
    %get3A_1 = vector.load %arg1[%get3A, %get3A_0] : memref<1000x128xf32, #tpu.memory_space<vmem>>, vector<1000x128xf32>
    %get3A_2 = arith.constant 0 : index
    %get3A_3 = arith.constant 0 : index
    %get3A_4 = vector.load %arg2[%get3A_2, %get3A_3] : memref<1000x1xf32, #tpu.memory_space<vmem>>, vector<1000x1xf32>
    %mul3A = vector.broadcast %get3A_4 : vector<1000x1xf32> to vector<1000x128xf32>
    %mul3A_5 = arith.mulf %get3A_1, %mul3A : vector<1000x128xf32>
    %swap3A = arith.constant 0 : index
    %swap3A_6 = arith.constant 0 : index
    %swap3A_7 = vector.load %arg3[%swap3A, %swap3A_6] : memref<1000x128xf32, #tpu.memory_space<vmem>>, vector<1000x128xf32>
    tpu.vector_store %arg3[%swap3A, %swap3A_6], %mul3A_5 {strides = array<i32>} : memref<1000x128xf32, #tpu.memory_space<vmem>>, vector<1000x128xf32>,
    return
  }
  func.func @transform_0(%arg0: i32) -> (i32, i32) {
    %c0_i32 = arith.constant 0 : i32
    %c0_i32_0 = arith.constant 0 : i32
    return %arg0, %c0_i32 : i32, i32
  }
  func.func @transform_1(%arg0: i32) -> (i32, i32) {
    %c0_i32 = arith.constant 0 : i32
    %c0_i32_0 = arith.constant 0 : i32
    return %arg0, %c0_i32 : i32, i32
  }
  func.func @transform_2(%arg0: i32) -> (i32, i32) {
    %c0_i32 = arith.constant 0 : i32
    %c0_i32_0 = arith.constant 0 : i32
    return %arg0, %c0_i32 : i32, i32
  }
}

module attributes {stable_mosaic.version = 14 : i64} {
  func.func @_ecomb_body(%arg0: i32, %arg1: memref<2x2560x128xf32, #tpu.memory_space<vmem>>, %arg2: memref<2560x1xf32, #tpu.memory_space<vmem>>, %arg3: memref<2500x128xf32, #tpu.memory_space<vmem>>, %arg4: memref<2560x128xf32, #tpu.memory_space<vmem>>) attributes {dimension_semantics = [#tpu.dimension_semantics<arbitrary>], iteration_bounds = array<i64: 1>, scalar_prefetch = 0 : i64, scratch_operands = 0 : i64, tpu.core_type = #tpu.core_type<tc>, window_params = [{pipeline_mode = #tpu.pipeline_mode<synchronous>, transform_indices = @transform_0, window_bounds = array<i64: 2, 2560, 128>}, {pipeline_mode = #tpu.pipeline_mode<synchronous>, transform_indices = @transform_1, window_bounds = array<i64: 2560, 1>}, {pipeline_mode = #tpu.pipeline_mode<synchronous>, transform_indices = @transform_2, window_bounds = array<i64: 2500, 128>}, {pipeline_mode = #tpu.pipeline_mode<synchronous>, transform_indices = @transform_3, window_bounds = array<i64: 2560, 128>}]} {
    %get3A = arith.constant 0 : index
    %get3A_0 = arith.constant 0 : index
    %get3A_1 = arith.constant 0 : index
    %get3A_2 = vector.load %arg1[%get3A, %get3A_0, %get3A_1] : memref<2x2560x128xf32, #tpu.memory_space<vmem>>, vector<1x2560x128xf32>
    %get3A_3 = vector.shape_cast %get3A_2 : vector<1x2560x128xf32> to vector<2560x128xf32>
    %get3A_4 = arith.constant 1 : index
    %get3A_5 = arith.constant 0 : index
    %get3A_6 = arith.constant 0 : index
    %get3A_7 = vector.load %arg1[%get3A_4, %get3A_5, %get3A_6] : memref<2x2560x128xf32, #tpu.memory_space<vmem>>, vector<1x2560x128xf32>
    %get3A_8 = vector.shape_cast %get3A_7 : vector<1x2560x128xf32> to vector<2560x128xf32>
    %add3A = arith.addf %get3A_3, %get3A_8 : vector<2560x128xf32>
    %slice3A = vector.extract_strided_slice %add3A {offsets = [0, 0], sizes = [2500, 128], strides = [1, 1]} : vector<2560x128xf32> to vector<2500x128xf32>
    %swap3A = arith.constant 0 : index
    %swap3A_9 = arith.constant 0 : index
    %swap3A_10 = vector.load %arg3[%swap3A, %swap3A_9] : memref<2500x128xf32, #tpu.memory_space<vmem>>, vector<2500x128xf32>
    tpu.vector_store %arg3[%swap3A, %swap3A_9], %slice3A {strides = array<i32>} : memref<2500x128xf32, #tpu.memory_space<vmem>>, vector<2500x128xf32>,
    %get3A_11 = arith.constant 0 : index
    %get3A_12 = arith.constant 0 : index
    %get3A_13 = vector.load %arg2[%get3A_11, %get3A_12] : memref<2560x1xf32, #tpu.memory_space<vmem>>, vector<2560x1xf32>
    %mul3A = vector.broadcast %get3A_13 : vector<2560x1xf32> to vector<2560x128xf32>
    %mul3A_14 = arith.mulf %add3A, %mul3A : vector<2560x128xf32>
    %swap3A_15 = arith.constant 0 : index
    %swap3A_16 = arith.constant 0 : index
    %swap3A_17 = vector.load %arg4[%swap3A_15, %swap3A_16] : memref<2560x128xf32, #tpu.memory_space<vmem>>, vector<2560x128xf32>
    tpu.vector_store %arg4[%swap3A_15, %swap3A_16], %mul3A_14 {strides = array<i32>} : memref<2560x128xf32, #tpu.memory_space<vmem>>, vector<2560x128xf32>,
    return
  }
  func.func @transform_0(%arg0: i32) -> (i32, i32, i32) {
    %c0_i32 = arith.constant 0 : i32
    %c0_i32_0 = arith.constant 0 : i32
    %c0_i32_1 = arith.constant 0 : i32
    %c0_i32_2 = arith.constant 0 : i32
    return %c0_i32, %c0_i32_0, %c0_i32_1 : i32, i32, i32
  }
  func.func @transform_1(%arg0: i32) -> (i32, i32) {
    %c0_i32 = arith.constant 0 : i32
    %c0_i32_0 = arith.constant 0 : i32
    %c0_i32_1 = arith.constant 0 : i32
    return %c0_i32, %c0_i32_0 : i32, i32
  }
  func.func @transform_2(%arg0: i32) -> (i32, i32) {
    %c0_i32 = arith.constant 0 : i32
    %c0_i32_0 = arith.constant 0 : i32
    %c0_i32_1 = arith.constant 0 : i32
    return %c0_i32, %c0_i32_0 : i32, i32
  }
  func.func @transform_3(%arg0: i32) -> (i32, i32) {
    %c0_i32 = arith.constant 0 : i32
    %c0_i32_0 = arith.constant 0 : i32
    %c0_i32_1 = arith.constant 0 : i32
    return %c0_i32, %c0_i32_0 : i32, i32
  }
}

module attributes {stable_mosaic.version = 14 : i64} {
  func.func @_ncomb_body(%arg0: i32, %arg1: memref<2x1000x128xf32, #tpu.memory_space<vmem>>, %arg2: memref<1000x128xf32, #tpu.memory_space<vmem>>) attributes {dimension_semantics = [#tpu.dimension_semantics<arbitrary>], iteration_bounds = array<i64: 10>, scalar_prefetch = 0 : i64, scratch_operands = 0 : i64, tpu.core_type = #tpu.core_type<tc>, window_params = [{transform_indices = @transform_0, window_bounds = array<i64: 2, 1000, 128>}, {transform_indices = @transform_1, window_bounds = array<i64: 1000, 128>}]} {
    %get3A = arith.constant 0 : index
    %get3A_0 = arith.constant 0 : index
    %get3A_1 = arith.constant 0 : index
    %get3A_2 = vector.load %arg1[%get3A, %get3A_0, %get3A_1] : memref<2x1000x128xf32, #tpu.memory_space<vmem>>, vector<1x1000x128xf32>
    %get3A_3 = vector.shape_cast %get3A_2 : vector<1x1000x128xf32> to vector<1000x128xf32>
    %get3A_4 = arith.constant 1 : index
    %get3A_5 = arith.constant 0 : index
    %get3A_6 = arith.constant 0 : index
    %get3A_7 = vector.load %arg1[%get3A_4, %get3A_5, %get3A_6] : memref<2x1000x128xf32, #tpu.memory_space<vmem>>, vector<1x1000x128xf32>
    %get3A_8 = vector.shape_cast %get3A_7 : vector<1x1000x128xf32> to vector<1000x128xf32>
    %add3A = arith.addf %get3A_3, %get3A_8 : vector<1000x128xf32>
    %swap3A = arith.constant 0 : index
    %swap3A_9 = arith.constant 0 : index
    %swap3A_10 = vector.load %arg2[%swap3A, %swap3A_9] : memref<1000x128xf32, #tpu.memory_space<vmem>>, vector<1000x128xf32>
    tpu.vector_store %arg2[%swap3A, %swap3A_9], %add3A {strides = array<i32>} : memref<1000x128xf32, #tpu.memory_space<vmem>>, vector<1000x128xf32>,
    return
  }
  func.func @transform_0(%arg0: i32) -> (i32, i32, i32) {
    %c0_i32 = arith.constant 0 : i32
    %c0_i32_0 = arith.constant 0 : i32
    %c0_i32_1 = arith.constant 0 : i32
    return %c0_i32, %arg0, %c0_i32_0 : i32, i32, i32
  }
  func.func @transform_1(%arg0: i32) -> (i32, i32) {
    %c0_i32 = arith.constant 0 : i32
    %c0_i32_0 = arith.constant 0 : i32
    return %arg0, %c0_i32 : i32, i32
  }
}

</mosaic_0001>

<sc_bundles>
// kernel: kernel.11.cloned.1.call-start
scs
__scs_entry_jumppad:
0x0: {  	(pc) =	sbr.rel $0x88, $3  }
0x1: {  	(tag) =	ssettag $0x0;
	lr =	simm.s32 $0x1  }
0x2: {  	[smem:$0x3F9E] =	sst lr;
	_ =	strace $0xD0000000  }
0x3: {  	_ = 	snop  }
0x4: {  	_ = 	snop  }
0x5: {  	_ = 	snop  }
0x6: {  	_ = 	snop  }
0x7: {  	_ = 	snop  }
__scs_overlays_trampoline_lowered:
0x8: {  	[smem:$0x3FAD] =	sst s0  }
0x9: {  	[smem:$0x3FAE] =	sst s1  }
0xa: {  	[smem:$0x3FAF] =	sst s2  }
0xb: {  	[smem:$0x3FB0] =	sst s3  }
0xc: {  	[smem:$0x3FB1] =	sst s4  }
0xd: {  	[smem:$0x3FB2] =	sst s5  }
0xe: {  	[smem:$0x3FB3] =	sst s6  }
0xf: {  	[smem:$0x3FB4] =	sst s7  }
0x10: {  	[smem:$0x3FB5] =	sst s8  }
0x11: {  	[smem:$0x3FB6] =	sst s9;
	s0 =	simm.s32 @!p0 $0x0  }
0x12: {  	s1 =	sld [smem:$0x3F9C];
	s0 =	simm.s32 @p0 $0x1  }
0x13: {  	[smem:$0x3FB7] =	sst s0;
	s0 =	simm.s32 @!p1 $0x0  }
0x14: {  	s2 =	sld [smem:$0x3F9B];
	s0 =	simm.s32 @p1 $0x1  }
0x15: {  	[smem:$0x3FB8] =	sst s0;
	s0 =	simm.s32 @!p2 $0x0  }
0x16: {  	s3 =	sld [smem:$0x3FDB];
	s0 =	simm.s32 @p2 $0x1  }
0x17: {  	s4 =	simm.s32 $0x1BF5;
	[smem:$0x3FBA] =	sst s0  }
0x18: {  	s0 =	sld [smem:$0x3F9D];
	_ =	swait.ge [sflag:s4], $0x0  }
0x19: {  	s7 =	sld [smem:$0x3F9E]  }
0x1a: {  	s8 =	sadd.s32 $0xFFFFE003, lr  }
0x1b: {  	s9 =	sadd.s32 $0xFFFFFEF7, lr;
	s5 =	simm.s32 $0xFFFFFFFF;
	p2 =	slt.u32 s8, $0xFFFFF086  }
0x1c: {  	p1 =	slt.u32 s9, $0xF7A;
	s5 =	simm.s32 @!p2 $0x0  }
0x1d: {  	s5 =	simm.s32 @p1 $0x1;
	p0 =	seq.s32 s7, s2  }
0x1e: {  	s7 =	smul.u32 @!p0 $0xF7A, s2;
	p2 =	seq.s32 @!p0 s5, $0x0  }
0x1f: {  	s9 =	smul.u32 $0xF7A, s1;
	s8 =	simm.s32 @!p0 $0x1BF5;
	p2 =	por !p2, p0  }
0x20: {  	[sflag:s8] =	ssyncset.s32 @!p0 $0xFFFFF086;
	s6 =	sadd.s32 @!p0 s3, s7;
	s7 =	simm.s32 @!p0 $0x108  }
0x21: {  	s3 =	sadd.s32 s3, s9;
	s6 =	sadd.s32 @!p0 $0x88, s6;
	s7 =	simm.s32 @p2 $0x1082  }
0x22: {  	[simem:s7], [sflag:s8] =	dma.local @!p0 [hbm:s6], $0xF7A  }
0x23: {  	s9 =	sor.u32 $0xD0000000, s2;
	s6 =	simm.s32 $0x108;
	_ =	swait.ge @!p0 [sflag:s8], $0x0  }
0x24: {  	s3 =	sadd.s32 $0x88, s3;
	s6 =	simm.s32 @!p1 $0x1082;
	[sflag:s4] =	ssyncset.s32 $0xFFFFF086  }
0x25: {  	[simem:s6], [sflag:s4] =	dma.local [hbm:s3], $0xF7A  }
0x26: {  	[smem:$0x3F9E] =	sst s1;
	(tag) =	ssettag s2;
	_ =	strace s9  }
0x27: {  	s1 =	sld [smem:$0x3FAE]  }
0x28: {  	s2 =	sld [smem:$0x3FAF]  }
0x29: {  	s4 =	sld [smem:$0x3FB1]  }
0x2a: {  	p0 =	seq.s32 s5, $0x0;
	s5 =	sld [smem:$0x3FB2]  }
0x2b: {  	s6 =	sld [smem:$0x3FB3]  }
0x2c: {  	s7 =	sld [smem:$0x3FB4]  }
0x2d: {  	s3 =	simm.s32 $0x108;
	s8 =	sld [smem:$0x3FB5]  }
0x2e: {  	s3 =	simm.s32 @!p0 $0x1082;
	s9 =	sld [smem:$0x3FB6]  }
0x2f: {  	lr =	sadd.s32 s0, s3;
	s0 =	sld [smem:$0x3FAD]  }
0x30: {  	s3 =	sld [smem:$0x3FB0]  }
0x31: {  	[smem:$0x3FB9] =	sst s10  }
0x32: {  	s10 =	sld [smem:$0x3FB7];
	_ =	sdelay $0x3  }
0x33: {  	p0 =	seq.s32 s10, $0x1;
	s10 =	sld [smem:$0x3FB9];
	_ =	sdelay $0x3  }
0x34: {  	[smem:$0x3FB9] =	sst s10  }
0x35: {  	s10 =	sld [smem:$0x3FB8];
	_ =	sdelay $0x3  }
0x36: {  	p1 =	seq.s32 s10, $0x1;
	s10 =	sld [smem:$0x3FB9];
	_ =	sdelay $0x3  }
0x37: {  	[smem:$0x3FB9] =	sst s10  }
0x38: {  	s10 =	sld [smem:$0x3FBA]  }
0x39: {  	_ = 	snop;
	(pc) =	sbr.ind lr, $3  }
0x3a: {  	_ = 	snop  }
0x3b: {  	_ = 	snop  }
0x3c: {  	p2 =	seq.s32 s10, $0x1;
	s10 =	sld [smem:$0x3FB9]  }
0x3d: {  	_ =	shalt  }
0x3e: {  	_ =	shalt  }
0x3f: {  	_ =	shalt  }
0x40: {  	_ =	shalt  }
0x41: {  	_ =	shalt  }
0x42: {  	_ =	shalt  }
0x43: {  	_ =	shalt  }
0x44: {  	_ =	shalt  }
0x45: {  	_ =	shalt  }
0x46: {  	_ =	shalt  }
0x47: {  	_ =	shalt  }
0x48: {  	_ =	shalt  }
0x49: {  	_ =	shalt  }
0x4a: {  	_ =	shalt  }
0x4b: {  	_ =	shalt  }
0x4c: {  	_ =	shalt  }
0x4d: {  	_ =	shalt  }
0x4e: {  	_ =	shalt  }
0x4f: {  	_ =	shalt  }
0x50: {  	_ =	shalt  }
0x51: {  	_ =	shalt  }
0x52: {  	_ =	shalt  }
0x53: {  	_ =	shalt  }
0x54: {  	_ =	shalt  }
0x55: {  	_ =	shalt  }
0x56: {  	_ =	shalt  }
0x57: {  	_ =	shalt  }
0x58: {  	_ =	shalt  }
0x59: {  	_ =	shalt  }
0x5a: {  	_ =	shalt  }
0x5b: {  	_ =	shalt  }
0x5c: {  	_ =	shalt  }
0x5d: {  	_ =	shalt  }
0x5e: {  	_ =	shalt  }
0x5f: {  	_ =	shalt  }
0x60: {  	_ =	shalt  }
0x61: {  	_ =	shalt  }
0x62: {  	_ =	shalt  }
0x63: {  	_ =	shalt  }
0x64: {  	_ =	shalt  }
0x65: {  	_ =	shalt  }
0x66: {  	_ =	shalt  }
0x67: {  	_ =	shalt  }
0x68: {  	_ =	shalt  }
0x69: {  	_ =	shalt  }
0x6a: {  	_ =	shalt  }
0x6b: {  	_ =	shalt  }
0x6c: {  	_ =	shalt  }
0x6d: {  	_ =	shalt  }
0x6e: {  	_ =	shalt  }
0x6f: {  	_ =	shalt  }
0x70: {  	_ =	shalt  }
0x71: {  	_ =	shalt  }
0x72: {  	_ =	shalt  }
0x73: {  	_ =	shalt  }
0x74: {  	_ =	shalt  }
0x75: {  	_ =	shalt  }
0x76: {  	_ =	shalt  }
0x77: {  	_ =	shalt  }
0x78: {  	_ =	shalt  }
0x79: {  	_ =	shalt  }
0x7a: {  	_ =	shalt  }
0x7b: {  	_ =	shalt  }
0x7c: {  	_ =	shalt  }
0x7d: {  	_ =	shalt  }
0x7e: {  	_ =	shalt  }
0x7f: {  	_ =	shalt  }
0x80: {  	_ =	shalt  }
0x81: {  	_ =	shalt  }
0x82: {  	_ =	shalt  }
0x83: {  	_ =	shalt  }
0x84: {  	_ =	shalt  }
0x85: {  	_ =	shalt  }
0x86: {  	_ =	shalt  }
0x87: {  	_ =	shalt  }
.Lfunc_end0:
.L_simem_size_0:
called_computation.1_lowered:
.L_overlay_start_0:
0x88: {  	s2 =	sld [smem:$0x3FD9]  }
0x89: {  	s3 =	sld [smem:$0x3FFE];
	_ =	sdelay $0x1  }
0x8a: {  	s1 =	srdreg.scid  }
0x8b: {  	s0 =	sand.u32 $0x1, s1  }
0x8c: {  	s14 =	sshll.u32 s0, $0xA;
	s2 =	sadd.s32 s3, s2  }
0x8d: {  	s2 =	sadd.s32 s2, s14  }
0x8e: {  	[smem:$0x3FC5] =	sst s2  }
0x8f: {  	_ = 	snop  }
0x90: {  	s2 =	sld [smem:$0x3FD0];
	_ =	sdelay $0x1  }
0x91: {  	s15 =	sld [smem:$0x3FC8]  }
0x92: {  	s5 =	simm.s32 $0xA;
	s6 =	simm.s32 $0x10;
	s4 =	sld [smem:$0x3FC7]  }
0x93: {  	[smem:s6], [sflag:s5] =	dma.local [hbm:s2], $0x1  }
0x94: {  	_ =	swait.eq [sflag:s5], $0x1  }
0x95: {  	[sflag:s5] =	ssyncset.done $0x0  }
0x96: {  	[sflag:s5] =	ssyncadd.s32 $0xFFFFFFFF  }
0x97: {  	s16 =	sld [smem:$0x10];
	(tm) =	ssettm $0x1  }
0x98: {  	s17 =	sld [smem:$0x3FFB];
	_ =	sdelay $0x3  }
0x99: {  	_ =	strace s17  }
0x9a: {  	s5 =	sld [smem:$0x3FFC];
	_ =	sdelay $0x3  }
0x9b: {  	_ =	strace s5  }
0x9c: {  	s5 =	sld [smem:$0x3FFD];
	_ =	sdelay $0x3  }
0x9d: {  	_ =	strace s5  }
0x9e: {  	_ =	strace $0x8FFFFFFF  }
0x9f: {  	s18 =	sld [smem:$0x3FDB];
	_ =	sdelay $0x1  }
0xa0: {  	s19 =	simm.s32 $_scs_section_size  }
0xa1: {  	s7 =	simm.s32 $_size__tile_overlayer_lowered;
	s8 =	simm.s32 $_tile_overlayer_lowered  }
0xa2: {  	s22 =	simm.s32 $0x1BFF;
	s21 =	sshll.u32 s8, $0x1;
	s5 =	sadd.s32 s19, s18  }
0xa3: {  	s9 =	simm.s32 $0x0;
	s20 =	sshll.u32 s7, $0x1;
	s7 =	sadd.s32 s21, s5  }
0xa4: {  	[timem:s9], [sflag:s22] =	dma.local [hbm:s7], s20  }
0xa5: {  	_ =	swait.ge [sflag:s22], s20  }
0xa6: {  	s6 =	ssub.s32 $0x0, s20;
	[sflag:s22] =	ssyncset.done $0x0  }
0xa7: {  	[sflag:s22] =	ssyncadd.s32 s6;
	_ =	sdelay $0x1  }
0xa8: {  	s23 =	simm.s32 $0x1B8B  }
0xa9: {  	_ =	swait.ge [sflag:s23], $0x1  }
0xaa: {  	[sflag:s23] =	ssyncset.done $0x0  }
0xab: {  	s25 =	simm.s32 $0x1B8E;
	s24 =	sld [smem:$0x3FFE];
	[sflag:s23] =	ssyncadd.s32 $0xFFFFFFFF  }
0xac: {  	s26 =	simm.s32 $execute0_lowered;
	[smem:$0x3FD2] =	sst s25  }
0xad: {  	s7 =	sshll.u32 s26, $0x1;
	_ =	strace $0x80000049;
	[dreg:$0x1] =	wrdreg $0xFFFFFFFF  }
0xae: {  	s28 =	simm.s32 $_size_execute0_lowered;
	s5 =	sadd.s32 s5, s7;
	[dreg:$0x0] =	wrdreg $0x0  }
0xaf: {  	s7 =	sshll.u32 s28, $0x1;
	[dreg:$0x2] =	wrdreg s5  }
0xb0: {  	[dreg:$0x3] =	wrdreg s7  }
0xb1: {  	[dreg:$0x4] =	wrdreg $0xC0  }
0xb2: {  	_ =	task [dreg:s9], $0x5FFFF  }
0xb3: {  	[dreg:$0x1] =	wrdreg $0xFFFFFFFF  }
0xb4: {  	[dreg:$0x0] =	wrdreg $0x60  }
0xb5: {  	[dreg:$0x2] =	wrdreg s24  }
0xb6: {  	[dreg:$0x3] =	wrdreg s15  }
0xb7: {  	[dreg:$0x4] =	wrdreg s4  }
0xb8: {  	[dreg:$0x5] =	wrdreg s16  }
0xb9: {  	[dreg:$0x6] =	wrdreg $0x0  }
0xba: {  	[dreg:$0x7] =	wrdreg $0x9  }
0xbb: {  	_ =	task.clear_ibuf [dreg:s9], $0x8FFFF;
	_ =	strace $0x90000049  }
0xbc: {  	s29 =	simm.s32 $0x9;
	_ =	strace $0x8000004B  }
0xbd: {  	_ =	swait.ge [sflag:s29], $0x1  }
0xbe: {  	[sflag:s29] =	ssyncadd.s32 $0xFFFFFFFF  }
0xbf: {  	_ =	strace $0x9000004B  }
0xc0: {  	_ =	sfence  }
0xc1: {  	s30 =	sld [smem:$0x0];
	_ =	sdelay $0x2  }
0xc2: {  	s31 =	sshll.u32 s1, $0xD;
	s1 =	sshrl.u32 s1, $0x2  }
0xc3: {  	s3 =	sand.u32 $0x4000, s31;
	s1 =	sadd.s32 s1, s30  }
0xc4: {  	s0 =	sor.u32 s3, s0;
	s1 =	sshll.u32 s1, $0x11  }
0xc5: {  	s0 =	sor.u32 s1, s0  }
0xc6: {  	s0 =	sadd.s32 $0x8F2B, s0  }
0xc7: {  	[sflag:s0] =	ssyncadd.remote.s32 $0x1  }
0xc8: {  	_ =	sfence.sel $0xFFFF  }
0xc9: {  	[dreg:$0x0] =	wrdreg $0xFFFFFFFF;
	(pc) =	sbr.abs _section_cstart, $3  }
0xca: {  	[dreg:$0x1] =	wrdreg $0xFFFFFFFF  }
0xcb: {  	_ =	task.clear_ibuf [dreg:s9], $0x2FFFF;
	_ =	strace $0x9FFFFFFF  }
0xcc: {  	(tm) =	ssettm $0x7FFFFFFF  }
0xcd: {  	_ =	shalt  }
tec
execute0_lowered:
.L_overlay_start_1:
0x0: {  	(tag) =	ssettag $0x1  }
0x1: {  	s0 =	rddreg [dreg:$0x0]  }
0x2: {  	s10 =	rddreg [dreg:$0x1]  }
0x3: {  	s9 =	rddreg [dreg:$0x2]  }
0x4: {  	s7 =	rddreg [dreg:$0x3]  }
0x5: {  	s2 =	rddreg [dreg:$0x4]  }
0x6: {  	s3 =	simm.s32 $0x0;
	s4 =	srdreg.scid;
	s1 =	stileid.u32  }
0x7: {  	s15 =	simm.s32 $0x190;
	s16 =	simm.s32 $0x5FA0;
	s17 =	simm.s32 $0x1  }
0x8: {  	s18 =	simm.s32 $0x5190;
	s19 =	simm.s32 $0x127A0;
	s20 =	simm.s32 $0x2  }
0x9: {  	s21 =	simm.s32 $0x5320;
	s22 =	simm.s32 $0x5960;
	s23 =	simm.s32 $0x54B0  }
0xa: {  	s24 =	simm.s32 $0x5AF0;
	s25 =	simm.s32 $0x5640;
	s28 =	simm.s32 $0x5E10  }
0xb: {  	s29 =	simm.s32 $0x0;
	[smem:$0x7FF] =	sst s3;
	s6 =	smul.u32 $0x5000, s1  }
0xc: {  	s5 =	sand.u32 $0x1, s4;
	s4 =	sadd.s32 $0x2600, s0;
	s13 =	smul.u32 $0x2710, s1  }
0xd: {  	s0 =	sadd.s32 $0x2A600, s0;
	s31 =	sshll.u32 s1, $0x6;
	s8 =	smul.u32 $0x50000, s5  }
0xe: {  	_ =	strace $0x8000004A;
	s11 =	ssub.s32 $0x2, s5;
	s12 =	smul.u32 $0x27100, s5  }
0xf: {  	[dreg:$0x6] =	wrdreg s0;
	s26 =	sshrl.u32 s11, $0x1;
	s30 =	sadd.s32 s6, s2  }
0x10: {  	s0 =	ssub.s32 s11, s26;
	s6 =	sadd.s32 s6, s8;
	s12 =	sadd.s32 s13, s12  }
0x11: {  	s11 =	sshrl.u32 s30, $0x3;
	s13 =	simm.s32 $0x5000;
	s26 =	simm.s32 $0x5C80  }
0x12: {  	s14 =	sshrl.u32 s6, $0x3;
	s6 =	sor.u32 $0x1C03, s31;
	s12 =	sshrl.u32 s12, $0x3  }
0x13: {  	s8 =	smax.u32 s0, $0x1;
	s7 =	sadd.s32 s7, s14;
	s9 =	sadd.s32 s12, s9  }
0x14: {  	s10 =	sadd.s32 s12, s10;
	s12 =	simm.s32 $0x3;
	s14 =	simm.s32 $0x57D0  }
.LBB2_1:
0x15: {  	s0 =	rddreg [dreg:$0x6]  }
0x16: {  	[spmem:s11], [sflag:s6] =	dma.local [hbm:s0], $0xA00  }
0x17: {  	_ =	swait.ge [sflag:s12], $0xA00  }
0x18: {  	[sflag:s12] =	ssyncset.done $0x0  }
0x19: {  	[sflag:s12] =	ssyncadd.s32 $0xFFFFF600  }
0x1a: {  	s1 =	sadd.s32 $0x0, s10;
	[bflag:$0x0] =	sbarrier.arrive $0xFFFF  }
0x1b: {  	[tilespmem:s13], [sflag:$0x3] =	stream.linear.gather [hbm4b:s1+s3], $0x7D0, $0x38;
	[tilespmem:$0x1EFA0] =	vst v63  }
0x1c: {  	_ =	swait.ge [sflag:s12], $0x7D0  }
0x1d: {  	[sflag:s12] =	ssyncset.done $0x0  }
0x1e: {  	s5 =	sadd.s32 $0x0, s9;
	[sflag:s12] =	ssyncadd.s32 $0xFFFFF830  }
0x1f: {  	[tilespmem:s14], [sflag:$0x3] =	stream.linear.gather [hbm4b:s5+s3], $0x7D0, $0x38;
	[tilespmem:$0x1EFA0] =	vst v63  }
0x20: {  	_ =	swait.ge [sflag:s12], $0x7D0  }
0x21: {  	[sflag:s12] =	ssyncset.done $0x0  }
0x22: {  	[sflag:s12] =	ssyncadd.s32 $0xFFFFF830  }
0x23: {  	[tilespmem:s16], [sflag:$0x1] =	stream.indirect.gather [hbm4b:s4+s15], $0x80, s13, s15, $0xb8;
	[tilespmem:$0x1EFA0] =	vst v63  }
0x24: {  	_ =	swait.ge [sflag:s17], $0xC800  }
0x25: {  	[sflag:s17] =	ssyncset.done $0x0  }
0x26: {  	[sflag:s17] =	ssyncadd.s32 $0xFFFF3800  }
0x27: {  	[tilespmem:s19], [sflag:$0x1] =	stream.indirect.gather [hbm4b:s4+s15], $0x80, s18, s15, $0xb8;
	[tilespmem:$0x1EFA0] =	vst v63  }
0x28: {  	_ = 	snop  }
0x29: {  	[spmem:s2] =	stream.indirect.scatter.add.f32 [tilespmem:s16], [sflag:$0x2], $0x80, s14, s15, $0xb8;
	[tilespmem:$0x1EFA0] =	vst v63  }
0x2a: {  	_ =	swait.ge [sflag:s17], $0xC800  }
0x2b: {  	[sflag:s17] =	ssyncset.done $0x0  }
0x2c: {  	[sflag:s17] =	ssyncadd.s32 $0xFFFF3800  }
0x2d: {  	_ =	swait.ge [sflag:s20], $0xC800  }
0x2e: {  	[sflag:s20] =	ssyncset.done $0x0  }
0x2f: {  	[sflag:s20] =	ssyncadd.s32 $0xFFFF3800  }
0x30: {  	[tilespmem:s16], [sflag:$0x1] =	stream.indirect.gather [hbm4b:s4+s15], $0x80, s21, s15, $0xb8;
	[tilespmem:$0x1EFA0] =	vst v63  }
0x31: {  	_ = 	snop  }
0x32: {  	[spmem:s2] =	stream.indirect.scatter.add.f32 [tilespmem:s19], [sflag:$0x2], $0x80, s22, s15, $0xb8;
	[tilespmem:$0x1EFA0] =	vst v63  }
0x33: {  	_ =	swait.ge [sflag:s17], $0xC800  }
0x34: {  	[sflag:s17] =	ssyncset.done $0x0  }
0x35: {  	[sflag:s17] =	ssyncadd.s32 $0xFFFF3800  }
0x36: {  	_ =	swait.ge [sflag:s20], $0xC800  }
0x37: {  	[sflag:s20] =	ssyncset.done $0x0  }
0x38: {  	[sflag:s20] =	ssyncadd.s32 $0xFFFF3800  }
0x39: {  	[tilespmem:s19], [sflag:$0x1] =	stream.indirect.gather [hbm4b:s4+s15], $0x80, s23, s15, $0xb8;
	[tilespmem:$0x1EFA0] =	vst v63  }
0x3a: {  	_ = 	snop  }
0x3b: {  	[spmem:s2] =	stream.indirect.scatter.add.f32 [tilespmem:s16], [sflag:$0x2], $0x80, s24, s15, $0xb8;
	[tilespmem:$0x1EFA0] =	vst v63  }
0x3c: {  	_ =	swait.ge [sflag:s17], $0xC800  }
0x3d: {  	[sflag:s17] =	ssyncset.done $0x0  }
0x3e: {  	[sflag:s17] =	ssyncadd.s32 $0xFFFF3800  }
0x3f: {  	_ =	swait.ge [sflag:s20], $0xC800  }
0x40: {  	[sflag:s20] =	ssyncset.done $0x0  }
0x41: {  	[sflag:s20] =	ssyncadd.s32 $0xFFFF3800  }
0x42: {  	[tilespmem:s16], [sflag:$0x1] =	stream.indirect.gather [hbm4b:s4+s15], $0x80, s25, s15, $0xb8;
	[tilespmem:$0x1EFA0] =	vst v63  }
0x43: {  	_ = 	snop  }
0x44: {  	[spmem:s2] =	stream.indirect.scatter.add.f32 [tilespmem:s19], [sflag:$0x2], $0x80, s26, s15, $0xb8;
	[tilespmem:$0x1EFA0] =	vst v63  }
0x45: {  	_ =	swait.ge [sflag:s17], $0xC800  }
0x46: {  	[sflag:s17] =	ssyncset.done $0x0  }
0x47: {  	[sflag:s17] =	ssyncadd.s32 $0xFFFF3800  }
0x48: {  	_ =	swait.ge [sflag:s20], $0xC800  }
0x49: {  	[sflag:s20] =	ssyncset.done $0x0  }
0x4a: {  	[sflag:s20] =	ssyncadd.s32 $0xFFFF3800  }
0x4b: {  	[spmem:s2] =	stream.indirect.scatter.add.f32 [tilespmem:s16], [sflag:$0x2], $0x80, s28, s15, $0xb8;
	[tilespmem:$0x1EFA0] =	vst v63  }
0x4c: {  	_ =	swait.ge [sflag:s20], $0xC800  }
0x4d: {  	s30 =	simm.s32 $0xFA;
	s31 =	simm.s32 $0x1F4;
	[sflag:s20] =	ssyncset.done $0x0  }
.LBB2_2:
0x4e: {  	s1 =	sadd.s32 s30, s10  }
0x4f: {  	[sflag:s20] =	ssyncadd.s32 $0xFFFF3800;
	s5 =	smov.u32 s31;
	s0 =	sadd.s32 $0xFA, s31  }
0x50: {  	[tilespmem:s13], [sflag:$0x3] =	stream.linear.gather [hbm4b:s1+s3], $0x7D0, $0x38;
	[tilespmem:$0x1EFA0] =	vst v63  }
0x51: {  	p0 =	sne.s32 s31, $0x3E8;
	_ =	swait.ge [sflag:s12], $0x7D0  }
0x52: {  	[sflag:s12] =	ssyncset.done $0x0  }
0x53: {  	s1 =	sadd.s32 s30, s9;
	s30 =	smov.u32 s5;
	[sflag:s12] =	ssyncadd.s32 $0xFFFFF830  }
0x54: {  	[tilespmem:s14], [sflag:$0x3] =	stream.linear.gather [hbm4b:s1+s3], $0x7D0, $0x38;
	[tilespmem:$0x1EFA0] =	vst v63  }
0x55: {  	_ =	swait.ge [sflag:s12], $0x7D0  }
0x56: {  	[sflag:s12] =	ssyncset.done $0x0  }
0x57: {  	[sflag:s12] =	ssyncadd.s32 $0xFFFFF830  }
0x58: {  	[tilespmem:s16], [sflag:$0x1] =	stream.indirect.gather [hbm4b:s4+s15], $0x80, s13, s15, $0xb8;
	[tilespmem:$0x1EFA0] =	vst v63  }
0x59: {  	_ =	swait.ge [sflag:s17], $0xC800  }
0x5a: {  	[sflag:s17] =	ssyncset.done $0x0  }
0x5b: {  	[sflag:s17] =	ssyncadd.s32 $0xFFFF3800  }
0x5c: {  	[tilespmem:s19], [sflag:$0x1] =	stream.indirect.gather [hbm4b:s4+s15], $0x80, s18, s15, $0xb8;
	[tilespmem:$0x1EFA0] =	vst v63  }
0x5d: {  	_ = 	snop  }
0x5e: {  	[spmem:s2] =	stream.indirect.scatter.add.f32 [tilespmem:s16], [sflag:$0x2], $0x80, s14, s15, $0xb8;
	[tilespmem:$0x1EFA0] =	vst v63  }
0x5f: {  	_ =	swait.ge [sflag:s17], $0xC800  }
0x60: {  	[sflag:s17] =	ssyncset.done $0x0  }
0x61: {  	[sflag:s17] =	ssyncadd.s32 $0xFFFF3800  }
0x62: {  	_ =	swait.ge [sflag:s20], $0xC800  }
0x63: {  	[sflag:s20] =	ssyncset.done $0x0  }
0x64: {  	[sflag:s20] =	ssyncadd.s32 $0xFFFF3800  }
0x65: {  	[tilespmem:s16], [sflag:$0x1] =	stream.indirect.gather [hbm4b:s4+s15], $0x80, s21, s15, $0xb8;
	[tilespmem:$0x1EFA0] =	vst v63  }
0x66: {  	_ = 	snop  }
0x67: {  	[spmem:s2] =	stream.indirect.scatter.add.f32 [tilespmem:s19], [sflag:$0x2], $0x80, s22, s15, $0xb8;
	[tilespmem:$0x1EFA0] =	vst v63  }
0x68: {  	_ =	swait.ge [sflag:s17], $0xC800  }
0x69: {  	[sflag:s17] =	ssyncset.done $0x0  }
0x6a: {  	[sflag:s17] =	ssyncadd.s32 $0xFFFF3800  }
0x6b: {  	_ =	swait.ge [sflag:s20], $0xC800  }
0x6c: {  	[sflag:s20] =	ssyncset.done $0x0  }
0x6d: {  	[sflag:s20] =	ssyncadd.s32 $0xFFFF3800  }
0x6e: {  	[tilespmem:s19], [sflag:$0x1] =	stream.indirect.gather [hbm4b:s4+s15], $0x80, s23, s15, $0xb8;
	[tilespmem:$0x1EFA0] =	vst v63  }
0x6f: {  	_ = 	snop  }
0x70: {  	[spmem:s2] =	stream.indirect.scatter.add.f32 [tilespmem:s16], [sflag:$0x2], $0x80, s24, s15, $0xb8;
	[tilespmem:$0x1EFA0] =	vst v63  }
0x71: {  	_ =	swait.ge [sflag:s17], $0xC800  }
0x72: {  	[sflag:s17] =	ssyncset.done $0x0  }
0x73: {  	[sflag:s17] =	ssyncadd.s32 $0xFFFF3800  }
0x74: {  	_ =	swait.ge [sflag:s20], $0xC800  }
0x75: {  	[sflag:s20] =	ssyncset.done $0x0  }
0x76: {  	[sflag:s20] =	ssyncadd.s32 $0xFFFF3800  }
0x77: {  	[tilespmem:s16], [sflag:$0x1] =	stream.indirect.gather [hbm4b:s4+s15], $0x80, s25, s15, $0xb8;
	[tilespmem:$0x1EFA0] =	vst v63  }
0x78: {  	_ = 	snop  }
0x79: {  	[spmem:s2] =	stream.indirect.scatter.add.f32 [tilespmem:s19], [sflag:$0x2], $0x80, s26, s15, $0xb8;
	[tilespmem:$0x1EFA0] =	vst v63  }
0x7a: {  	_ =	swait.ge [sflag:s17], $0xC800  }
0x7b: {  	[sflag:s17] =	ssyncset.done $0x0  }
0x7c: {  	[sflag:s17] =	ssyncadd.s32 $0xFFFF3800  }
0x7d: {  	_ =	swait.ge [sflag:s20], $0xC800  }
.Ltmp0:
0x7e: {  	[sflag:s20] =	ssyncset.done $0x0;
	(pc) =	sbr.rel @p0 .LBB2_2-.Ltmp0, $4  }
0x7f: {  	[sflag:s20] =	ssyncadd.s32 $0xFFFF3800  }
0x80: {  	[spmem:s2] =	stream.indirect.scatter.add.f32 [tilespmem:s16], [sflag:$0x2], $0x80, s28, s15, $0xb8;
	[tilespmem:$0x1EFA0] =	vst v63  }
0x81: {  	_ =	swait.ge [sflag:s20], $0xC800  }
0x82: {  	s31 =	smov.u32 s0;
	[sflag:s20] =	ssyncset.done $0x0  }
0x83: {  	s0 =	sadd.s32 s30, s10;
	[sflag:s20] =	ssyncadd.s32 $0xFFFF3800  }
0x84: {  	[tilespmem:s13], [sflag:$0x3] =	stream.linear.gather [hbm4b:s0+s3], $0x7D0, $0x38;
	[tilespmem:$0x1EFA0] =	vst v63  }
0x85: {  	_ =	swait.ge [sflag:s12], $0x7D0  }
0x86: {  	[sflag:s12] =	ssyncset.done $0x0  }
0x87: {  	s31 =	sadd.s32 s30, s9;
	[sflag:s12] =	ssyncadd.s32 $0xFFFFF830  }
0x88: {  	[tilespmem:s14], [sflag:$0x3] =	stream.linear.gather [hbm4b:s31+s3], $0x7D0, $0x38;
	[tilespmem:$0x1EFA0] =	vst v63  }
0x89: {  	_ =	swait.ge [sflag:s12], $0x7D0  }
0x8a: {  	[sflag:s12] =	ssyncset.done $0x0  }
0x8b: {  	[sflag:s12] =	ssyncadd.s32 $0xFFFFF830  }
0x8c: {  	[tilespmem:s16], [sflag:$0x1] =	stream.indirect.gather [hbm4b:s4+s15], $0x80, s13, s15, $0xb8;
	[tilespmem:$0x1EFA0] =	vst v63  }
0x8d: {  	_ =	swait.ge [sflag:s17], $0xC800  }
0x8e: {  	[sflag:s17] =	ssyncset.done $0x0  }
0x8f: {  	[sflag:s17] =	ssyncadd.s32 $0xFFFF3800  }
0x90: {  	[tilespmem:s19], [sflag:$0x1] =	stream.indirect.gather [hbm4b:s4+s15], $0x80, s18, s15, $0xb8;
	[tilespmem:$0x1EFA0] =	vst v63  }
0x91: {  	_ = 	snop  }
0x92: {  	[spmem:s2] =	stream.indirect.scatter.add.f32 [tilespmem:s16], [sflag:$0x2], $0x80, s14, s15, $0xb8;
	[tilespmem:$0x1EFA0] =	vst v63  }
0x93: {  	_ =	swait.ge [sflag:s17], $0xC800  }
0x94: {  	[sflag:s17] =	ssyncset.done $0x0  }
0x95: {  	[sflag:s17] =	ssyncadd.s32 $0xFFFF3800  }
0x96: {  	_ =	swait.ge [sflag:s20], $0xC800  }
0x97: {  	[sflag:s20] =	ssyncset.done $0x0  }
0x98: {  	[sflag:s20] =	ssyncadd.s32 $0xFFFF3800  }
0x99: {  	[tilespmem:s16], [sflag:$0x1] =	stream.indirect.gather [hbm4b:s4+s15], $0x80, s21, s15, $0xb8;
	[tilespmem:$0x1EFA0] =	vst v63  }
0x9a: {  	_ = 	snop  }
0x9b: {  	[spmem:s2] =	stream.indirect.scatter.add.f32 [tilespmem:s19], [sflag:$0x2], $0x80, s22, s15, $0xb8;
	[tilespmem:$0x1EFA0] =	vst v63  }
0x9c: {  	_ =	swait.ge [sflag:s17], $0xC800  }
0x9d: {  	[sflag:s17] =	ssyncset.done $0x0  }
0x9e: {  	[sflag:s17] =	ssyncadd.s32 $0xFFFF3800  }
0x9f: {  	_ =	swait.ge [sflag:s20], $0xC800  }
0xa0: {  	[sflag:s20] =	ssyncset.done $0x0  }
0xa1: {  	[sflag:s20] =	ssyncadd.s32 $0xFFFF3800  }
0xa2: {  	[tilespmem:s19], [sflag:$0x1] =	stream.indirect.gather [hbm4b:s4+s15], $0x80, s23, s15, $0xb8;
	[tilespmem:$0x1EFA0] =	vst v63  }
0xa3: {  	_ = 	snop  }
0xa4: {  	[spmem:s2] =	stream.indirect.scatter.add.f32 [tilespmem:s16], [sflag:$0x2], $0x80, s24, s15, $0xb8;
	[tilespmem:$0x1EFA0] =	vst v63  }
0xa5: {  	_ =	swait.ge [sflag:s17], $0xC800  }
0xa6: {  	[sflag:s17] =	ssyncset.done $0x0  }
0xa7: {  	[sflag:s17] =	ssyncadd.s32 $0xFFFF3800  }
0xa8: {  	_ =	swait.ge [sflag:s20], $0xC800  }
0xa9: {  	[sflag:s20] =	ssyncset.done $0x0  }
0xaa: {  	[sflag:s20] =	ssyncadd.s32 $0xFFFF3800  }
0xab: {  	[tilespmem:s16], [sflag:$0x1] =	stream.indirect.gather [hbm4b:s4+s15], $0x80, s25, s15, $0xb8;
	[tilespmem:$0x1EFA0] =	vst v63  }
0xac: {  	_ = 	snop  }
0xad: {  	[spmem:s2] =	stream.indirect.scatter.add.f32 [tilespmem:s19], [sflag:$0x2], $0x80, s26, s15, $0xb8;
	[tilespmem:$0x1EFA0] =	vst v63  }
0xae: {  	_ =	swait.ge [sflag:s17], $0xC800  }
0xaf: {  	[sflag:s17] =	ssyncset.done $0x0  }
0xb0: {  	[sflag:s17] =	ssyncadd.s32 $0xFFFF3800  }
0xb1: {  	_ =	swait.ge [sflag:s20], $0xC800  }
0xb2: {  	[sflag:s20] =	ssyncset.done $0x0  }
0xb3: {  	[sflag:s20] =	ssyncadd.s32 $0xFFFF3800  }
0xb4: {  	[spmem:s2] =	stream.indirect.scatter.add.f32 [tilespmem:s16], [sflag:$0x2], $0x80, s28, s15, $0xb8;
	[tilespmem:$0x1EFA0] =	vst v63  }
0xb5: {  	_ =	swait.ge [sflag:s20], $0xC800  }
0xb6: {  	s29 =	sadd.s32 $0x1, s29;
	[sflag:s20] =	ssyncset.done $0x0  }
0xb7: {  	p0 =	sne.s32 s29, s8;
	[sflag:s20] =	ssyncadd.s32 $0xFFFF3800  }
.Ltmp1:
0xb8: {  	[bflag:$0x0] =	sbarrier.arrive $0xFFFF;
	(pc) =	sbr.rel @p0 .LBB2_1-.Ltmp1, $4  }
0xb9: {  	[hbm:s7], [sflag:s6] =	dma.local [spmem:s11], $0xA00  }
0xba: {  	_ =	swait.ge [sflag:s12], $0xA00  }
0xbb: {  	[sflag:s12] =	ssyncset.done $0x0  }
0xbc: {  	[sflag:s12] =	ssyncadd.s32 $0xFFFFF600  }
0xbd: {  	_ =	sfence.sel $0x180000  }
0xbe: {  	[bflag:$0x0] =	sbarrier.arrive $0xFFFF  }
0xbf: {  	_ =	strace $0x9000004A  }
0xc0: {  	s0 =	stileid.u32;
	[bflag:$0x2] =	sbarrier.arrive $0xFFFF  }
0xc1: {  	p0 =	sne.s32 s0, $0x0;
	s0 =	rddreg [dreg:$0x5]  }
0xc2: {  	s0 =	sadd.s32 @!p0 $0x100000, s0  }
0xc3: {  	[sflag:s0] =	ssyncadd.tile.s32 @!p0 $0x1;
	_ =	shalt  }
.Lfunc_end2:
_tile_overlayer_lowered:
.L_overlay_start_2:
0xc4: {  	(tag) =	ssettag $0x2  }
0xc5: {  	s0 =	rddreg [dreg:$0x0];
	s2 =	stileid.u32  }
0xc6: {  	s1 =	rddreg [dreg:$0x1];
	p0 =	sne.s32 s2, $0x0  }
0xc7: {  	s3 =	rddreg [dreg:$0x2];
	[bflag:$0x3] =	sbarrier.arrive $0xFFFF;
	s2 =	simm.s32 @!p0 $0x1C03  }
0xc8: {  	[timem:s3], [sflag:s2] =	dma.local @!p0 [hbm:s0], s1  }
0xc9: {  	s0 =	simm.s32 @!p0 $0x3  }
0xca: {  	_ =	swait.ge @!p0 [sflag:s0], s1  }
0xcb: {  	s1 =	ssub.s32 @!p0 $0x0, s1;
	[sflag:s0] =	ssyncset.done @!p0 $0x0  }
0xcc: {  	[sflag:s0] =	ssyncadd.s32 @!p0 s1  }
0xcd: {  	[bflag:$0x3] =	sbarrier.arrive $0xFFFF  }
0xce: {  	_ =	shalt  }

// kernel: kernel.14.cloned.1.call-start
scs
__scs_entry_jumppad:
0x0: {  	(pc) =	sbr.rel $0x88, $3  }
0x1: {  	(tag) =	ssettag $0x0;
	lr =	simm.s32 $0x1  }
0x2: {  	[smem:$0x3F9E] =	sst lr;
	_ =	strace $0xD0000000  }
0x3: {  	_ = 	snop  }
0x4: {  	_ = 	snop  }
0x5: {  	_ = 	snop  }
0x6: {  	_ = 	snop  }
0x7: {  	_ = 	snop  }
__scs_overlays_trampoline_lowered:
0x8: {  	[smem:$0x3FAD] =	sst s0  }
0x9: {  	[smem:$0x3FAE] =	sst s1  }
0xa: {  	[smem:$0x3FAF] =	sst s2  }
0xb: {  	[smem:$0x3FB0] =	sst s3  }
0xc: {  	[smem:$0x3FB1] =	sst s4  }
0xd: {  	[smem:$0x3FB2] =	sst s5  }
0xe: {  	[smem:$0x3FB3] =	sst s6  }
0xf: {  	[smem:$0x3FB4] =	sst s7  }
0x10: {  	[smem:$0x3FB5] =	sst s8  }
0x11: {  	[smem:$0x3FB6] =	sst s9;
	s0 =	simm.s32 @!p0 $0x0  }
0x12: {  	s1 =	sld [smem:$0x3F9C];
	s0 =	simm.s32 @p0 $0x1  }
0x13: {  	[smem:$0x3FB7] =	sst s0;
	s0 =	simm.s32 @!p1 $0x0  }
0x14: {  	s2 =	sld [smem:$0x3F9B];
	s0 =	simm.s32 @p1 $0x1  }
0x15: {  	[smem:$0x3FB8] =	sst s0;
	s0 =	simm.s32 @!p2 $0x0  }
0x16: {  	s3 =	sld [smem:$0x3FDB];
	s0 =	simm.s32 @p2 $0x1  }
0x17: {  	s4 =	simm.s32 $0x1BF5;
	[smem:$0x3FBA] =	sst s0  }
0x18: {  	s0 =	sld [smem:$0x3F9D];
	_ =	swait.ge [sflag:s4], $0x0  }
0x19: {  	s7 =	sld [smem:$0x3F9E]  }
0x1a: {  	s8 =	sadd.s32 $0xFFFFE003, lr  }
0x1b: {  	s9 =	sadd.s32 $0xFFFFFEF7, lr;
	s5 =	simm.s32 $0xFFFFFFFF;
	p2 =	slt.u32 s8, $0xFFFFF086  }
0x1c: {  	p1 =	slt.u32 s9, $0xF7A;
	s5 =	simm.s32 @!p2 $0x0  }
0x1d: {  	s5 =	simm.s32 @p1 $0x1;
	p0 =	seq.s32 s7, s2  }
0x1e: {  	s7 =	smul.u32 @!p0 $0xF7A, s2;
	p2 =	seq.s32 @!p0 s5, $0x0  }
0x1f: {  	s9 =	smul.u32 $0xF7A, s1;
	s8 =	simm.s32 @!p0 $0x1BF5;
	p2 =	por !p2, p0  }
0x20: {  	[sflag:s8] =	ssyncset.s32 @!p0 $0xFFFFF086;
	s6 =	sadd.s32 @!p0 s3, s7;
	s7 =	simm.s32 @!p0 $0x108  }
0x21: {  	s3 =	sadd.s32 s3, s9;
	s6 =	sadd.s32 @!p0 $0x88, s6;
	s7 =	simm.s32 @p2 $0x1082  }
0x22: {  	[simem:s7], [sflag:s8] =	dma.local @!p0 [hbm:s6], $0xF7A  }
0x23: {  	s9 =	sor.u32 $0xD0000000, s2;
	s6 =	simm.s32 $0x108;
	_ =	swait.ge @!p0 [sflag:s8], $0x0  }
0x24: {  	s3 =	sadd.s32 $0x88, s3;
	s6 =	simm.s32 @!p1 $0x1082;
	[sflag:s4] =	ssyncset.s32 $0xFFFFF086  }
0x25: {  	[simem:s6], [sflag:s4] =	dma.local [hbm:s3], $0xF7A  }
0x26: {  	[smem:$0x3F9E] =	sst s1;
	(tag) =	ssettag s2;
	_ =	strace s9  }
0x27: {  	s1 =	sld [smem:$0x3FAE]  }
0x28: {  	s2 =	sld [smem:$0x3FAF]  }
0x29: {  	s4 =	sld [smem:$0x3FB1]  }
0x2a: {  	p0 =	seq.s32 s5, $0x0;
	s5 =	sld [smem:$0x3FB2]  }
0x2b: {  	s6 =	sld [smem:$0x3FB3]  }
0x2c: {  	s7 =	sld [smem:$0x3FB4]  }
0x2d: {  	s3 =	simm.s32 $0x108;
	s8 =	sld [smem:$0x3FB5]  }
0x2e: {  	s3 =	simm.s32 @!p0 $0x1082;
	s9 =	sld [smem:$0x3FB6]  }
0x2f: {  	lr =	sadd.s32 s0, s3;
	s0 =	sld [smem:$0x3FAD]  }
0x30: {  	s3 =	sld [smem:$0x3FB0]  }
0x31: {  	[smem:$0x3FB9] =	sst s10  }
0x32: {  	s10 =	sld [smem:$0x3FB7];
	_ =	sdelay $0x3  }
0x33: {  	p0 =	seq.s32 s10, $0x1;
	s10 =	sld [smem:$0x3FB9];
	_ =	sdelay $0x3  }
0x34: {  	[smem:$0x3FB9] =	sst s10  }
0x35: {  	s10 =	sld [smem:$0x3FB8];
	_ =	sdelay $0x3  }
0x36: {  	p1 =	seq.s32 s10, $0x1;
	s10 =	sld [smem:$0x3FB9];
	_ =	sdelay $0x3  }
0x37: {  	[smem:$0x3FB9] =	sst s10  }
0x38: {  	s10 =	sld [smem:$0x3FBA]  }
0x39: {  	_ = 	snop;
	(pc) =	sbr.ind lr, $3  }
0x3a: {  	_ = 	snop  }
0x3b: {  	_ = 	snop  }
0x3c: {  	p2 =	seq.s32 s10, $0x1;
	s10 =	sld [smem:$0x3FB9]  }
0x3d: {  	_ =	shalt  }
0x3e: {  	_ =	shalt  }
0x3f: {  	_ =	shalt  }
0x40: {  	_ =	shalt  }
0x41: {  	_ =	shalt  }
0x42: {  	_ =	shalt  }
0x43: {  	_ =	shalt  }
0x44: {  	_ =	shalt  }
0x45: {  	_ =	shalt  }
0x46: {  	_ =	shalt  }
0x47: {  	_ =	shalt  }
0x48: {  	_ =	shalt  }
0x49: {  	_ =	shalt  }
0x4a: {  	_ =	shalt  }
0x4b: {  	_ =	shalt  }
0x4c: {  	_ =	shalt  }
0x4d: {  	_ =	shalt  }
0x4e: {  	_ =	shalt  }
0x4f: {  	_ =	shalt  }
0x50: {  	_ =	shalt  }
0x51: {  	_ =	shalt  }
0x52: {  	_ =	shalt  }
0x53: {  	_ =	shalt  }
0x54: {  	_ =	shalt  }
0x55: {  	_ =	shalt  }
0x56: {  	_ =	shalt  }
0x57: {  	_ =	shalt  }
0x58: {  	_ =	shalt  }
0x59: {  	_ =	shalt  }
0x5a: {  	_ =	shalt  }
0x5b: {  	_ =	shalt  }
0x5c: {  	_ =	shalt  }
0x5d: {  	_ =	shalt  }
0x5e: {  	_ =	shalt  }
0x5f: {  	_ =	shalt  }
0x60: {  	_ =	shalt  }
0x61: {  	_ =	shalt  }
0x62: {  	_ =	shalt  }
0x63: {  	_ =	shalt  }
0x64: {  	_ =	shalt  }
0x65: {  	_ =	shalt  }
0x66: {  	_ =	shalt  }
0x67: {  	_ =	shalt  }
0x68: {  	_ =	shalt  }
0x69: {  	_ =	shalt  }
0x6a: {  	_ =	shalt  }
0x6b: {  	_ =	shalt  }
0x6c: {  	_ =	shalt  }
0x6d: {  	_ =	shalt  }
0x6e: {  	_ =	shalt  }
0x6f: {  	_ =	shalt  }
0x70: {  	_ =	shalt  }
0x71: {  	_ =	shalt  }
0x72: {  	_ =	shalt  }
0x73: {  	_ =	shalt  }
0x74: {  	_ =	shalt  }
0x75: {  	_ =	shalt  }
0x76: {  	_ =	shalt  }
0x77: {  	_ =	shalt  }
0x78: {  	_ =	shalt  }
0x79: {  	_ =	shalt  }
0x7a: {  	_ =	shalt  }
0x7b: {  	_ =	shalt  }
0x7c: {  	_ =	shalt  }
0x7d: {  	_ =	shalt  }
0x7e: {  	_ =	shalt  }
0x7f: {  	_ =	shalt  }
0x80: {  	_ =	shalt  }
0x81: {  	_ =	shalt  }
0x82: {  	_ =	shalt  }
0x83: {  	_ =	shalt  }
0x84: {  	_ =	shalt  }
0x85: {  	_ =	shalt  }
0x86: {  	_ =	shalt  }
0x87: {  	_ =	shalt  }
.Lfunc_end0:
.L_simem_size_0:
called_computation.2_lowered:
.L_overlay_start_0:
0x88: {  	s2 =	sld [smem:$0x3FD9]  }
0x89: {  	s3 =	sld [smem:$0x3FFE];
	_ =	sdelay $0x1  }
0x8a: {  	s1 =	srdreg.scid  }
0x8b: {  	s0 =	sand.u32 $0x1, s1  }
0x8c: {  	s14 =	sshll.u32 s0, $0xA;
	s2 =	sadd.s32 s3, s2  }
0x8d: {  	s2 =	sadd.s32 s2, s14  }
0x8e: {  	[smem:$0x3FC5] =	sst s2  }
0x8f: {  	_ = 	snop  }
0x90: {  	s2 =	sld [smem:$0x3FD0];
	_ =	sdelay $0x1  }
0x91: {  	s15 =	sld [smem:$0x3FC8]  }
0x92: {  	s5 =	simm.s32 $0xA;
	s6 =	simm.s32 $0x10;
	s4 =	sld [smem:$0x3FC7]  }
0x93: {  	[smem:s6], [sflag:s5] =	dma.local [hbm:s2], $0x1  }
0x94: {  	_ =	swait.eq [sflag:s5], $0x1  }
0x95: {  	[sflag:s5] =	ssyncset.done $0x0  }
0x96: {  	[sflag:s5] =	ssyncadd.s32 $0xFFFFFFFF  }
0x97: {  	s16 =	sld [smem:$0x10];
	(tm) =	ssettm $0x1  }
0x98: {  	s17 =	sld [smem:$0x3FFB];
	_ =	sdelay $0x3  }
0x99: {  	_ =	strace s17  }
0x9a: {  	s5 =	sld [smem:$0x3FFC];
	_ =	sdelay $0x3  }
0x9b: {  	_ =	strace s5  }
0x9c: {  	s5 =	sld [smem:$0x3FFD];
	_ =	sdelay $0x3  }
0x9d: {  	_ =	strace s5  }
0x9e: {  	_ =	strace $0x8FFFFFFF  }
0x9f: {  	s18 =	sld [smem:$0x3FDB];
	_ =	sdelay $0x1  }
0xa0: {  	s19 =	simm.s32 $_scs_section_size  }
0xa1: {  	s7 =	simm.s32 $_size__tile_overlayer_lowered;
	s8 =	simm.s32 $_tile_overlayer_lowered  }
0xa2: {  	s22 =	simm.s32 $0x1BFF;
	s21 =	sshll.u32 s8, $0x1;
	s5 =	sadd.s32 s19, s18  }
0xa3: {  	s9 =	simm.s32 $0x0;
	s20 =	sshll.u32 s7, $0x1;
	s7 =	sadd.s32 s21, s5  }
0xa4: {  	[timem:s9], [sflag:s22] =	dma.local [hbm:s7], s20  }
0xa5: {  	_ =	swait.ge [sflag:s22], s20  }
0xa6: {  	s6 =	ssub.s32 $0x0, s20;
	[sflag:s22] =	ssyncset.done $0x0  }
0xa7: {  	[sflag:s22] =	ssyncadd.s32 s6;
	_ =	sdelay $0x1  }
0xa8: {  	s23 =	simm.s32 $0x1B8B  }
0xa9: {  	_ =	swait.ge [sflag:s23], $0x1  }
0xaa: {  	[sflag:s23] =	ssyncset.done $0x0  }
0xab: {  	s25 =	simm.s32 $0x1B8E;
	s24 =	sld [smem:$0x3FFE];
	[sflag:s23] =	ssyncadd.s32 $0xFFFFFFFF  }
0xac: {  	s26 =	simm.s32 $execute0_lowered;
	[smem:$0x3FD2] =	sst s25  }
0xad: {  	s7 =	sshll.u32 s26, $0x1;
	_ =	strace $0x8000004C;
	[dreg:$0x1] =	wrdreg $0xFFFFFFFF  }
0xae: {  	s28 =	simm.s32 $_size_execute0_lowered;
	s5 =	sadd.s32 s5, s7;
	[dreg:$0x0] =	wrdreg $0x0  }
0xaf: {  	s7 =	sshll.u32 s28, $0x1;
	[dreg:$0x2] =	wrdreg s5  }
0xb0: {  	[dreg:$0x3] =	wrdreg s7  }
0xb1: {  	[dreg:$0x4] =	wrdreg $0xC0  }
0xb2: {  	_ =	task [dreg:s9], $0x5FFFF  }
0xb3: {  	[dreg:$0x1] =	wrdreg $0xFFFFFFFF  }
0xb4: {  	[dreg:$0x0] =	wrdreg $0x60  }
0xb5: {  	[dreg:$0x2] =	wrdreg s16  }
0xb6: {  	[dreg:$0x3] =	wrdreg s15  }
0xb7: {  	[dreg:$0x4] =	wrdreg s4  }
0xb8: {  	[dreg:$0x5] =	wrdreg s24  }
0xb9: {  	[dreg:$0x6] =	wrdreg $0x0  }
0xba: {  	[dreg:$0x7] =	wrdreg $0x9  }
0xbb: {  	_ =	task.clear_ibuf [dreg:s9], $0x8FFFF;
	_ =	strace $0x9000004C  }
0xbc: {  	s29 =	simm.s32 $0x9;
	_ =	strace $0x8000004E  }
0xbd: {  	_ =	swait.ge [sflag:s29], $0x1  }
0xbe: {  	[sflag:s29] =	ssyncadd.s32 $0xFFFFFFFF  }
0xbf: {  	_ =	strace $0x9000004E  }
0xc0: {  	_ =	sfence  }
0xc1: {  	s30 =	sld [smem:$0x0];
	_ =	sdelay $0x2  }
0xc2: {  	s31 =	sshll.u32 s1, $0xD;
	s1 =	sshrl.u32 s1, $0x2  }
0xc3: {  	s3 =	sand.u32 $0x4000, s31;
	s1 =	sadd.s32 s1, s30  }
0xc4: {  	s0 =	sor.u32 s3, s0;
	s1 =	sshll.u32 s1, $0x11  }
0xc5: {  	s0 =	sor.u32 s1, s0  }
0xc6: {  	s0 =	sadd.s32 $0x8F2B, s0  }
0xc7: {  	[sflag:s0] =	ssyncadd.remote.s32 $0x1  }
0xc8: {  	_ =	sfence.sel $0xFFFF  }
0xc9: {  	[dreg:$0x0] =	wrdreg $0xFFFFFFFF;
	(pc) =	sbr.abs _section_cstart, $3  }
0xca: {  	[dreg:$0x1] =	wrdreg $0xFFFFFFFF  }
0xcb: {  	_ =	task.clear_ibuf [dreg:s9], $0x2FFFF;
	_ =	strace $0x9FFFFFFF  }
0xcc: {  	(tm) =	ssettm $0x7FFFFFFF  }
0xcd: {  	_ =	shalt  }
tec
execute0_lowered:
.L_overlay_start_1:
0x0: {  	(tag) =	ssettag $0x1  }
0x1: {  	s1 =	rddreg [dreg:$0x0]  }
0x2: {  	s2 =	rddreg [dreg:$0x1]  }
0x3: {  	s3 =	rddreg [dreg:$0x2];
	s0 =	srdreg.scid  }
0x4: {  	s12 =	stileid.u32;
	s4 =	rddreg [dreg:$0x3]  }
0x5: {  	s5 =	rddreg [dreg:$0x4];
	s6 =	simm.s32 $0x0;
	s13 =	simm.s32 $0x3  }
0x6: {  	s14 =	simm.s32 $0x14000;
	s15 =	simm.s32 $0x147D0;
	s16 =	simm.s32 $0xA0  }
0x7: {  	s17 =	simm.s32 $0x14FA0;
	s18 =	simm.s32 $0x14870;
	s19 =	simm.s32 $0x19FA0  }
0x8: {  	s20 =	simm.s32 $0x1;
	s21 =	simm.s32 $0x2;
	s22 =	simm.s32 $0x50  }
0x9: {  	s23 =	simm.s32 $0x14F50;
	s24 =	simm.s32 $0x146E0;
	s25 =	simm.s32 $0x14780  }
0xa: {  	s0 =	sand.u32 $0x1, s0;
	s8 =	smul.u32 $0x14000, s12;
	[smem:$0x7FF] =	sst s6  }
0xb: {  	s26 =	sadd.s32 $0x2A600, s4;
	s29 =	sshll.u32 s12, $0x6;
	s7 =	smul.u32 $0x140000, s0  }
0xc: {  	_ =	strace $0x8000004D;
	s10 =	ssub.s32 $0x2, s0;
	[dreg:$0x6] =	wrdreg s26  }
0xd: {  	s0 =	sshll.u32 s0, $0x4;
	s26 =	simm.s32 $0x0;
	s7 =	sadd.s32 s8, s7  }
0xe: {  	s28 =	sshrl.u32 s10, $0x1;
	s0 =	sor.u32 s12, s0;
	s9 =	sshrl.u32 s7, $0x3  }
0xf: {  	s30 =	sadd.s32 s8, s5;
	s11 =	ssub.s32 s10, s28;
	s4 =	sadd.s32 s9, s4  }
0x10: {  	s8 =	sor.u32 $0x1C03, s29;
	s12 =	sshrl.u32 s30, $0x3;
	s31 =	sadd.s32 $0x2CE00, s4  }
0x11: {  	s11 =	smax.u32 s11, $0x1;
	s9 =	smul.u32 $0x2710, s0;
	[dreg:$0x7] =	wrdreg s31  }
.LBB2_1:
0x12: {  	s0 =	rddreg [dreg:$0x6]  }
0x13: {  	[spmem:s12], [sflag:s8] =	dma.local [hbm:s0], $0x2800  }
0x14: {  	_ =	swait.ge [sflag:s13], $0x2800  }
0x15: {  	[sflag:s13] =	ssyncset.done $0x0  }
0x16: {  	[sflag:s13] =	ssyncadd.s32 $0xFFFFD800  }
0x17: {  	s28 =	simm.s32 $0x0;
	[bflag:$0x0] =	sbarrier.arrive $0xFFFF  }
.LBB2_2:
0x18: {  	s0 =	smul.u32 $0x7D0, s28;
	_ =	sdelay $0x1  }
0x19: {  	s0 =	sadd.s32 s9, s0  }
0x1a: {  	s0 =	sshrl.u32 s0, $0x3  }
0x1b: {  	s4 =	sadd.s32 s2, s0  }
0x1c: {  	[tilespmem:s14], [sflag:$0x3] =	stream.linear.gather [hbm4b:s4+s6], $0x7D0, $0x38;
	[tilespmem:$0x1EFA0] =	vst v63  }
0x1d: {  	_ =	swait.ge [sflag:s13], $0x7D0  }
0x1e: {  	[sflag:s13] =	ssyncset.done $0x0  }
0x1f: {  	s0 =	sadd.s32 s3, s0;
	[sflag:s13] =	ssyncadd.s32 $0xFFFFF830  }
0x20: {  	[tilespmem:s15], [sflag:$0x3] =	stream.linear.gather [hbm4b:s0+s6], $0x7D0, $0x38;
	[tilespmem:$0x1EFA0] =	vst v63  }
0x21: {  	_ =	swait.ge [sflag:s13], $0x7D0  }
0x22: {  	[sflag:s13] =	ssyncset.done $0x0  }
0x23: {  	s10 =	simm.s32 $0x1;
	[sflag:s13] =	ssyncadd.s32 $0xFFFFF830  }
0x24: {  	[tilespmem:s17], [sflag:$0x1] =	stream.indirect.gather [hbm4b:s1+s16], $0x80, s15, s16, $0xb8;
	[tilespmem:$0x1EFA0] =	vst v63  }
0x25: {  	_ =	swait.ge [sflag:s10], $0x5000  }
0x26: {  	[sflag:s10] =	ssyncset.done $0x0  }
0x27: {  	[sflag:s10] =	ssyncadd.s32 $0xFFFFB000  }
0x28: {  	[tilespmem:s19], [sflag:$0x1] =	stream.indirect.gather [hbm4b:s1+s16], $0x80, s18, s16, $0xb8;
	[tilespmem:$0x1EFA0] =	vst v63  }
0x29: {  	_ = 	snop  }
0x2a: {  	[spmem:s5] =	stream.indirect.scatter.add.f32 [tilespmem:s17], [sflag:$0x2], $0x80, s14, s16, $0xb8;
	[tilespmem:$0x1EFA0] =	vst v63  }
0x2b: {  	_ =	swait.ge [sflag:s20], $0x5000  }
0x2c: {  	[sflag:s20] =	ssyncset.done $0x0  }
0x2d: {  	[sflag:s20] =	ssyncadd.s32 $0xFFFFB000  }
0x2e: {  	s0 =	sand.u32 $0x1, s10;
	_ =	swait.ge [sflag:s21], $0x5000  }
0x2f: {  	s4 =	simm.s32 $0x14910;
	p0 =	seq.s32 s0, $0x1;
	[sflag:s21] =	ssyncset.done $0x0  }
0x30: {  	s0 =	simm.s32 @p0 $0xA0;
	s29 =	simm.s32 @p0 $0x14FA0;
	[sflag:s21] =	ssyncadd.s32 $0xFFFFB000  }
0x31: {  	[tilespmem:s29], [sflag:$0x1] =	stream.indirect.gather @p0 [hbm4b:s1+s0], $0x80, s4, s0, $0xb8;
	[tilespmem:$0x1EFA0] =	vst v63  }
0x32: {  	s0 =	simm.s32 @!p0 $0xA0;
	s29 =	simm.s32 @!p0 $0x19FA0  }
0x33: {  	[tilespmem:s29], [sflag:$0x1] =	stream.indirect.gather @!p0 [hbm4b:s1+s0], $0x80, s4, s0, $0xb8;
	[tilespmem:$0x1EFA0] =	vst v63  }
0x34: {  	s30 =	simm.s32 $0x140A0;
	s31 =	simm.s32 $0x14140;
	s0 =	simm.s32 @!p0 $0x14FA0  }
0x35: {  	s29 =	simm.s32 $0x2;
	s4 =	simm.s32 $0x149B0;
	s0 =	simm.s32 @p0 $0x19FA0  }
.LBB2_3:
0x36: {  	[spmem:s5] =	stream.indirect.scatter.add.f32 [tilespmem:s0], [sflag:$0x2], $0x80, s30, s16, $0xb8;
	[tilespmem:$0x1EFA0] =	vst v63  }
0x37: {  	s0 =	smov.u32 s29;
	s29 =	sadd.s32 $0x1, s29;
	s30 =	smov.u32 s31  }
0x38: {  	p0 =	sne.s32 s29, $0xB;
	_ =	swait.ge [sflag:s20], $0x5000  }
0x39: {  	[sflag:s20] =	ssyncset.done $0x0  }
0x3a: {  	s0 =	sand.u32 $0x1, s0;
	[sflag:s20] =	ssyncadd.s32 $0xFFFFB000  }
0x3b: {  	p1 =	seq.s32 s0, $0x1;
	_ =	swait.ge [sflag:s21], $0x5000  }
0x3c: {  	s0 =	simm.s32 @p1 $0xA0;
	[sflag:s21] =	ssyncset.done $0x0  }
.Ltmp0:
0x3d: {  	s7 =	simm.s32 @p1 $0x14FA0;
	[sflag:s21] =	ssyncadd.s32 $0xFFFFB000;
	(pc) =	sbr.rel @p0 .LBB2_3-.Ltmp0, $4  }
0x3e: {  	[tilespmem:s7], [sflag:$0x1] =	stream.indirect.gather @p1 [hbm4b:s1+s0], $0x80, s4, s0, $0xb8;
	[tilespmem:$0x1EFA0] =	vst v63  }
0x3f: {  	s10 =	simm.s32 @!p1 $0x19FA0;
	s7 =	simm.s32 @!p1 $0xA0;
	s0 =	simm.s32 @!p1 $0x14FA0  }
0x40: {  	[tilespmem:s10], [sflag:$0x1] =	stream.indirect.gather @!p1 [hbm4b:s1+s7], $0x80, s4, s7, $0xb8;
	[tilespmem:$0x1EFA0] =	vst v63  }
0x41: {  	s31 =	sadd.s32 $0xA0, s31;
	s0 =	simm.s32 @p1 $0x19FA0;
	s4 =	sadd.s32 $0xA0, s4  }
0x42: {  	[spmem:s5] =	stream.indirect.scatter.add.f32 [tilespmem:s0], [sflag:$0x2], $0x80, s30, s16, $0xb8;
	[tilespmem:$0x1EFA0] =	vst v63  }
0x43: {  	_ =	swait.ge [sflag:s20], $0x5000  }
0x44: {  	[sflag:s20] =	ssyncset.done $0x0  }
0x45: {  	[sflag:s20] =	ssyncadd.s32 $0xFFFFB000  }
0x46: {  	_ =	swait.ge [sflag:s21], $0x5000  }
0x47: {  	[sflag:s21] =	ssyncset.done $0x0  }
0x48: {  	[sflag:s21] =	ssyncadd.s32 $0xFFFFB000  }
0x49: {  	[tilespmem:s17], [sflag:$0x1] =	stream.indirect.gather [hbm4b:s1+s22], $0x80, s23, s22, $0xb8;
	[tilespmem:$0x1EFA0] =	vst v63  }
0x4a: {  	_ = 	snop  }
0x4b: {  	[spmem:s5] =	stream.indirect.scatter.add.f32 [tilespmem:s19], [sflag:$0x2], $0x80, s24, s16, $0xb8;
	[tilespmem:$0x1EFA0] =	vst v63  }
0x4c: {  	_ =	swait.ge [sflag:s20], $0x2800  }
0x4d: {  	[sflag:s20] =	ssyncset.done $0x0  }
0x4e: {  	[sflag:s20] =	ssyncadd.s32 $0xFFFFD800  }
0x4f: {  	s28 =	sadd.s32 $0x1, s28;
	_ =	swait.ge [sflag:s21], $0x5000  }
0x50: {  	p0 =	sne.s32 s28, $0x5;
	[sflag:s21] =	ssyncset.done $0x0  }
.Ltmp1:
0x51: {  	[sflag:s21] =	ssyncadd.s32 $0xFFFFB000;
	(pc) =	sbr.rel @p0 .LBB2_2-.Ltmp1, $4  }
0x52: {  	[spmem:s5] =	stream.indirect.scatter.add.f32 [tilespmem:s17], [sflag:$0x2], $0x80, s25, s22, $0xb8;
	[tilespmem:$0x1EFA0] =	vst v63  }
0x53: {  	_ =	swait.ge [sflag:s21], $0x2800  }
0x54: {  	[sflag:s21] =	ssyncset.done $0x0  }
0x55: {  	[sflag:s21] =	ssyncadd.s32 $0xFFFFD800  }
0x56: {  	s26 =	sadd.s32 $0x1, s26  }
0x57: {  	[bflag:$0x0] =	sbarrier.arrive $0xFFFF;
	p0 =	sne.s32 s26, s11  }
.Ltmp2:
0x58: {  	s0 =	rddreg [dreg:$0x7];
	(pc) =	sbr.rel @p0 .LBB2_1-.Ltmp2, $4  }
0x59: {  	[hbm:s0], [sflag:s8] =	dma.local [spmem:s12], $0x2800  }
0x5a: {  	_ =	swait.ge [sflag:s13], $0x2800  }
0x5b: {  	[sflag:s13] =	ssyncset.done $0x0  }
0x5c: {  	[sflag:s13] =	ssyncadd.s32 $0xFFFFD800  }
0x5d: {  	_ =	sfence.sel $0x180000  }
0x5e: {  	[bflag:$0x0] =	sbarrier.arrive $0xFFFF  }
0x5f: {  	_ =	strace $0x9000004D  }
0x60: {  	s0 =	stileid.u32;
	[bflag:$0x2] =	sbarrier.arrive $0xFFFF  }
0x61: {  	p0 =	sne.s32 s0, $0x0;
	s0 =	rddreg [dreg:$0x5]  }
0x62: {  	s0 =	sadd.s32 @!p0 $0x100000, s0  }
0x63: {  	[sflag:s0] =	ssyncadd.tile.s32 @!p0 $0x1;
	_ =	shalt  }
.Lfunc_end2:
_tile_overlayer_lowered:
.L_overlay_start_2:
0x64: {  	(tag) =	ssettag $0x2  }
0x65: {  	s0 =	rddreg [dreg:$0x0];
	s2 =	stileid.u32  }
0x66: {  	s1 =	rddreg [dreg:$0x1];
	p0 =	sne.s32 s2, $0x0  }
0x67: {  	s3 =	rddreg [dreg:$0x2];
	[bflag:$0x3] =	sbarrier.arrive $0xFFFF;
	s2 =	simm.s32 @!p0 $0x1C03  }
0x68: {  	[timem:s3], [sflag:s2] =	dma.local @!p0 [hbm:s0], s1  }
0x69: {  	s0 =	simm.s32 @!p0 $0x3  }
0x6a: {  	_ =	swait.ge @!p0 [sflag:s0], s1  }
0x6b: {  	s1 =	ssub.s32 @!p0 $0x0, s1;
	[sflag:s0] =	ssyncset.done @!p0 $0x0  }
0x6c: {  	[sflag:s0] =	ssyncadd.s32 @!p0 s1  }
0x6d: {  	[bflag:$0x3] =	sbarrier.arrive $0xFFFF  }
0x6e: {  	_ =	shalt  }

// kernel: kernel.8.cloned.1.call-start
scs
__scs_entry_jumppad:
0x0: {  	(pc) =	sbr.rel $0x88, $3  }
0x1: {  	(tag) =	ssettag $0x0;
	lr =	simm.s32 $0x1  }
0x2: {  	[smem:$0x3F9E] =	sst lr;
	_ =	strace $0xD0000000  }
0x3: {  	_ = 	snop  }
0x4: {  	_ = 	snop  }
0x5: {  	_ = 	snop  }
0x6: {  	_ = 	snop  }
0x7: {  	_ = 	snop  }
__scs_overlays_trampoline_lowered:
0x8: {  	[smem:$0x3FAD] =	sst s0  }
0x9: {  	[smem:$0x3FAE] =	sst s1  }
0xa: {  	[smem:$0x3FAF] =	sst s2  }
0xb: {  	[smem:$0x3FB0] =	sst s3  }
0xc: {  	[smem:$0x3FB1] =	sst s4  }
0xd: {  	[smem:$0x3FB2] =	sst s5  }
0xe: {  	[smem:$0x3FB3] =	sst s6  }
0xf: {  	[smem:$0x3FB4] =	sst s7  }
0x10: {  	[smem:$0x3FB5] =	sst s8  }
0x11: {  	[smem:$0x3FB6] =	sst s9;
	s0 =	simm.s32 @!p0 $0x0  }
0x12: {  	s1 =	sld [smem:$0x3F9C];
	s0 =	simm.s32 @p0 $0x1  }
0x13: {  	[smem:$0x3FB7] =	sst s0;
	s0 =	simm.s32 @!p1 $0x0  }
0x14: {  	s2 =	sld [smem:$0x3F9B];
	s0 =	simm.s32 @p1 $0x1  }
0x15: {  	[smem:$0x3FB8] =	sst s0;
	s0 =	simm.s32 @!p2 $0x0  }
0x16: {  	s3 =	sld [smem:$0x3FDB];
	s0 =	simm.s32 @p2 $0x1  }
0x17: {  	s4 =	simm.s32 $0x1BF5;
	[smem:$0x3FBA] =	sst s0  }
0x18: {  	s0 =	sld [smem:$0x3F9D];
	_ =	swait.ge [sflag:s4], $0x0  }
0x19: {  	s7 =	sld [smem:$0x3F9E]  }
0x1a: {  	s8 =	sadd.s32 $0xFFFFE003, lr  }
0x1b: {  	s9 =	sadd.s32 $0xFFFFFEF7, lr;
	s5 =	simm.s32 $0xFFFFFFFF;
	p2 =	slt.u32 s8, $0xFFFFF086  }
0x1c: {  	p1 =	slt.u32 s9, $0xF7A;
	s5 =	simm.s32 @!p2 $0x0  }
0x1d: {  	s5 =	simm.s32 @p1 $0x1;
	p0 =	seq.s32 s7, s2  }
0x1e: {  	s7 =	smul.u32 @!p0 $0xF7A, s2;
	p2 =	seq.s32 @!p0 s5, $0x0  }
0x1f: {  	s9 =	smul.u32 $0xF7A, s1;
	s8 =	simm.s32 @!p0 $0x1BF5;
	p2 =	por !p2, p0  }
0x20: {  	[sflag:s8] =	ssyncset.s32 @!p0 $0xFFFFF086;
	s6 =	sadd.s32 @!p0 s3, s7;
	s7 =	simm.s32 @!p0 $0x108  }
0x21: {  	s3 =	sadd.s32 s3, s9;
	s6 =	sadd.s32 @!p0 $0x88, s6;
	s7 =	simm.s32 @p2 $0x1082  }
0x22: {  	[simem:s7], [sflag:s8] =	dma.local @!p0 [hbm:s6], $0xF7A  }
0x23: {  	s9 =	sor.u32 $0xD0000000, s2;
	s6 =	simm.s32 $0x108;
	_ =	swait.ge @!p0 [sflag:s8], $0x0  }
0x24: {  	s3 =	sadd.s32 $0x88, s3;
	s6 =	simm.s32 @!p1 $0x1082;
	[sflag:s4] =	ssyncset.s32 $0xFFFFF086  }
0x25: {  	[simem:s6], [sflag:s4] =	dma.local [hbm:s3], $0xF7A  }
0x26: {  	[smem:$0x3F9E] =	sst s1;
	(tag) =	ssettag s2;
	_ =	strace s9  }
0x27: {  	s1 =	sld [smem:$0x3FAE]  }
0x28: {  	s2 =	sld [smem:$0x3FAF]  }
0x29: {  	s4 =	sld [smem:$0x3FB1]  }
0x2a: {  	p0 =	seq.s32 s5, $0x0;
	s5 =	sld [smem:$0x3FB2]  }
0x2b: {  	s6 =	sld [smem:$0x3FB3]  }
0x2c: {  	s7 =	sld [smem:$0x3FB4]  }
0x2d: {  	s3 =	simm.s32 $0x108;
	s8 =	sld [smem:$0x3FB5]  }
0x2e: {  	s3 =	simm.s32 @!p0 $0x1082;
	s9 =	sld [smem:$0x3FB6]  }
0x2f: {  	lr =	sadd.s32 s0, s3;
	s0 =	sld [smem:$0x3FAD]  }
0x30: {  	s3 =	sld [smem:$0x3FB0]  }
0x31: {  	[smem:$0x3FB9] =	sst s10  }
0x32: {  	s10 =	sld [smem:$0x3FB7];
	_ =	sdelay $0x3  }
0x33: {  	p0 =	seq.s32 s10, $0x1;
	s10 =	sld [smem:$0x3FB9];
	_ =	sdelay $0x3  }
0x34: {  	[smem:$0x3FB9] =	sst s10  }
0x35: {  	s10 =	sld [smem:$0x3FB8];
	_ =	sdelay $0x3  }
0x36: {  	p1 =	seq.s32 s10, $0x1;
	s10 =	sld [smem:$0x3FB9];
	_ =	sdelay $0x3  }
0x37: {  	[smem:$0x3FB9] =	sst s10  }
0x38: {  	s10 =	sld [smem:$0x3FBA]  }
0x39: {  	_ = 	snop;
	(pc) =	sbr.ind lr, $3  }
0x3a: {  	_ = 	snop  }
0x3b: {  	_ = 	snop  }
0x3c: {  	p2 =	seq.s32 s10, $0x1;
	s10 =	sld [smem:$0x3FB9]  }
0x3d: {  	_ =	shalt  }
0x3e: {  	_ =	shalt  }
0x3f: {  	_ =	shalt  }
0x40: {  	_ =	shalt  }
0x41: {  	_ =	shalt  }
0x42: {  	_ =	shalt  }
0x43: {  	_ =	shalt  }
0x44: {  	_ =	shalt  }
0x45: {  	_ =	shalt  }
0x46: {  	_ =	shalt  }
0x47: {  	_ =	shalt  }
0x48: {  	_ =	shalt  }
0x49: {  	_ =	shalt  }
0x4a: {  	_ =	shalt  }
0x4b: {  	_ =	shalt  }
0x4c: {  	_ =	shalt  }
0x4d: {  	_ =	shalt  }
0x4e: {  	_ =	shalt  }
0x4f: {  	_ =	shalt  }
0x50: {  	_ =	shalt  }
0x51: {  	_ =	shalt  }
0x52: {  	_ =	shalt  }
0x53: {  	_ =	shalt  }
0x54: {  	_ =	shalt  }
0x55: {  	_ =	shalt  }
0x56: {  	_ =	shalt  }
0x57: {  	_ =	shalt  }
0x58: {  	_ =	shalt  }
0x59: {  	_ =	shalt  }
0x5a: {  	_ =	shalt  }
0x5b: {  	_ =	shalt  }
0x5c: {  	_ =	shalt  }
0x5d: {  	_ =	shalt  }
0x5e: {  	_ =	shalt  }
0x5f: {  	_ =	shalt  }
0x60: {  	_ =	shalt  }
0x61: {  	_ =	shalt  }
0x62: {  	_ =	shalt  }
0x63: {  	_ =	shalt  }
0x64: {  	_ =	shalt  }
0x65: {  	_ =	shalt  }
0x66: {  	_ =	shalt  }
0x67: {  	_ =	shalt  }
0x68: {  	_ =	shalt  }
0x69: {  	_ =	shalt  }
0x6a: {  	_ =	shalt  }
0x6b: {  	_ =	shalt  }
0x6c: {  	_ =	shalt  }
0x6d: {  	_ =	shalt  }
0x6e: {  	_ =	shalt  }
0x6f: {  	_ =	shalt  }
0x70: {  	_ =	shalt  }
0x71: {  	_ =	shalt  }
0x72: {  	_ =	shalt  }
0x73: {  	_ =	shalt  }
0x74: {  	_ =	shalt  }
0x75: {  	_ =	shalt  }
0x76: {  	_ =	shalt  }
0x77: {  	_ =	shalt  }
0x78: {  	_ =	shalt  }
0x79: {  	_ =	shalt  }
0x7a: {  	_ =	shalt  }
0x7b: {  	_ =	shalt  }
0x7c: {  	_ =	shalt  }
0x7d: {  	_ =	shalt  }
0x7e: {  	_ =	shalt  }
0x7f: {  	_ =	shalt  }
0x80: {  	_ =	shalt  }
0x81: {  	_ =	shalt  }
0x82: {  	_ =	shalt  }
0x83: {  	_ =	shalt  }
0x84: {  	_ =	shalt  }
0x85: {  	_ =	shalt  }
0x86: {  	_ =	shalt  }
0x87: {  	_ =	shalt  }
.Lfunc_end0:
.L_simem_size_0:
called_computation_lowered:
.L_overlay_start_0:
0x88: {  	s2 =	sld [smem:$0x3FD9]  }
0x89: {  	s3 =	sld [smem:$0x3FFE];
	_ =	sdelay $0x1  }
0x8a: {  	s1 =	srdreg.scid  }
0x8b: {  	s0 =	sand.u32 $0x1, s1  }
0x8c: {  	s14 =	sshll.u32 s0, $0xA;
	s2 =	sadd.s32 s3, s2  }
0x8d: {  	s2 =	sadd.s32 s2, s14  }
0x8e: {  	[smem:$0x3FC5] =	sst s2  }
0x8f: {  	_ = 	snop  }
0x90: {  	s2 =	sld [smem:$0x3FD0];
	_ =	sdelay $0x1  }
0x91: {  	s15 =	sld [smem:$0x3FC8]  }
0x92: {  	s5 =	simm.s32 $0xA;
	s6 =	simm.s32 $0x10;
	s4 =	sld [smem:$0x3FC7]  }
0x93: {  	[smem:s6], [sflag:s5] =	dma.local [hbm:s2], $0x1  }
0x94: {  	_ =	swait.eq [sflag:s5], $0x1  }
0x95: {  	[sflag:s5] =	ssyncset.done $0x0  }
0x96: {  	s16 =	sld [smem:$0x10];
	[sflag:s5] =	ssyncadd.s32 $0xFFFFFFFF  }
0x97: {  	s17 =	sld [smem:$0x11];
	(tm) =	ssettm $0x1  }
0x98: {  	s18 =	sld [smem:$0x3FFB];
	_ =	sdelay $0x3  }
0x99: {  	_ =	strace s18  }
0x9a: {  	s6 =	sld [smem:$0x3FFC];
	_ =	sdelay $0x3  }
0x9b: {  	_ =	strace s6  }
0x9c: {  	s6 =	sld [smem:$0x3FFD];
	_ =	sdelay $0x3  }
0x9d: {  	_ =	strace s6  }
0x9e: {  	_ =	strace $0x8FFFFFFF  }
0x9f: {  	s19 =	sld [smem:$0x3FDB];
	_ =	sdelay $0x1  }
0xa0: {  	s7 =	simm.s32 $_scs_section_size  }
0xa1: {  	s8 =	simm.s32 $_size__tile_overlayer_lowered;
	s9 =	simm.s32 $_tile_overlayer_lowered  }
0xa2: {  	s22 =	simm.s32 $0x1BFF;
	s21 =	sshll.u32 s9, $0x1;
	s6 =	sadd.s32 s7, s19  }
0xa3: {  	s10 =	simm.s32 $0x0;
	s20 =	sshll.u32 s8, $0x1;
	s8 =	sadd.s32 s21, s6  }
0xa4: {  	[timem:s10], [sflag:s22] =	dma.local [hbm:s8], s20  }
0xa5: {  	_ =	swait.ge [sflag:s22], s20  }
0xa6: {  	s7 =	ssub.s32 $0x0, s20;
	[sflag:s22] =	ssyncset.done $0x0  }
0xa7: {  	[sflag:s22] =	ssyncadd.s32 s7;
	_ =	sdelay $0x1  }
0xa8: {  	s23 =	simm.s32 $0x1B8B  }
0xa9: {  	_ =	swait.ge [sflag:s23], $0x1  }
0xaa: {  	[sflag:s23] =	ssyncset.done $0x0  }
0xab: {  	s25 =	simm.s32 $0x1B8E;
	s24 =	sld [smem:$0x3FFE];
	[sflag:s23] =	ssyncadd.s32 $0xFFFFFFFF  }
0xac: {  	s26 =	simm.s32 $execute0_lowered;
	[smem:$0x3FD2] =	sst s25  }
0xad: {  	s8 =	sshll.u32 s26, $0x1;
	_ =	strace $0x80000046;
	[dreg:$0x1] =	wrdreg $0xFFFFFFFF  }
0xae: {  	s28 =	simm.s32 $_size_execute0_lowered;
	s6 =	sadd.s32 s6, s8;
	[dreg:$0x0] =	wrdreg $0x0  }
0xaf: {  	s8 =	sshll.u32 s28, $0x1;
	[dreg:$0x2] =	wrdreg s6  }
0xb0: {  	[dreg:$0x3] =	wrdreg s8  }
0xb1: {  	[dreg:$0x4] =	wrdreg $0xC0  }
0xb2: {  	_ =	task [dreg:s10], $0x5FFFF  }
0xb3: {  	[dreg:$0x1] =	wrdreg $0xFFFFFFFF  }
0xb4: {  	[dreg:$0x0] =	wrdreg $0x60  }
0xb5: {  	[dreg:$0x2] =	wrdreg s15  }
0xb6: {  	[dreg:$0x3] =	wrdreg s4  }
0xb7: {  	[dreg:$0x4] =	wrdreg s17  }
0xb8: {  	[dreg:$0x5] =	wrdreg s16  }
0xb9: {  	[dreg:$0x6] =	wrdreg s24  }
0xba: {  	[dreg:$0x7] =	wrdreg $0x0  }
0xbb: {  	[dreg:$0x8] =	wrdreg $0x2800  }
0xbc: {  	[dreg:$0x9] =	wrdreg $0x9  }
0xbd: {  	_ =	task.clear_ibuf [dreg:s10], $0xAFFFF;
	_ =	strace $0x90000046  }
0xbe: {  	s29 =	simm.s32 $0x9;
	_ =	strace $0x80000048  }
0xbf: {  	_ =	swait.ge [sflag:s29], $0x1  }
0xc0: {  	[sflag:s29] =	ssyncadd.s32 $0xFFFFFFFF  }
0xc1: {  	_ =	strace $0x90000048  }
0xc2: {  	_ =	sfence  }
0xc3: {  	s30 =	sld [smem:$0x0];
	_ =	sdelay $0x2  }
0xc4: {  	s31 =	sshll.u32 s1, $0xD;
	s1 =	sshrl.u32 s1, $0x2  }
0xc5: {  	s3 =	sand.u32 $0x4000, s31;
	s1 =	sadd.s32 s1, s30  }
0xc6: {  	s0 =	sor.u32 s3, s0;
	s1 =	sshll.u32 s1, $0x11  }
0xc7: {  	s0 =	sor.u32 s1, s0  }
0xc8: {  	s0 =	sadd.s32 $0x8F2B, s0  }
0xc9: {  	[sflag:s0] =	ssyncadd.remote.s32 $0x1  }
0xca: {  	_ =	sfence.sel $0xFFFF  }
0xcb: {  	[dreg:$0x0] =	wrdreg $0xFFFFFFFF;
	(pc) =	sbr.abs _section_cstart, $3  }
0xcc: {  	[dreg:$0x1] =	wrdreg $0xFFFFFFFF  }
0xcd: {  	_ =	task.clear_ibuf [dreg:s10], $0x2FFFF;
	_ =	strace $0x9FFFFFFF  }
0xce: {  	(tm) =	ssettm $0x7FFFFFFF  }
0xcf: {  	_ =	shalt  }
tec
execute0_lowered:
.L_overlay_start_1:
0x0: {  	(tag) =	ssettag $0x1  }
0x1: {  	s7 =	rddreg [dreg:$0x0]  }
0x2: {  	s10 =	rddreg [dreg:$0x1]  }
0x3: {  	s1 =	rddreg [dreg:$0x2]  }
0x4: {  	s8 =	rddreg [dreg:$0x3]  }
0x5: {  	s6 =	rddreg [dreg:$0x4]  }
0x6: {  	s2 =	rddreg [dreg:$0x5]  }
0x7: {  	s4 =	rddreg [dreg:$0x6]  }
0x8: {  	s0 =	rddreg [dreg:$0x7];
	s5 =	simm.s32 $0x0;
	s3 =	stileid.u32  }
0x9: {  	s11 =	srdreg.scid;
	s16 =	simm.s32 $0x320;
	s9 =	smul.u32 $0xA0, s3  }
0xa: {  	s17 =	simm.s32 $0x4E20;
	[smem:$0x7FF] =	sst s5;
	s14 =	smul.u32 $0x280, s3  }
0xb: {  	s11 =	sand.u32 $0x1, s11;
	s15 =	smul.u32 $0x9C4, s3;
	_ =	strace $0x80000047  }
0xc: {  	s13 =	ssub.s32 $0x2, s11;
	p0 =	seq.s32 s11, $0x1;
	s12 =	sshrl.u32 s9, $0x3  }
.Ltmp0:
0xd: {  	s30 =	sshrl.u32 s13, $0x1;
	s31 =	sshrl.u32 s14, $0x3;
	(pc) =	sbr.rel .LBB2_1-.Ltmp0, $4  }
0xe: {  	s7 =	sadd.s32 s7, s15;
	s9 =	sadd.s32 s9, s4;
	s10 =	sadd.s32 s10, s15  }
0xf: {  	s15 =	simm.s32 $0x9F60;
	s12 =	sadd.s32 s12, s6;
	s13 =	ssub.s32 s13, s30  }
0x10: {  	s6 =	sadd.s32 s14, s2;
	s8 =	sadd.s32 s8, s31;
	s14 =	simm.s32 $0x1  }
0x11: {  	v0 =	vimm.f32 $0.0e+00;
	s11 =	sadd.s32 $0x2400, s12;
	s12 =	smax.u32 s13, $0x1;
	s13 =	simm.s32 $0x5140  }
.LBB2_3:
0x12: {  	[spmem:s9] =	stream.linear.scatter [tilespmem:s15], [sflag:$0x1], $0xA0, $0x38;
	[tilespmem:$0xA1E0] =	vst v63  }
0x13: {  	_ =	swait.ge [sflag:s14], $0xA0  }
0x14: {  	[sflag:s14] =	ssyncset.done $0x0  }
0x15: {  	[sflag:s14] =	ssyncadd.s32 $0xFFFFFF60  }
0x16: {  	[tilespmem:s16], [sflag:$0x1] =	stream.linear.gather [hbm4b:s10+s5], $0x4E20, $0x38;
	[tilespmem:$0xA1E0] =	vst v63  }
0x17: {  	_ =	swait.ge [sflag:s14], $0x4E20  }
0x18: {  	[sflag:s14] =	ssyncset.done $0x0  }
0x19: {  	[sflag:s14] =	ssyncadd.s32 $0xFFFFB1E0  }
0x1a: {  	[bflag:$0x0] =	sbarrier.arrive $0xFFFF  }
0x1b: {  	[spmem:s4] =	stream.indirect.scatter.add.f32 [tilespmem:s13], [sflag:$0x1], $0x1, s16, s17, $0xb8;
	[tilespmem:$0xA1E0] =	vst v63  }
0x1c: {  	_ =	swait.ge [sflag:s14], $0x4E20  }
0x1d: {  	[sflag:s14] =	ssyncset.done $0x0  }
0x1e: {  	[sflag:s14] =	ssyncadd.s32 $0xFFFFB1E0  }
0x1f: {  	[bflag:$0x0] =	sbarrier.arrive $0xFFFF  }
0x20: {  	[tilespmem:s15], [sflag:$0x1] =	stream.linear.gather [spmem:s9], $0xA0, $0x38;
	[tilespmem:$0xA1E0] =	vst v63  }
0x21: {  	_ =	swait.ge [sflag:s14], $0xA0  }
0x22: {  	[sflag:s14] =	ssyncset.done $0x0  }
0x23: {  	[sflag:s14] =	ssyncadd.s32 $0xFFFFFF60  }
0x24: {  	v1 =	vld [tilespmem:$0x9F60]  }
0x25: {  	v2 =	vld [tilespmem:$0x9F70]  }
0x26: {  	v3 =	vld [tilespmem:$0x9F80]  }
0x27: {  	v4 =	vld [tilespmem:$0x9F90]  }
0x28: {  	v5 =	vld [tilespmem:$0x9FA0]  }
0x29: {  	v7 =	vld [tilespmem:$0x9FB0];
	v6 =	vmax.f32 v1, $1.000000000e+00  }
0x2a: {  	v8 =	vld [tilespmem:$0x9FC0];
	v54 =	vmax.f32 v2, $1.000000000e+00;
	(erf) = vrcp.f32 v6  }
0x2b: {  	v9 =	vld [tilespmem:$0x9FD0];
	v55 =	vmax.f32 v3, $1.000000000e+00;
	(erf) = vrcp.f32 v54  }
0x2c: {  	v10 =	vld [tilespmem:$0x9FE0];
	v56 =	vmax.f32 v4, $1.000000000e+00;
	(erf) = vrcp.f32 v55  }
0x2d: {  	v11 =	vld [tilespmem:$0x9FF0];
	v57 =	vmax.f32 v5, $1.000000000e+00;
	(erf) = vrcp.f32 v56  }
0x2e: {  	v58 =	vmax.f32 v7, $1.000000000e+00;
	(erf) = vrcp.f32 v57  }
0x2f: {  	v59 =	vmax.f32 v8, $1.000000000e+00;
	(erf) = vrcp.f32 v58  }
0x30: {  	v60 =	vmax.f32 v9, $1.000000000e+00;
	(erf) = vrcp.f32 v59  }
0x31: {  	v61 =	vmax.f32 v10, $1.000000000e+00;
	(erf) = vrcp.f32 v60  }
0x32: {  	v62 =	vmax.f32 v11, $1.000000000e+00;
	(erf) = vrcp.f32 v61  }
0x33: {  	vm0 =	vgt.f32 v1, $0.0e+00;
	v1 =	vpop (erf);
	(erf) = vrcp.f32 v62  }
0x34: {  	vm7 =	vgt.f32 v2, $0.0e+00;
	v63 =	vpop (erf);
	v1 =	vnsel vm0, $0x0, v1  }
0x35: {  	vm8 =	vgt.f32 v3, $0.0e+00;
	v2 =	vpop (erf);
	[tilespmem:$0x9F60] =	vst v1;
	v1 =	vnsel vm7, $0x0, v63  }
0x36: {  	vm9 =	vgt.f32 v4, $0.0e+00;
	v3 =	vpop (erf);
	[tilespmem:$0x9F70] =	vst v1;
	v1 =	vnsel vm8, $0x0, v2  }
0x37: {  	vm10 =	vgt.f32 v5, $0.0e+00;
	v2 =	vpop (erf);
	[tilespmem:$0x9F80] =	vst v1;
	v1 =	vnsel vm9, $0x0, v3  }
0x38: {  	vm11 =	vgt.f32 v7, $0.0e+00;
	v3 =	vpop (erf);
	[tilespmem:$0x9F90] =	vst v1;
	v1 =	vnsel vm10, $0x0, v2  }
0x39: {  	vm12 =	vgt.f32 v8, $0.0e+00;
	v2 =	vpop (erf);
	[tilespmem:$0x9FA0] =	vst v1;
	v1 =	vnsel vm11, $0x0, v3  }
0x3a: {  	vm13 =	vgt.f32 v9, $0.0e+00;
	v3 =	vpop (erf);
	[tilespmem:$0x9FB0] =	vst v1;
	v1 =	vnsel vm12, $0x0, v2  }
0x3b: {  	vm14 =	vgt.f32 v10, $0.0e+00;
	v2 =	vpop (erf);
	[tilespmem:$0x9FC0] =	vst v1;
	v1 =	vnsel vm13, $0x0, v3  }
0x3c: {  	vm15 =	vgt.f32 v11, $0.0e+00;
	[tilespmem:$0x9FD0] =	vst v1;
	v1 =	vnsel vm14, $0x0, v2;
	v2 =	vpop (erf)  }
0x3d: {  	[tilespmem:$0x9FE0] =	vst v1;
	v1 =	vnsel vm15, $0x0, v2  }
0x3e: {  	[tilespmem:$0x9FF0] =	vst v1  }
0x3f: {  	[hbm4b:s11+s5] =	stream.linear.scatter [tilespmem:s15], [sflag:$0x1], $0xA0, $0x38;
	[tilespmem:$0xA1E0] =	vst v63  }
0x40: {  	_ =	swait.ge [sflag:s14], $0xA0  }
0x41: {  	[sflag:s14] =	ssyncset.done $0x0  }
0x42: {  	[sflag:s14] =	ssyncadd.s32 $0xFFFFFF60  }
.LBB2_4:
0x43: {  	s12 =	sadd.s32 $0xFFFFFFFF, s12  }
0x44: {  	p1 =	sne.s32 s12, $0x0  }
.Ltmp1:
0x45: {  	_ = 	snop;
	(pc) =	sbr.rel @!p1 .LBB2_5-.Ltmp1, $1  }
0x46: {  	_ =	sdelay $0x3  }
.LBB2_1:
0x47: {  	[tilespmem:s13], [sflag:$0x1] =	stream.linear.gather [hbm4b:s1+s5], $0x4E20, $0x38;
	[tilespmem:$0xA1E0] =	vst v63  }
0x48: {  	_ =	swait.ge [sflag:s14], $0x4E20  }
0x49: {  	[sflag:s14] =	ssyncset.done $0x0  }
0x4a: {  	[sflag:s14] =	ssyncadd.s32 $0xFFFFB1E0  }
0x4b: {  	[tilespmem:$0x9F60] =	vst v0  }
0x4c: {  	[tilespmem:$0x9F70] =	vst v0  }
0x4d: {  	[tilespmem:$0x9F80] =	vst v0  }
0x4e: {  	[tilespmem:$0x9F90] =	vst v0  }
0x4f: {  	[tilespmem:$0x9FA0] =	vst v0  }
0x50: {  	[tilespmem:$0x9FB0] =	vst v0  }
0x51: {  	[tilespmem:$0x9FC0] =	vst v0  }
0x52: {  	[tilespmem:$0x9FD0] =	vst v0  }
0x53: {  	[tilespmem:$0x9FE0] =	vst v0  }
0x54: {  	[tilespmem:$0x9FF0] =	vst v0  }
0x55: {  	[tilespmem:$0xA000] =	vst v0  }
0x56: {  	[tilespmem:$0xA010] =	vst v0  }
0x57: {  	[tilespmem:$0xA020] =	vst v0  }
0x58: {  	[tilespmem:$0xA030] =	vst v0  }
0x59: {  	[tilespmem:$0xA040] =	vst v0  }
0x5a: {  	[tilespmem:$0xA050] =	vst v0  }
0x5b: {  	[tilespmem:$0xA060] =	vst v0  }
0x5c: {  	[tilespmem:$0xA070] =	vst v0  }
0x5d: {  	[tilespmem:$0xA080] =	vst v0  }
0x5e: {  	[tilespmem:$0xA090] =	vst v0  }
0x5f: {  	[tilespmem:$0xA0A0] =	vst v0  }
0x60: {  	[tilespmem:$0xA0B0] =	vst v0  }
0x61: {  	[tilespmem:$0xA0C0] =	vst v0  }
0x62: {  	[tilespmem:$0xA0D0] =	vst v0  }
0x63: {  	[tilespmem:$0xA0E0] =	vst v0  }
0x64: {  	[tilespmem:$0xA0F0] =	vst v0  }
0x65: {  	[tilespmem:$0xA100] =	vst v0  }
0x66: {  	[tilespmem:$0xA110] =	vst v0  }
0x67: {  	[tilespmem:$0xA120] =	vst v0  }
0x68: {  	[tilespmem:$0xA130] =	vst v0  }
0x69: {  	[tilespmem:$0xA140] =	vst v0  }
0x6a: {  	[tilespmem:$0xA150] =	vst v0  }
0x6b: {  	[tilespmem:$0xA160] =	vst v0  }
0x6c: {  	[tilespmem:$0xA170] =	vst v0  }
0x6d: {  	[tilespmem:$0xA180] =	vst v0  }
.Ltmp2:
0x6e: {  	[tilespmem:$0xA190] =	vst v0;
	(pc) =	sbr.rel @p0 .LBB2_3-.Ltmp2, $4  }
0x6f: {  	[tilespmem:$0xA1A0] =	vst v0  }
0x70: {  	[tilespmem:$0xA1B0] =	vst v0  }
0x71: {  	[tilespmem:$0xA1C0] =	vst v0  }
0x72: {  	[tilespmem:$0xA1D0] =	vst v0  }
0x73: {  	[spmem:s6] =	stream.linear.scatter [tilespmem:s15], [sflag:$0x1], $0x280, $0x38;
	[tilespmem:$0xA1E0] =	vst v63  }
0x74: {  	_ =	swait.ge [sflag:s14], $0x280  }
0x75: {  	[sflag:s14] =	ssyncset.done $0x0  }
0x76: {  	[sflag:s14] =	ssyncadd.s32 $0xFFFFFD80  }
0x77: {  	[tilespmem:s16], [sflag:$0x1] =	stream.linear.gather [hbm4b:s7+s5], $0x4E20, $0x38;
	[tilespmem:$0xA1E0] =	vst v63  }
0x78: {  	_ =	swait.ge [sflag:s14], $0x4E20  }
0x79: {  	[sflag:s14] =	ssyncset.done $0x0  }
0x7a: {  	[sflag:s14] =	ssyncadd.s32 $0xFFFFB1E0  }
0x7b: {  	[bflag:$0x0] =	sbarrier.arrive $0xFFFF  }
0x7c: {  	[spmem:s2] =	stream.indirect.scatter.add.f32 [tilespmem:s13], [sflag:$0x1], $0x1, s16, s17, $0xb8;
	[tilespmem:$0xA1E0] =	vst v63  }
0x7d: {  	_ =	swait.ge [sflag:s14], $0x4E20  }
0x7e: {  	[sflag:s14] =	ssyncset.done $0x0  }
0x7f: {  	[sflag:s14] =	ssyncadd.s32 $0xFFFFB1E0  }
0x80: {  	[bflag:$0x0] =	sbarrier.arrive $0xFFFF  }
0x81: {  	[tilespmem:s15], [sflag:$0x1] =	stream.linear.gather [spmem:s6], $0x280, $0x38;
	[tilespmem:$0xA1E0] =	vst v63  }
0x82: {  	_ =	swait.ge [sflag:s14], $0x280  }
0x83: {  	[sflag:s14] =	ssyncset.done $0x0  }
0x84: {  	[sflag:s14] =	ssyncadd.s32 $0xFFFFFD80  }
0x85: {  	v1 =	vld [tilespmem:$0x9F60]  }
0x86: {  	v2 =	vld [tilespmem:$0x9F70]  }
0x87: {  	v3 =	vld [tilespmem:$0x9F80]  }
0x88: {  	v4 =	vld [tilespmem:$0x9F90]  }
0x89: {  	v5 =	vld [tilespmem:$0x9FA0]  }
0x8a: {  	v7 =	vld [tilespmem:$0x9FB0]  }
0x8b: {  	v8 =	vld [tilespmem:$0x9FC0]  }
0x8c: {  	v9 =	vld [tilespmem:$0x9FD0];
	v6 =	vmax.f32 v1, $1.000000000e+00  }
0x8d: {  	v10 =	vld [tilespmem:$0x9FE0];
	v31 =	vmax.f32 v2, $1.000000000e+00;
	(erf) = vrcp.f32 v6  }
0x8e: {  	v11 =	vld [tilespmem:$0x9FF0];
	v32 =	vmax.f32 v3, $1.000000000e+00;
	(erf) = vrcp.f32 v31  }
0x8f: {  	v12 =	vld [tilespmem:$0xA000];
	(erf) = vrcp.f32 v32  }
0x90: {  	v13 =	vld [tilespmem:$0xA010];
	v33 =	vmax.f32 v4, $1.000000000e+00  }
0x91: {  	v40 =	vld [tilespmem:$0xA020];
	v34 =	vmax.f32 v5, $1.000000000e+00;
	v35 =	vmax.f32 v7, $1.000000000e+00;
	(erf) = vrcp.f32 v33  }
0x92: {  	v41 =	vld [tilespmem:$0xA030];
	v36 =	vmax.f32 v8, $1.000000000e+00;
	v37 =	vmax.f32 v9, $1.000000000e+00;
	(erf) = vrcp.f32 v34  }
0x93: {  	v44 =	vld [tilespmem:$0xA040];
	v38 =	vmax.f32 v10, $1.000000000e+00;
	v39 =	vmax.f32 v11, $1.000000000e+00;
	(erf) = vrcp.f32 v35  }
0x94: {  	v17 =	vld [tilespmem:$0xA050];
	vm0 =	vgt.f32 v1, $0.0e+00;
	vm13 =	vgt.f32 v2, $0.0e+00;
	(erf) = vrcp.f32 v36  }
0x95: {  	v47 =	vld [tilespmem:$0xA060];
	v14 =	vmax.f32 v12, $1.000000000e+00;
	vm14 =	vgt.f32 v3, $0.0e+00;
	(erf) = vrcp.f32 v37  }
0x96: {  	v19 =	vld [tilespmem:$0xA070];
	vm15 =	vgt.f32 v4, $0.0e+00;
	v15 =	vmax.f32 v13, $1.000000000e+00;
	(erf) = vrcp.f32 v38;
	v1 =	vpop (erf)  }
0x97: {  	v50 =	vld [tilespmem:$0xA080];
	vm4 =	vgt.f32 v5, $0.0e+00;
	vm5 =	vgt.f32 v7, $0.0e+00;
	(erf) = vrcp.f32 v39;
	v2 =	vpop (erf)  }
0x98: {  	v61 =	vld [tilespmem:$0xA0F0];
	v16 =	vmax.f32 v40, $1.000000000e+00;
	vm6 =	vgt.f32 v8, $0.0e+00;
	v3 =	vpop (erf);
	(erf) = vrcp.f32 v14  }
0x99: {  	v63 =	vld [tilespmem:$0xA100];
	vm7 =	vgt.f32 v9, $0.0e+00;
	v18 =	vmax.f32 v41, $1.000000000e+00;
	(erf) = vrcp.f32 v15  }
0x9a: {  	vm8 =	vgt.f32 v10, $0.0e+00;
	vm9 =	vgt.f32 v11, $0.0e+00;
	v20 =	vmax.f32 v44, $1.000000000e+00;
	v42 =	vpop (erf)  }
0x9b: {  	v52 =	vmax.f32 v17, $1.000000000e+00;
	vm10 =	vgt.f32 v12, $0.0e+00;
	v43 =	vpop (erf);
	(erf) = vrcp.f32 v16  }
0x9c: {  	v54 =	vmax.f32 v47, $1.000000000e+00;
	v55 =	vmax.f32 v19, $1.000000000e+00;
	v45 =	vpop (erf);
	(erf) = vrcp.f32 v18  }
0x9d: {  	v21 =	vld [tilespmem:$0xA090];
	vm11 =	vgt.f32 v13, $0.0e+00;
	v57 =	vmax.f32 v50, $1.000000000e+00;
	vm12 =	vgt.f32 v40, $0.0e+00;
	v46 =	vpop (erf)  }
0x9e: {  	v22 =	vld [tilespmem:$0xA0A0];
	v26 =	vmax.f32 v61, $1.000000000e+00;
	v30 =	vmax.f32 v63, $1.000000000e+00;
	(erf) = vrcp.f32 v20;
	v48 =	vpop (erf)  }
0x9f: {  	v23 =	vld [tilespmem:$0xA0B0];
	v1 =	vnsel vm0, $0x0, v1;
	v2 =	vnsel vm13, $0x0, v2;
	(erf) = vrcp.f32 v52;
	v49 =	vpop (erf)  }
0xa0: {  	v56 =	vld [tilespmem:$0xA0C0];
	vm13 =	vgt.f32 v41, $0.0e+00;
	v3 =	vnsel vm14, $0x0, v3;
	(erf) = vrcp.f32 v54;
	v51 =	vpop (erf)  }
0xa1: {  	v58 =	vld [tilespmem:$0xA0D0];
	[tilespmem:$0x9F70] =	vst v2;
	vm14 =	vgt.f32 v44, $0.0e+00;
	v4 =	vnsel vm15, $0x0, v42;
	(erf) = vrcp.f32 v55;
	v53 =	vpop (erf)  }
0xa2: {  	v59 =	vld [tilespmem:$0xA0E0];
	[tilespmem:$0x9F80] =	vst v3;
	v3 =	vmax.f32 v21, $1.000000000e+00;
	vm15 =	vgt.f32 v17, $0.0e+00;
	v2 =	vpop (erf);
	(erf) = vrcp.f32 v57  }
0xa3: {  	v28 =	vld [tilespmem:$0xA120];
	[tilespmem:$0x9F60] =	vst v1;
	v5 =	vnsel vm4, $0x0, v43;
	(erf) = vrcp.f32 v3;
	v3 =	vmax.f32 v22, $1.000000000e+00  }
0xa4: {  	[tilespmem:$0x9F90] =	vst v4;
	vm4 =	vgt.f32 v47, $0.0e+00;
	v60 =	vpop (erf);
	(erf) = vrcp.f32 v3;
	v3 =	vmax.f32 v23, $1.000000000e+00  }
0xa5: {  	v33 =	vld [tilespmem:$0xA130];
	v7 =	vnsel vm5, $0x0, v45;
	[tilespmem:$0x9FA0] =	vst v5;
	v62 =	vpop (erf);
	(erf) = vrcp.f32 v3;
	v3 =	vmax.f32 v56, $1.000000000e+00  }
0xa6: {  	v40 =	vld [tilespmem:$0xA150];
	v8 =	vnsel vm6, $0x0, v46;
	[tilespmem:$0x9FB0] =	vst v7;
	(erf) = vrcp.f32 v3;
	v3 =	vmax.f32 v58, $1.000000000e+00  }
0xa7: {  	v9 =	vnsel vm7, $0x0, v48;
	[tilespmem:$0x9FC0] =	vst v8;
	(erf) = vrcp.f32 v3;
	v3 =	vmax.f32 v59, $1.000000000e+00  }
0xa8: {  	v43 =	vmax.f32 v28, $1.000000000e+00;
	v10 =	vnsel vm8, $0x0, v49;
	[tilespmem:$0x9FD0] =	vst v9;
	(erf) = vrcp.f32 v3;
	v3 =	vld [tilespmem:$0xA110]  }
0xa9: {  	v37 =	vld [tilespmem:$0xA140];
	vm5 =	vgt.f32 v19, $0.0e+00;
	vm6 =	vgt.f32 v50, $0.0e+00;
	v11 =	vnsel vm9, $0x0, v51;
	[tilespmem:$0x9FE0] =	vst v10;
	v15 =	vpop (erf)  }
0xaa: {  	vm7 =	vgt.f32 v21, $0.0e+00;
	v48 =	vmax.f32 v33, $1.000000000e+00;
	[tilespmem:$0x9FF0] =	vst v11;
	v1 =	vnsel vm10, $0x0, v53;
	v24 =	vpop (erf)  }
0xab: {  	v54 =	vmax.f32 v40, $1.000000000e+00;
	v2 =	vnsel vm11, $0x0, v2;
	[tilespmem:$0xA000] =	vst v1;
	v25 =	vpop (erf);
	(erf) = vrcp.f32 v26  }
0xac: {  	v44 =	vld [tilespmem:$0xA160];
	vm8 =	vgt.f32 v22, $0.0e+00;
	vm9 =	vgt.f32 v23, $0.0e+00;
	v4 =	vnsel vm12, $0x0, v60;
	[tilespmem:$0xA010] =	vst v2;
	v27 =	vpop (erf)  }
0xad: {  	v49 =	vld [tilespmem:$0xA180];
	v6 =	vnsel vm13, $0x0, v62;
	[tilespmem:$0xA020] =	vst v4;
	(erf) = vrcp.f32 v30;
	v29 =	vpop (erf);
	v36 =	vmax.f32 v3, $1.000000000e+00  }
0xae: {  	v51 =	vmax.f32 v37, $1.000000000e+00;
	v8 =	vnsel vm14, $0x0, v15;
	[tilespmem:$0xA030] =	vst v6;
	v32 =	vpop (erf);
	(erf) = vrcp.f32 v36  }
0xaf: {  	vm10 =	vgt.f32 v56, $0.0e+00;
	vm11 =	vgt.f32 v58, $0.0e+00;
	v9 =	vnsel vm15, $0x0, v24;
	[tilespmem:$0xA040] =	vst v8;
	v35 =	vpop (erf)  }
0xb0: {  	v46 =	vld [tilespmem:$0xA170];
	vm12 =	vgt.f32 v59, $0.0e+00;
	vm13 =	vgt.f32 v61, $0.0e+00;
	v1 =	vnsel vm4, $0x0, v25;
	[tilespmem:$0xA050] =	vst v9;
	v39 =	vpop (erf)  }
0xb1: {  	v52 =	vld [tilespmem:$0xA190];
	v56 =	vmax.f32 v44, $1.000000000e+00;
	v2 =	vnsel vm5, $0x0, v27;
	[tilespmem:$0xA060] =	vst v1;
	v42 =	vpop (erf);
	(erf) = vrcp.f32 v43  }
0xb2: {  	v61 =	vmax.f32 v49, $1.000000000e+00;
	[tilespmem:$0xA070] =	vst v2;
	v31 =	vnsel vm6, $0x0, v29;
	v45 =	vpop (erf);
	(erf) = vrcp.f32 v48  }
0xb3: {  	v55 =	vld [tilespmem:$0xA1A0];
	vm14 =	vgt.f32 v63, $0.0e+00;
	v34 =	vnsel vm7, $0x0, v32;
	[tilespmem:$0xA080] =	vst v31;
	v47 =	vpop (erf);
	(erf) = vrcp.f32 v51  }
0xb4: {  	v57 =	vld [tilespmem:$0xA1B0];
	v38 =	vnsel vm8, $0x0, v35;
	[tilespmem:$0xA090] =	vst v34;
	v2 =	vnsel vm11, $0x0, v45;
	v53 =	vpop (erf);
	(erf) = vrcp.f32 v54  }
0xb5: {  	v60 =	vld [tilespmem:$0xA1C0];
	v59 =	vmax.f32 v46, $1.000000000e+00;
	v41 =	vnsel vm9, $0x0, v39;
	[tilespmem:$0xA0A0] =	vst v38;
	(erf) = vrcp.f32 v56  }
0xb6: {  	v62 =	vld [tilespmem:$0xA1D0];
	vm15 =	vgt.f32 v3, $0.0e+00;
	v3 =	vmax.f32 v52, $1.000000000e+00;
	[tilespmem:$0xA0B0] =	vst v41;
	v58 =	vpop (erf);
	(erf) = vrcp.f32 v59  }
0xb7: {  	v1 =	vnsel vm10, $0x0, v42;
	v50 =	vnsel vm12, $0x0, v47;
	[tilespmem:$0xA0D0] =	vst v2;
	(erf) = vrcp.f32 v61;
	v2 =	vpop (erf)  }
0xb8: {  	[tilespmem:$0xA0C0] =	vst v1;
	(erf) = vrcp.f32 v3;
	v3 =	vmax.f32 v55, $1.000000000e+00;
	v2 =	vnsel vm15, $0x0, v2  }
0xb9: {  	v5 =	vnsel vm13, $0x0, v53;
	[tilespmem:$0xA0E0] =	vst v50;
	(erf) = vrcp.f32 v3;
	v3 =	vmax.f32 v57, $1.000000000e+00  }
0xba: {  	vm4 =	vgt.f32 v28, $0.0e+00;
	[tilespmem:$0xA0F0] =	vst v5;
	v63 =	vpop (erf);
	(erf) = vrcp.f32 v3;
	v3 =	vmax.f32 v60, $1.000000000e+00  }
0xbb: {  	v1 =	vnsel vm14, $0x0, v58;
	[tilespmem:$0xA110] =	vst v2;
	v2 =	vpop (erf);
	(erf) = vrcp.f32 v3;
	v3 =	vmax.f32 v62, $1.000000000e+00  }
0xbc: {  	vm5 =	vgt.f32 v33, $0.0e+00;
	[tilespmem:$0xA100] =	vst v1;
	v1 =	vnsel vm4, $0x0, v63  }
0xbd: {  	vm6 =	vgt.f32 v37, $0.0e+00;
	[tilespmem:$0xA120] =	vst v1;
	v1 =	vnsel vm5, $0x0, v2;
	v2 =	vpop (erf);
	(erf) = vrcp.f32 v3  }
0xbe: {  	vm7 =	vgt.f32 v40, $0.0e+00;
	[tilespmem:$0xA130] =	vst v1;
	v1 =	vnsel vm6, $0x0, v2;
	v3 =	vpop (erf)  }
0xbf: {  	vm8 =	vgt.f32 v44, $0.0e+00;
	[tilespmem:$0xA140] =	vst v1;
	v2 =	vpop (erf);
	v1 =	vnsel vm7, $0x0, v3  }
0xc0: {  	vm9 =	vgt.f32 v46, $0.0e+00;
	v3 =	vpop (erf);
	[tilespmem:$0xA150] =	vst v1;
	v1 =	vnsel vm8, $0x0, v2  }
0xc1: {  	vm10 =	vgt.f32 v49, $0.0e+00;
	v2 =	vpop (erf);
	[tilespmem:$0xA160] =	vst v1;
	v1 =	vnsel vm9, $0x0, v3  }
0xc2: {  	vm11 =	vgt.f32 v52, $0.0e+00;
	v3 =	vpop (erf);
	[tilespmem:$0xA170] =	vst v1;
	v1 =	vnsel vm10, $0x0, v2  }
0xc3: {  	vm12 =	vgt.f32 v55, $0.0e+00;
	v2 =	vpop (erf);
	[tilespmem:$0xA180] =	vst v1;
	v1 =	vnsel vm11, $0x0, v3  }
0xc4: {  	vm13 =	vgt.f32 v57, $0.0e+00;
	v3 =	vpop (erf);
	[tilespmem:$0xA190] =	vst v1;
	v1 =	vnsel vm12, $0x0, v2  }
0xc5: {  	vm14 =	vgt.f32 v60, $0.0e+00;
	v2 =	vpop (erf);
	[tilespmem:$0xA1A0] =	vst v1;
	v1 =	vnsel vm13, $0x0, v3  }
0xc6: {  	vm15 =	vgt.f32 v62, $0.0e+00;
	[tilespmem:$0xA1B0] =	vst v1;
	v1 =	vnsel vm14, $0x0, v2;
	v2 =	vpop (erf)  }
0xc7: {  	[tilespmem:$0xA1C0] =	vst v1;
	v1 =	vnsel vm15, $0x0, v2  }
.Ltmp3:
0xc8: {  	[tilespmem:$0xA1D0] =	vst v1;
	(pc) =	sbr.rel .LBB2_4-.Ltmp3, $4  }
0xc9: {  	[hbm4b:s8+s5] =	stream.linear.scatter [tilespmem:s15], [sflag:$0x1], $0x280, $0x38;
	[tilespmem:$0xA1E0] =	vst v63  }
0xca: {  	_ =	swait.ge [sflag:s14], $0x280  }
0xcb: {  	[sflag:s14] =	ssyncset.done $0x0  }
0xcc: {  	[sflag:s14] =	ssyncadd.s32 $0xFFFFFD80  }
.LBB2_5:
0xcd: {  	_ =	sfence.sel $0x180000  }
0xce: {  	[bflag:$0x0] =	sbarrier.arrive $0xFFFF  }
0xcf: {  	p0 =	sne.s32 s3, $0x0;
	_ =	strace $0x90000047  }
0xd0: {  	s0 =	sadd.s32 @!p0 $0x100000, s0;
	[bflag:$0x2] =	sbarrier.arrive $0xFFFF  }
0xd1: {  	[sflag:s0] =	ssyncadd.tile.s32 @!p0 $0x1;
	_ =	shalt  }
.Lfunc_end2:
_tile_overlayer_lowered:
.L_overlay_start_2:
0xd2: {  	(tag) =	ssettag $0x2  }
0xd3: {  	s0 =	rddreg [dreg:$0x0];
	s2 =	stileid.u32  }
0xd4: {  	s1 =	rddreg [dreg:$0x1];
	p0 =	sne.s32 s2, $0x0  }
0xd5: {  	s3 =	rddreg [dreg:$0x2];
	[bflag:$0x3] =	sbarrier.arrive $0xFFFF;
	s2 =	simm.s32 @!p0 $0x1C01  }
0xd6: {  	[timem:s3], [sflag:s2] =	dma.local @!p0 [hbm:s0], s1  }
0xd7: {  	s0 =	simm.s32 @!p0 $0x1  }
0xd8: {  	_ =	swait.ge @!p0 [sflag:s0], s1  }
0xd9: {  	s1 =	ssub.s32 @!p0 $0x0, s1;
	[sflag:s0] =	ssyncset.done @!p0 $0x0  }
0xda: {  	[sflag:s0] =	ssyncadd.s32 @!p0 s1  }
0xdb: {  	[bflag:$0x3] =	sbarrier.arrive $0xFFFF  }
0xdc: {  	_ =	shalt  }

</sc_bundles>
